<compile_context>
chip_gen: v7x
topology: tpu7x:2x2x1
jax: 0.10.2.dev20260603
libtpu: 0.0.44.dev20260713+nightly
codegen_flags: <defaults>
</compile_context>

<pallas_src>
import functools
import jax
import jax.numpy as jnp
from jax import lax
from jax.experimental import pallas as pl
from jax.experimental.pallas import tpu as pltpu
from jax.experimental.pallas import tpu_sc as plsc

_K = 32
_S = 250
_B = 2
_NPL = _B * _S
_NW = 32
_NDROP = 4
_SEGS = tuple(range(0, 240, 16)) + (_S - 16,)


@functools.partial(
    pl.kernel,
    out_type=jax.ShapeDtypeStruct((_B, _S, _S, _S), jnp.float32),
    mesh=plsc.VectorSubcoreMesh(core_axis_name="c", subcore_axis_name="s"),
    scratch_types=[
        pltpu.VMEM((_S, _S), jnp.float32),
        pltpu.VMEM((16,), jnp.int32),
        pltpu.VMEM((_NDROP, _S), jnp.float32),
    ],
)
def _sc_run(x_hbm, drop_hbm, masks_hbm, out_hbm, buf, idxv, maskv):
    wid = lax.axis_index("s") * 2 + lax.axis_index("c")
    pltpu.sync_copy(drop_hbm, idxv)
    pltpu.sync_copy(masks_hbm, maskv)
    v = idxv[...]
    params = []
    for n in range(_NDROP):
        p = v[n]
        params.append((p // 64, (p // 8) % 8))

    def plane_body(k, carry):
        pidx = wid + _NW * k

        @pl.when(pidx < _NPL)
        def _():
            b = pidx // _S
            dd = pidx % _S
            pltpu.sync_copy(x_hbm.at[b, dd], buf)
            for n in range(_NDROP):
                pd, ph = params[n]
                dtouch = (dd >= pd * _K) & (dd < pd * _K + _K)

                @pl.when(dtouch)
                def _(n=n, ph=ph):
                    def rowbody(r, c):
                        for off in _SEGS:
                            buf[r, pl.ds(off, 16)] = (
                                buf[r, pl.ds(off, 16)]
                                * maskv[n, pl.ds(off, 16)]
                            )
                        return c

                    lax.fori_loop(
                        ph * _K, jnp.minimum(_S, ph * _K + _K), rowbody, 0
                    )

            pltpu.sync_copy(buf, out_hbm.at[b, dd])

        return carry

    lax.fori_loop(0, -(-_NPL // _NW), plane_body, 0)


def kernel(x, drop_idx):
    di = drop_idx.astype(jnp.int32)
    x4 = x.reshape(_B, _S, _S, _S)
    dv = jnp.zeros((16,), jnp.int32).at[:_NDROP].set(di)
    w = jnp.arange(_S, dtype=jnp.int32)[None, :]
    pw = (di % 8)[:, None]
    masks = jnp.where((w >= pw * _K) & (w < pw * _K + _K), 0.0, 1.0).astype(
        jnp.float32
    )
    out = _sc_run(x4, dv, masks)
    return out.reshape(x.shape)

# --- scband reference (transcript-rebuilt; emitter-appended) ---
"""Pipeline reference for scband-random-inpaint-76003741270476 (READ-ONLY COPY).

The authoritative reference and input builder live on the scoring server;
editing this copy changes nothing except your own understanding.
"""

import jax, jax.numpy as jnp
import numpy as np

KERNEL = (32, 32, 32)
NB_DROP = 4


def _unfold(x, kernel):
    # [B, C, D, H, W] -> [B, C, N, kd, kh, kw] (collapsed patch dim)
    B, C, D, H, W = x.shape
    kd, kh, kw = kernel
    x = x.reshape(B, C, D // kd, kd, H // kh, kh, W // kw, kw)
    x = x.transpose(0, 1, 2, 4, 6, 3, 5, 7)
    x = x.reshape(B, C, (D // kd) * (H // kh) * (W // kw), kd, kh, kw)
    return x


def _fold(x, kernel, pshape):
    # [B, C, N, kd, kh, kw] -> [B, C, *pshape]
    B, C = x.shape[0], x.shape[1]
    kd, kh, kw = kernel
    nd, nh, nw = pshape[0] // kd, pshape[1] // kh, pshape[2] // kw
    x = x.reshape(B, C, nd, nh, nw, kd, kh, kw)
    x = x.transpose(0, 1, 2, 5, 3, 6, 4, 7)
    x = x.reshape(B, C, pshape[0], pshape[1], pshape[2])
    return x


def setup_inputs(seed: int = 0) -> dict:
    key = jax.random.key(seed)
    k1, k2 = jax.random.split(key)
    x = jax.random.normal(k1, (2, 1, 250, 250, 250), dtype=jnp.float32)
    shape = (250, 250, 250)
    pshape = [s + (k - s % k) for s, k in zip(shape, KERNEL)]
    n_patches = int(np.prod([p // k for p, k in zip(pshape, KERNEL)]))
    # torch.randint(low=0, high=n_patches-1) -> values in [0, n_patches-2]
    drop_idx = jax.random.randint(k2, (NB_DROP,), 0, n_patches - 1, dtype=jnp.int64 if jax.config.jax_enable_x64 else jnp.int32)
    return {"x": x, "drop_idx": drop_idx}


def reference(x, drop_idx):
    shape = x.shape[2:]
    # pshape = s + (k - s % k)  (note: always pads, even if divisible, matching original)
    pshape = tuple(s + (k - s % k) for s, k in zip(shape, KERNEL))
    pad = [(0, 0), (0, 0)] + [(0, p - s) for p, s in zip(pshape, shape)]
    x = jnp.pad(x, pad)
    for n in range(NB_DROP):
        xu = _unfold(x, KERNEL)
        xu = xu.at[:, :, drop_idx[n]].set(0.0)  # scatter-overwrite one random patch
        x = _fold(xu, KERNEL, pshape)
    x = x[:, :, :shape[0], :shape[1], :shape[2]]
    return x

if __name__ == "__main__":
    import jax
    _d = setup_inputs()
    print(jax.jit(kernel)(*tuple(_d.values())))

</pallas_src>

<mosaic_0001>
#map = affine_map<(d0, d1) -> (0, 0, 0, 0)>
#map1 = affine_map<(d0, d1) -> (0)>
#map2 = affine_map<(d0, d1) -> (0, 0)>
module attributes {stable_mosaic.version = 14 : i64} {
  func.func @_sc_run(%arg0: i32, %arg1: i32, %arg2: memref<2x250x250x250xf32, #tpu.memory_space<hbm>>, %arg3: memref<16xi32, #tpu.memory_space<hbm>>, %arg4: memref<4x250xf32, #tpu.memory_space<hbm>>, %arg5: memref<2x250x250x250xf32, #tpu.memory_space<hbm>>, %arg6: memref<250x250xf32, #tpu.memory_space<vmem>>, %arg7: memref<16xi32, #tpu.memory_space<vmem>>, %arg8: memref<4x250xf32, #tpu.memory_space<vmem>>) attributes {dimension_semantics = [#tpu.dimension_semantics<core_parallel>, #tpu.dimension_semantics<subcore_parallel>], iteration_bounds = array<i64: 2, 16>, scalar_prefetch = 0 : i64, scratch_operands = 3 : i64, tpu.core_type = #tpu.core_type<sc_vector_subcore>, window_params = [{transform_indices = #map}, {transform_indices = #map1}, {transform_indices = #map2}, {transform_indices = #map}]} {
    %mul3A = arith.constant 2 : i32
    %mul3A_0 = arith.muli %arg1, %mul3A : i32
    %add3A = arith.addi %mul3A_0, %arg0 : i32
    "tpu.region"() ({
      %run_scoped3A = tpu.sem_alloc : memref<!tpu.dma_semaphore, #tpu.memory_space<semaphore_mem>>
      tpu.enqueue_dma source(%arg3 : memref<16xi32, #tpu.memory_space<hbm>>) target(%arg7 : memref<16xi32, #tpu.memory_space<vmem>>) target_semaphore(%run_scoped3A : memref<!tpu.dma_semaphore, #tpu.memory_space<semaphore_mem>>)
      tpu.wait_dma2 semaphore(%run_scoped3A : memref<!tpu.dma_semaphore, #tpu.memory_space<semaphore_mem>>) src(%arg3 : memref<16xi32, #tpu.memory_space<hbm>>) dst(%arg7 : memref<16xi32, #tpu.memory_space<vmem>>)
      tpu.yield
    }) : () -> ()
    "tpu.region"() ({
      %run_scoped3A = tpu.sem_alloc : memref<!tpu.dma_semaphore, #tpu.memory_space<semaphore_mem>>
      tpu.enqueue_dma source(%arg4 : memref<4x250xf32, #tpu.memory_space<hbm>>) target(%arg8 : memref<4x250xf32, #tpu.memory_space<vmem>>) target_semaphore(%run_scoped3A : memref<!tpu.dma_semaphore, #tpu.memory_space<semaphore_mem>>)
      tpu.wait_dma2 semaphore(%run_scoped3A : memref<!tpu.dma_semaphore, #tpu.memory_space<semaphore_mem>>) src(%arg4 : memref<4x250xf32, #tpu.memory_space<hbm>>) dst(%arg8 : memref<4x250xf32, #tpu.memory_space<vmem>>)
      tpu.yield
    }) : () -> ()
    %get3A = arith.constant 0 : index
    %get3A_1 = tpu.vector_load %arg7[%get3A] {strides = array<i32>} : memref<16xi32, #tpu.memory_space<vmem>>, vector<16xi32>,
    %get3A_2 = vector.shape_cast %get3A_1 : vector<16xi32> to vector<16xi32>
    %slice3A = vector.extract_strided_slice %get3A_2 {offsets = [0], sizes = [1], strides = [1]} : vector<16xi32> to vector<1xi32>
    %squeeze3A = vector.extract %slice3A[0] : i32 from vector<1xi32>
    %jit3A = arith.constant 64 : i32
    %div3A = arith.divsi %squeeze3A, %jit3A : i32
    %sign3A = arith.constant 0 : i32
    %sign3A_3 = arith.cmpi sgt, %squeeze3A, %sign3A : i32
    %sign3A_4 = arith.extui %sign3A_3 : i1 to i32
    %sign3A_5 = arith.constant 0 : i32
    %sign3A_6 = arith.cmpi slt, %squeeze3A, %sign3A_5 : i32
    %sign3A_7 = arith.extui %sign3A_6 : i1 to i32
    %sign3A_8 = arith.subi %sign3A_4, %sign3A_7 : i32
    %sign3A_9 = arith.constant 0 : i32
    %sign3A_10 = arith.cmpi sgt, %jit3A, %sign3A_9 : i32
    %sign3A_11 = arith.extui %sign3A_10 : i1 to i32
    %sign3A_12 = arith.constant 0 : i32
    %sign3A_13 = arith.cmpi slt, %jit3A, %sign3A_12 : i32
    %sign3A_14 = arith.extui %sign3A_13 : i1 to i32
    %sign3A_15 = arith.subi %sign3A_11, %sign3A_14 : i32
    %ne3A = arith.cmpi ne, %sign3A_8, %sign3A_15 : i32
    %rem3A = arith.remsi %squeeze3A, %jit3A : i32
    %ne3A_16 = arith.constant 0 : i32
    %ne3A_17 = arith.cmpi ne, %rem3A, %ne3A_16 : i32
    %and3A = arith.andi %ne3A, %ne3A_17 : i1
    %sub3A = arith.constant 1 : i32
    %sub3A_18 = arith.subi %div3A, %sub3A : i32
    %select_n3A = arith.select %and3A, %sub3A_18, %div3A : i32
    %jit3A_19 = arith.constant 8 : i32
    %div3A_20 = arith.divsi %squeeze3A, %jit3A_19 : i32
    %sign3A_21 = arith.constant 0 : i32
    %sign3A_22 = arith.cmpi sgt, %squeeze3A, %sign3A_21 : i32
    %sign3A_23 = arith.extui %sign3A_22 : i1 to i32
    %sign3A_24 = arith.constant 0 : i32
    %sign3A_25 = arith.cmpi slt, %squeeze3A, %sign3A_24 : i32
    %sign3A_26 = arith.extui %sign3A_25 : i1 to i32
    %sign3A_27 = arith.subi %sign3A_23, %sign3A_26 : i32
    %sign3A_28 = arith.constant 0 : i32
    %sign3A_29 = arith.cmpi sgt, %jit3A_19, %sign3A_28 : i32
    %sign3A_30 = arith.extui %sign3A_29 : i1 to i32
    %sign3A_31 = arith.constant 0 : i32
    %sign3A_32 = arith.cmpi slt, %jit3A_19, %sign3A_31 : i32
    %sign3A_33 = arith.extui %sign3A_32 : i1 to i32
    %sign3A_34 = arith.subi %sign3A_30, %sign3A_33 : i32
    %ne3A_35 = arith.cmpi ne, %sign3A_27, %sign3A_34 : i32
    %rem3A_36 = arith.remsi %squeeze3A, %jit3A_19 : i32
    %ne3A_37 = arith.constant 0 : i32
    %ne3A_38 = arith.cmpi ne, %rem3A_36, %ne3A_37 : i32
    %and3A_39 = arith.andi %ne3A_35, %ne3A_38 : i1
    %sub3A_40 = arith.constant 1 : i32
    %sub3A_41 = arith.subi %div3A_20, %sub3A_40 : i32
    %select_n3A_42 = arith.select %and3A_39, %sub3A_41, %div3A_20 : i32
    %jit3A_43 = arith.constant 8 : i32
    %eq3A = arith.constant 0 : i32
    %eq3A_44 = arith.cmpi eq, %jit3A_43, %eq3A : i32
    %jit3A_45 = arith.constant 1 : i32
    %select_n3A_46 = arith.select %eq3A_44, %jit3A_45, %jit3A_43 : i32
    %rem3A_47 = arith.remsi %select_n3A_42, %select_n3A_46 : i32
    %ne3A_48 = arith.constant 0 : i32
    %ne3A_49 = arith.cmpi ne, %rem3A_47, %ne3A_48 : i32
    %lt3A = arith.constant 0 : i32
    %lt3A_50 = arith.cmpi slt, %rem3A_47, %lt3A : i32
    %lt3A_51 = arith.constant 0 : i32
    %lt3A_52 = arith.cmpi slt, %select_n3A_46, %lt3A_51 : i32
    %ne3A_53 = arith.xori %lt3A_50, %lt3A_52 : i1
    %and3A_54 = arith.andi %ne3A_53, %ne3A_49 : i1
    %add3A_55 = arith.addi %rem3A_47, %select_n3A_46 : i32
    %select_n3A_56 = arith.select %and3A_54, %add3A_55, %rem3A_47 : i32
    %slice3A_57 = vector.extract_strided_slice %get3A_2 {offsets = [1], sizes = [1], strides = [1]} : vector<16xi32> to vector<1xi32>
    %squeeze3A_58 = vector.extract %slice3A_57[0] : i32 from vector<1xi32>
    %jit3A_59 = arith.constant 64 : i32
    %div3A_60 = arith.divsi %squeeze3A_58, %jit3A_59 : i32
    %sign3A_61 = arith.constant 0 : i32
    %sign3A_62 = arith.cmpi sgt, %squeeze3A_58, %sign3A_61 : i32
    %sign3A_63 = arith.extui %sign3A_62 : i1 to i32
    %sign3A_64 = arith.constant 0 : i32
    %sign3A_65 = arith.cmpi slt, %squeeze3A_58, %sign3A_64 : i32
    %sign3A_66 = arith.extui %sign3A_65 : i1 to i32
    %sign3A_67 = arith.subi %sign3A_63, %sign3A_66 : i32
    %sign3A_68 = arith.constant 0 : i32
    %sign3A_69 = arith.cmpi sgt, %jit3A_59, %sign3A_68 : i32
    %sign3A_70 = arith.extui %sign3A_69 : i1 to i32
    %sign3A_71 = arith.constant 0 : i32
    %sign3A_72 = arith.cmpi slt, %jit3A_59, %sign3A_71 : i32
    %sign3A_73 = arith.extui %sign3A_72 : i1 to i32
    %sign3A_74 = arith.subi %sign3A_70, %sign3A_73 : i32
    %ne3A_75 = arith.cmpi ne, %sign3A_67, %sign3A_74 : i32
    %rem3A_76 = arith.remsi %squeeze3A_58, %jit3A_59 : i32
    %ne3A_77 = arith.constant 0 : i32
    %ne3A_78 = arith.cmpi ne, %rem3A_76, %ne3A_77 : i32
    %and3A_79 = arith.andi %ne3A_75, %ne3A_78 : i1
    %sub3A_80 = arith.constant 1 : i32
    %sub3A_81 = arith.subi %div3A_60, %sub3A_80 : i32
    %select_n3A_82 = arith.select %and3A_79, %sub3A_81, %div3A_60 : i32
    %jit3A_83 = arith.constant 8 : i32
    %div3A_84 = arith.divsi %squeeze3A_58, %jit3A_83 : i32
    %sign3A_85 = arith.constant 0 : i32
    %sign3A_86 = arith.cmpi sgt, %squeeze3A_58, %sign3A_85 : i32
    %sign3A_87 = arith.extui %sign3A_86 : i1 to i32
    %sign3A_88 = arith.constant 0 : i32
    %sign3A_89 = arith.cmpi slt, %squeeze3A_58, %sign3A_88 : i32
    %sign3A_90 = arith.extui %sign3A_89 : i1 to i32
    %sign3A_91 = arith.subi %sign3A_87, %sign3A_90 : i32
    %sign3A_92 = arith.constant 0 : i32
    %sign3A_93 = arith.cmpi sgt, %jit3A_83, %sign3A_92 : i32
    %sign3A_94 = arith.extui %sign3A_93 : i1 to i32
    %sign3A_95 = arith.constant 0 : i32
    %sign3A_96 = arith.cmpi slt, %jit3A_83, %sign3A_95 : i32
    %sign3A_97 = arith.extui %sign3A_96 : i1 to i32
    %sign3A_98 = arith.subi %sign3A_94, %sign3A_97 : i32
    %ne3A_99 = arith.cmpi ne, %sign3A_91, %sign3A_98 : i32
    %rem3A_100 = arith.remsi %squeeze3A_58, %jit3A_83 : i32
    %ne3A_101 = arith.constant 0 : i32
    %ne3A_102 = arith.cmpi ne, %rem3A_100, %ne3A_101 : i32
    %and3A_103 = arith.andi %ne3A_99, %ne3A_102 : i1
    %sub3A_104 = arith.constant 1 : i32
    %sub3A_105 = arith.subi %div3A_84, %sub3A_104 : i32
    %select_n3A_106 = arith.select %and3A_103, %sub3A_105, %div3A_84 : i32
    %jit3A_107 = arith.constant 8 : i32
    %eq3A_108 = arith.constant 0 : i32
    %eq3A_109 = arith.cmpi eq, %jit3A_107, %eq3A_108 : i32
    %jit3A_110 = arith.constant 1 : i32
    %select_n3A_111 = arith.select %eq3A_109, %jit3A_110, %jit3A_107 : i32
    %rem3A_112 = arith.remsi %select_n3A_106, %select_n3A_111 : i32
    %ne3A_113 = arith.constant 0 : i32
    %ne3A_114 = arith.cmpi ne, %rem3A_112, %ne3A_113 : i32
    %lt3A_115 = arith.constant 0 : i32
    %lt3A_116 = arith.cmpi slt, %rem3A_112, %lt3A_115 : i32
    %lt3A_117 = arith.constant 0 : i32
    %lt3A_118 = arith.cmpi slt, %select_n3A_111, %lt3A_117 : i32
    %ne3A_119 = arith.xori %lt3A_116, %lt3A_118 : i1
    %and3A_120 = arith.andi %ne3A_119, %ne3A_114 : i1
    %add3A_121 = arith.addi %rem3A_112, %select_n3A_111 : i32
    %select_n3A_122 = arith.select %and3A_120, %add3A_121, %rem3A_112 : i32
    %slice3A_123 = vector.extract_strided_slice %get3A_2 {offsets = [2], sizes = [1], strides = [1]} : vector<16xi32> to vector<1xi32>
    %squeeze3A_124 = vector.extract %slice3A_123[0] : i32 from vector<1xi32>
    %jit3A_125 = arith.constant 64 : i32
    %div3A_126 = arith.divsi %squeeze3A_124, %jit3A_125 : i32
    %sign3A_127 = arith.constant 0 : i32
    %sign3A_128 = arith.cmpi sgt, %squeeze3A_124, %sign3A_127 : i32
    %sign3A_129 = arith.extui %sign3A_128 : i1 to i32
    %sign3A_130 = arith.constant 0 : i32
    %sign3A_131 = arith.cmpi slt, %squeeze3A_124, %sign3A_130 : i32
    %sign3A_132 = arith.extui %sign3A_131 : i1 to i32
    %sign3A_133 = arith.subi %sign3A_129, %sign3A_132 : i32
    %sign3A_134 = arith.constant 0 : i32
    %sign3A_135 = arith.cmpi sgt, %jit3A_125, %sign3A_134 : i32
    %sign3A_136 = arith.extui %sign3A_135 : i1 to i32
    %sign3A_137 = arith.constant 0 : i32
    %sign3A_138 = arith.cmpi slt, %jit3A_125, %sign3A_137 : i32
    %sign3A_139 = arith.extui %sign3A_138 : i1 to i32
    %sign3A_140 = arith.subi %sign3A_136, %sign3A_139 : i32
    %ne3A_141 = arith.cmpi ne, %sign3A_133, %sign3A_140 : i32
    %rem3A_142 = arith.remsi %squeeze3A_124, %jit3A_125 : i32
    %ne3A_143 = arith.constant 0 : i32
    %ne3A_144 = arith.cmpi ne, %rem3A_142, %ne3A_143 : i32
    %and3A_145 = arith.andi %ne3A_141, %ne3A_144 : i1
    %sub3A_146 = arith.constant 1 : i32
    %sub3A_147 = arith.subi %div3A_126, %sub3A_146 : i32
    %select_n3A_148 = arith.select %and3A_145, %sub3A_147, %div3A_126 : i32
    %jit3A_149 = arith.constant 8 : i32
    %div3A_150 = arith.divsi %squeeze3A_124, %jit3A_149 : i32
    %sign3A_151 = arith.constant 0 : i32
    %sign3A_152 = arith.cmpi sgt, %squeeze3A_124, %sign3A_151 : i32
    %sign3A_153 = arith.extui %sign3A_152 : i1 to i32
    %sign3A_154 = arith.constant 0 : i32
    %sign3A_155 = arith.cmpi slt, %squeeze3A_124, %sign3A_154 : i32
    %sign3A_156 = arith.extui %sign3A_155 : i1 to i32
    %sign3A_157 = arith.subi %sign3A_153, %sign3A_156 : i32
    %sign3A_158 = arith.constant 0 : i32
    %sign3A_159 = arith.cmpi sgt, %jit3A_149, %sign3A_158 : i32
    %sign3A_160 = arith.extui %sign3A_159 : i1 to i32
    %sign3A_161 = arith.constant 0 : i32
    %sign3A_162 = arith.cmpi slt, %jit3A_149, %sign3A_161 : i32
    %sign3A_163 = arith.extui %sign3A_162 : i1 to i32
    %sign3A_164 = arith.subi %sign3A_160, %sign3A_163 : i32
    %ne3A_165 = arith.cmpi ne, %sign3A_157, %sign3A_164 : i32
    %rem3A_166 = arith.remsi %squeeze3A_124, %jit3A_149 : i32
    %ne3A_167 = arith.constant 0 : i32
    %ne3A_168 = arith.cmpi ne, %rem3A_166, %ne3A_167 : i32
    %and3A_169 = arith.andi %ne3A_165, %ne3A_168 : i1
    %sub3A_170 = arith.constant 1 : i32
    %sub3A_171 = arith.subi %div3A_150, %sub3A_170 : i32
    %select_n3A_172 = arith.select %and3A_169, %sub3A_171, %div3A_150 : i32
    %jit3A_173 = arith.constant 8 : i32
    %eq3A_174 = arith.constant 0 : i32
    %eq3A_175 = arith.cmpi eq, %jit3A_173, %eq3A_174 : i32
    %jit3A_176 = arith.constant 1 : i32
    %select_n3A_177 = arith.select %eq3A_175, %jit3A_176, %jit3A_173 : i32
    %rem3A_178 = arith.remsi %select_n3A_172, %select_n3A_177 : i32
    %ne3A_179 = arith.constant 0 : i32
    %ne3A_180 = arith.cmpi ne, %rem3A_178, %ne3A_179 : i32
    %lt3A_181 = arith.constant 0 : i32
    %lt3A_182 = arith.cmpi slt, %rem3A_178, %lt3A_181 : i32
    %lt3A_183 = arith.constant 0 : i32
    %lt3A_184 = arith.cmpi slt, %select_n3A_177, %lt3A_183 : i32
    %ne3A_185 = arith.xori %lt3A_182, %lt3A_184 : i1
    %and3A_186 = arith.andi %ne3A_185, %ne3A_180 : i1
    %add3A_187 = arith.addi %rem3A_178, %select_n3A_177 : i32
    %select_n3A_188 = arith.select %and3A_186, %add3A_187, %rem3A_178 : i32
    %slice3A_189 = vector.extract_strided_slice %get3A_2 {offsets = [3], sizes = [1], strides = [1]} : vector<16xi32> to vector<1xi32>
    %squeeze3A_190 = vector.extract %slice3A_189[0] : i32 from vector<1xi32>
    %jit3A_191 = arith.constant 64 : i32
    %div3A_192 = arith.divsi %squeeze3A_190, %jit3A_191 : i32
    %sign3A_193 = arith.constant 0 : i32
    %sign3A_194 = arith.cmpi sgt, %squeeze3A_190, %sign3A_193 : i32
    %sign3A_195 = arith.extui %sign3A_194 : i1 to i32
    %sign3A_196 = arith.constant 0 : i32
    %sign3A_197 = arith.cmpi slt, %squeeze3A_190, %sign3A_196 : i32
    %sign3A_198 = arith.extui %sign3A_197 : i1 to i32
    %sign3A_199 = arith.subi %sign3A_195, %sign3A_198 : i32
    %sign3A_200 = arith.constant 0 : i32
    %sign3A_201 = arith.cmpi sgt, %jit3A_191, %sign3A_200 : i32
    %sign3A_202 = arith.extui %sign3A_201 : i1 to i32
    %sign3A_203 = arith.constant 0 : i32
    %sign3A_204 = arith.cmpi slt, %jit3A_191, %sign3A_203 : i32
    %sign3A_205 = arith.extui %sign3A_204 : i1 to i32
    %sign3A_206 = arith.subi %sign3A_202, %sign3A_205 : i32
    %ne3A_207 = arith.cmpi ne, %sign3A_199, %sign3A_206 : i32
    %rem3A_208 = arith.remsi %squeeze3A_190, %jit3A_191 : i32
    %ne3A_209 = arith.constant 0 : i32
    %ne3A_210 = arith.cmpi ne, %rem3A_208, %ne3A_209 : i32
    %and3A_211 = arith.andi %ne3A_207, %ne3A_210 : i1
    %sub3A_212 = arith.constant 1 : i32
    %sub3A_213 = arith.subi %div3A_192, %sub3A_212 : i32
    %select_n3A_214 = arith.select %and3A_211, %sub3A_213, %div3A_192 : i32
    %jit3A_215 = arith.constant 8 : i32
    %div3A_216 = arith.divsi %squeeze3A_190, %jit3A_215 : i32
    %sign3A_217 = arith.constant 0 : i32
    %sign3A_218 = arith.cmpi sgt, %squeeze3A_190, %sign3A_217 : i32
    %sign3A_219 = arith.extui %sign3A_218 : i1 to i32
    %sign3A_220 = arith.constant 0 : i32
    %sign3A_221 = arith.cmpi slt, %squeeze3A_190, %sign3A_220 : i32
    %sign3A_222 = arith.extui %sign3A_221 : i1 to i32
    %sign3A_223 = arith.subi %sign3A_219, %sign3A_222 : i32
    %sign3A_224 = arith.constant 0 : i32
    %sign3A_225 = arith.cmpi sgt, %jit3A_215, %sign3A_224 : i32
    %sign3A_226 = arith.extui %sign3A_225 : i1 to i32
    %sign3A_227 = arith.constant 0 : i32
    %sign3A_228 = arith.cmpi slt, %jit3A_215, %sign3A_227 : i32
    %sign3A_229 = arith.extui %sign3A_228 : i1 to i32
    %sign3A_230 = arith.subi %sign3A_226, %sign3A_229 : i32
    %ne3A_231 = arith.cmpi ne, %sign3A_223, %sign3A_230 : i32
    %rem3A_232 = arith.remsi %squeeze3A_190, %jit3A_215 : i32
    %ne3A_233 = arith.constant 0 : i32
    %ne3A_234 = arith.cmpi ne, %rem3A_232, %ne3A_233 : i32
    %and3A_235 = arith.andi %ne3A_231, %ne3A_234 : i1
    %sub3A_236 = arith.constant 1 : i32
    %sub3A_237 = arith.subi %div3A_216, %sub3A_236 : i32
    %select_n3A_238 = arith.select %and3A_235, %sub3A_237, %div3A_216 : i32
    %jit3A_239 = arith.constant 8 : i32
    %eq3A_240 = arith.constant 0 : i32
    %eq3A_241 = arith.cmpi eq, %jit3A_239, %eq3A_240 : i32
    %jit3A_242 = arith.constant 1 : i32
    %select_n3A_243 = arith.select %eq3A_241, %jit3A_242, %jit3A_239 : i32
    %rem3A_244 = arith.remsi %select_n3A_238, %select_n3A_243 : i32
    %ne3A_245 = arith.constant 0 : i32
    %ne3A_246 = arith.cmpi ne, %rem3A_244, %ne3A_245 : i32
    %lt3A_247 = arith.constant 0 : i32
    %lt3A_248 = arith.cmpi slt, %rem3A_244, %lt3A_247 : i32
    %lt3A_249 = arith.constant 0 : i32
    %lt3A_250 = arith.cmpi slt, %select_n3A_243, %lt3A_249 : i32
    %ne3A_251 = arith.xori %lt3A_248, %lt3A_250 : i1
    %and3A_252 = arith.andi %ne3A_251, %ne3A_246 : i1
    %add3A_253 = arith.addi %rem3A_244, %select_n3A_243 : i32
    %select_n3A_254 = arith.select %and3A_252, %add3A_253, %rem3A_244 : i32
    %scan3A = arith.constant 0 : i32
    %scan3A_255 = arith.constant 0 : i32
    %scan3A_256 = arith.constant 16 : i32
    %scan3A_257 = arith.addi %scan3A_255, %scan3A_256 : i32
    %scan3A_258 = arith.constant 1 : i32
    scf.for %scan3A_260 = %scan3A_255 to %scan3A_257 step %scan3A_258  : i32 {
      %mul3A_261 = arith.constant 32 : i32
      %mul3A_262 = arith.muli %mul3A_261, %scan3A_260 : i32
      %add3A_263 = arith.addi %add3A, %mul3A_262 : i32
      %lt3A_264 = arith.constant 500 : i32
      %lt3A_265 = arith.cmpi slt, %add3A_263, %lt3A_264 : i32
      %convert_element_type3A = arith.extui %lt3A_265 : i1 to i32
      %cond3A = arith.constant 0 : i32
      %cond3A_266 = arith.cmpi ne, %convert_element_type3A, %cond3A : i32
      scf.if %cond3A_266 {
        %jit3A_267 = arith.constant 250 : i32
        %div3A_268 = arith.divsi %add3A_263, %jit3A_267 : i32
        %sign3A_269 = arith.constant 0 : i32
        %sign3A_270 = arith.cmpi sgt, %add3A_263, %sign3A_269 : i32
        %sign3A_271 = arith.extui %sign3A_270 : i1 to i32
        %sign3A_272 = arith.constant 0 : i32
        %sign3A_273 = arith.cmpi slt, %add3A_263, %sign3A_272 : i32
        %sign3A_274 = arith.extui %sign3A_273 : i1 to i32
        %sign3A_275 = arith.subi %sign3A_271, %sign3A_274 : i32
        %sign3A_276 = arith.constant 0 : i32
        %sign3A_277 = arith.cmpi sgt, %jit3A_267, %sign3A_276 : i32
        %sign3A_278 = arith.extui %sign3A_277 : i1 to i32
        %sign3A_279 = arith.constant 0 : i32
        %sign3A_280 = arith.cmpi slt, %jit3A_267, %sign3A_279 : i32
        %sign3A_281 = arith.extui %sign3A_280 : i1 to i32
        %sign3A_282 = arith.subi %sign3A_278, %sign3A_281 : i32
        %ne3A_283 = arith.cmpi ne, %sign3A_275, %sign3A_282 : i32
        %rem3A_284 = arith.remsi %add3A_263, %jit3A_267 : i32
        %ne3A_285 = arith.constant 0 : i32
        %ne3A_286 = arith.cmpi ne, %rem3A_284, %ne3A_285 : i32
        %and3A_287 = arith.andi %ne3A_283, %ne3A_286 : i1
        %sub3A_288 = arith.constant 1 : i32
        %sub3A_289 = arith.subi %div3A_268, %sub3A_288 : i32
        %select_n3A_290 = arith.select %and3A_287, %sub3A_289, %div3A_268 : i32
        %jit3A_291 = arith.constant 250 : i32
        %eq3A_292 = arith.constant 0 : i32
        %eq3A_293 = arith.cmpi eq, %jit3A_291, %eq3A_292 : i32
        %jit3A_294 = arith.constant 1 : i32
        %select_n3A_295 = arith.select %eq3A_293, %jit3A_294, %jit3A_291 : i32
        %rem3A_296 = arith.remsi %add3A_263, %select_n3A_295 : i32
        %ne3A_297 = arith.constant 0 : i32
        %ne3A_298 = arith.cmpi ne, %rem3A_296, %ne3A_297 : i32
        %lt3A_299 = arith.constant 0 : i32
        %lt3A_300 = arith.cmpi slt, %rem3A_296, %lt3A_299 : i32
        %lt3A_301 = arith.constant 0 : i32
        %lt3A_302 = arith.cmpi slt, %select_n3A_295, %lt3A_301 : i32
        %ne3A_303 = arith.xori %lt3A_300, %lt3A_302 : i1
        %and3A_304 = arith.andi %ne3A_303, %ne3A_298 : i1
        %add3A_305 = arith.addi %rem3A_296, %select_n3A_295 : i32
        %select_n3A_306 = arith.select %and3A_304, %add3A_305, %rem3A_296 : i32
        "tpu.region"() ({
          %run_scoped3A = tpu.sem_alloc : memref<!tpu.dma_semaphore, #tpu.memory_space<semaphore_mem>>
          %dma_start3A = arith.constant 0 : i32
          %dma_start3A_354 = arith.constant 0 : i32
          %dma_start3A_355 = tpu.memref_slice %arg2[%select_n3A_290, %select_n3A_306, %dma_start3A, %dma_start3A_354] : memref<2x250x250x250xf32, #tpu.memory_space<hbm>> -> memref<1x1x250x250xf32, #tpu.memory_space<hbm>>
          %dma_start3A_356 = tpu.memref_squeeze %dma_start3A_355 : memref<1x1x250x250xf32, #tpu.memory_space<hbm>> -> memref<250x250xf32, #tpu.memory_space<hbm>>
          %dma_start3A_357 = arith.constant 0 : i32
          %dma_start3A_358 = arith.constant 0 : i32
          %dma_start3A_359 = tpu.memref_slice %arg2[%select_n3A_290, %select_n3A_306, %dma_start3A_357, %dma_start3A_358] : memref<2x250x250x250xf32, #tpu.memory_space<hbm>> -> memref<1x1x250x250xf32, #tpu.memory_space<hbm>>
          %dma_start3A_360 = tpu.memref_squeeze %dma_start3A_359 : memref<1x1x250x250xf32, #tpu.memory_space<hbm>> -> memref<250x250xf32, #tpu.memory_space<hbm>>
          tpu.enqueue_dma source(%dma_start3A_360 : memref<250x250xf32, #tpu.memory_space<hbm>>) target(%arg6 : memref<250x250xf32, #tpu.memory_space<vmem>>) target_semaphore(%run_scoped3A : memref<!tpu.dma_semaphore, #tpu.memory_space<semaphore_mem>>)
          %dma_wait3A = arith.constant 0 : i32
          %dma_wait3A_361 = arith.constant 0 : i32
          %dma_wait3A_362 = tpu.memref_slice %arg2[%select_n3A_290, %select_n3A_306, %dma_wait3A, %dma_wait3A_361] : memref<2x250x250x250xf32, #tpu.memory_space<hbm>> -> memref<1x1x250x250xf32, #tpu.memory_space<hbm>>
          %dma_wait3A_363 = tpu.memref_squeeze %dma_wait3A_362 : memref<1x1x250x250xf32, #tpu.memory_space<hbm>> -> memref<250x250xf32, #tpu.memory_space<hbm>>
          %dma_wait3A_364 = arith.constant 0 : i32
          %dma_wait3A_365 = arith.constant 0 : i32
          %dma_wait3A_366 = tpu.memref_slice %arg2[%select_n3A_290, %select_n3A_306, %dma_wait3A_364, %dma_wait3A_365] : memref<2x250x250x250xf32, #tpu.memory_space<hbm>> -> memref<1x1x250x250xf32, #tpu.memory_space<hbm>>
          %dma_wait3A_367 = tpu.memref_squeeze %dma_wait3A_366 : memref<1x1x250x250xf32, #tpu.memory_space<hbm>> -> memref<250x250xf32, #tpu.memory_space<hbm>>
          tpu.wait_dma2 semaphore(%run_scoped3A : memref<!tpu.dma_semaphore, #tpu.memory_space<semaphore_mem>>) src(%dma_wait3A_367 : memref<250x250xf32, #tpu.memory_space<hbm>>) dst(%arg6 : memref<250x250xf32, #tpu.memory_space<vmem>>)
          tpu.yield
        }) : () -> ()
        %mul3A_307 = arith.constant 32 : i32
        %mul3A_308 = arith.muli %select_n3A, %mul3A_307 : i32
        %ge3A = arith.cmpi sge, %select_n3A_306, %mul3A_308 : i32
        %mul3A_309 = arith.constant 32 : i32
        %mul3A_310 = arith.muli %select_n3A, %mul3A_309 : i32
        %add3A_311 = arith.constant 32 : i32
        %add3A_312 = arith.addi %mul3A_310, %add3A_311 : i32
        %lt3A_313 = arith.cmpi slt, %select_n3A_306, %add3A_312 : i32
        %and3A_314 = arith.andi %ge3A, %lt3A_313 : i1
        %convert_element_type3A_315 = arith.extui %and3A_314 : i1 to i32
        %cond3A_316 = arith.constant 0 : i32
        %cond3A_317 = arith.cmpi ne, %convert_element_type3A_315, %cond3A_316 : i32
        scf.if %cond3A_317 {
          %mul3A_354 = arith.constant 32 : i32
          %mul3A_355 = arith.muli %select_n3A_56, %mul3A_354 : i32
          %mul3A_356 = arith.constant 32 : i32
          %mul3A_357 = arith.muli %select_n3A_56, %mul3A_356 : i32
          %add3A_358 = arith.constant 32 : i32
          %add3A_359 = arith.addi %mul3A_357, %add3A_358 : i32
          %min3A = arith.constant 250 : i32
          %min3A_360 = arith.minsi %min3A, %add3A_359 : i32
          %while3A = arith.constant 0 : i32
          %while3A_361 = arith.subi %min3A_360, %mul3A_355 : i32
          %while3A_362 = arith.addi %mul3A_355, %while3A_361 : i32
          %while3A_363 = arith.constant 1 : i32
          %while3A_364 = arith.divsi %while3A_361, %while3A_363 : i32
          %while3A_365 = arith.muli %while3A_364, %while3A_363 : i32
          %while3A_366 = arith.addi %mul3A_355, %while3A_365 : i32
          %while3A_367 = arith.constant 1 : i32
          scf.for %while3A_369 = %mul3A_355 to %while3A_366 step %while3A_367  : i32 {
            %get3A_370 = arith.index_cast %while3A_369 : i32 to index
            %get3A_371 = arith.constant 0 : index
            %get3A_372 = tpu.vector_load %arg6[%get3A_370, %get3A_371] {strides = array<i32>} : memref<250x250xf32, #tpu.memory_space<vmem>>, vector<1x16xf32>,
            %get3A_373 = vector.shape_cast %get3A_372 : vector<1x16xf32> to vector<16xf32>
            %get3A_374 = arith.constant 0 : i32
            %get3A_375 = arith.index_cast %get3A_374 : i32 to index
            %get3A_376 = arith.constant 0 : index
            %get3A_377 = tpu.vector_load %arg8[%get3A_375, %get3A_376] {strides = array<i32>} : memref<4x250xf32, #tpu.memory_space<vmem>>, vector<1x16xf32>,
            %get3A_378 = vector.shape_cast %get3A_377 : vector<1x16xf32> to vector<16xf32>
            %mul3A_379 = arith.mulf %get3A_373, %get3A_378 : vector<16xf32>
            %swap3A = arith.index_cast %while3A_369 : i32 to index
            %swap3A_380 = arith.constant 0 : index
            %swap3A_381 = tpu.vector_load %arg6[%swap3A, %swap3A_380] {strides = array<i32>} : memref<250x250xf32, #tpu.memory_space<vmem>>, vector<1x16xf32>,
            %swap3A_382 = vector.shape_cast %swap3A_381 : vector<1x16xf32> to vector<16xf32>
            %swap3A_383 = vector.shape_cast %mul3A_379 : vector<16xf32> to vector<1x16xf32>
            tpu.vector_store %arg6[%swap3A, %swap3A_380], %swap3A_383 {strides = array<i32>} : memref<250x250xf32, #tpu.memory_space<vmem>>, vector<1x16xf32>,
            %get3A_384 = arith.index_cast %while3A_369 : i32 to index
            %get3A_385 = arith.constant 16 : index
            %get3A_386 = tpu.vector_load %arg6[%get3A_384, %get3A_385] {strides = array<i32>} : memref<250x250xf32, #tpu.memory_space<vmem>>, vector<1x16xf32>,
            %get3A_387 = vector.shape_cast %get3A_386 : vector<1x16xf32> to vector<16xf32>
            %get3A_388 = arith.constant 0 : i32
            %get3A_389 = arith.index_cast %get3A_388 : i32 to index
            %get3A_390 = arith.constant 16 : index
            %get3A_391 = tpu.vector_load %arg8[%get3A_389, %get3A_390] {strides = array<i32>} : memref<4x250xf32, #tpu.memory_space<vmem>>, vector<1x16xf32>,
            %get3A_392 = vector.shape_cast %get3A_391 : vector<1x16xf32> to vector<16xf32>
            %mul3A_393 = arith.mulf %get3A_387, %get3A_392 : vector<16xf32>
            %swap3A_394 = arith.index_cast %while3A_369 : i32 to index
            %swap3A_395 = arith.constant 16 : index
            %swap3A_396 = tpu.vector_load %arg6[%swap3A_394, %swap3A_395] {strides = array<i32>} : memref<250x250xf32, #tpu.memory_space<vmem>>, vector<1x16xf32>,
            %swap3A_397 = vector.shape_cast %swap3A_396 : vector<1x16xf32> to vector<16xf32>
            %swap3A_398 = vector.shape_cast %mul3A_393 : vector<16xf32> to vector<1x16xf32>
            tpu.vector_store %arg6[%swap3A_394, %swap3A_395], %swap3A_398 {strides = array<i32>} : memref<250x250xf32, #tpu.memory_space<vmem>>, vector<1x16xf32>,
            %get3A_399 = arith.index_cast %while3A_369 : i32 to index
            %get3A_400 = arith.constant 32 : index
            %get3A_401 = tpu.vector_load %arg6[%get3A_399, %get3A_400] {strides = array<i32>} : memref<250x250xf32, #tpu.memory_space<vmem>>, vector<1x16xf32>,
            %get3A_402 = vector.shape_cast %get3A_401 : vector<1x16xf32> to vector<16xf32>
            %get3A_403 = arith.constant 0 : i32
            %get3A_404 = arith.index_cast %get3A_403 : i32 to index
            %get3A_405 = arith.constant 32 : index
            %get3A_406 = tpu.vector_load %arg8[%get3A_404, %get3A_405] {strides = array<i32>} : memref<4x250xf32, #tpu.memory_space<vmem>>, vector<1x16xf32>,
            %get3A_407 = vector.shape_cast %get3A_406 : vector<1x16xf32> to vector<16xf32>
            %mul3A_408 = arith.mulf %get3A_402, %get3A_407 : vector<16xf32>
            %swap3A_409 = arith.index_cast %while3A_369 : i32 to index
            %swap3A_410 = arith.constant 32 : index
            %swap3A_411 = tpu.vector_load %arg6[%swap3A_409, %swap3A_410] {strides = array<i32>} : memref<250x250xf32, #tpu.memory_space<vmem>>, vector<1x16xf32>,
            %swap3A_412 = vector.shape_cast %swap3A_411 : vector<1x16xf32> to vector<16xf32>
            %swap3A_413 = vector.shape_cast %mul3A_408 : vector<16xf32> to vector<1x16xf32>
            tpu.vector_store %arg6[%swap3A_409, %swap3A_410], %swap3A_413 {strides = array<i32>} : memref<250x250xf32, #tpu.memory_space<vmem>>, vector<1x16xf32>,
            %get3A_414 = arith.index_cast %while3A_369 : i32 to index
            %get3A_415 = arith.constant 48 : index
            %get3A_416 = tpu.vector_load %arg6[%get3A_414, %get3A_415] {strides = array<i32>} : memref<250x250xf32, #tpu.memory_space<vmem>>, vector<1x16xf32>,
            %get3A_417 = vector.shape_cast %get3A_416 : vector<1x16xf32> to vector<16xf32>
            %get3A_418 = arith.constant 0 : i32
            %get3A_419 = arith.index_cast %get3A_418 : i32 to index
            %get3A_420 = arith.constant 48 : index
            %get3A_421 = tpu.vector_load %arg8[%get3A_419, %get3A_420] {strides = array<i32>} : memref<4x250xf32, #tpu.memory_space<vmem>>, vector<1x16xf32>,
            %get3A_422 = vector.shape_cast %get3A_421 : vector<1x16xf32> to vector<16xf32>
            %mul3A_423 = arith.mulf %get3A_417, %get3A_422 : vector<16xf32>
            %swap3A_424 = arith.index_cast %while3A_369 : i32 to index
            %swap3A_425 = arith.constant 48 : index
            %swap3A_426 = tpu.vector_load %arg6[%swap3A_424, %swap3A_425] {strides = array<i32>} : memref<250x250xf32, #tpu.memory_space<vmem>>, vector<1x16xf32>,
            %swap3A_427 = vector.shape_cast %swap3A_426 : vector<1x16xf32> to vector<16xf32>
            %swap3A_428 = vector.shape_cast %mul3A_423 : vector<16xf32> to vector<1x16xf32>
            tpu.vector_store %arg6[%swap3A_424, %swap3A_425], %swap3A_428 {strides = array<i32>} : memref<250x250xf32, #tpu.memory_space<vmem>>, vector<1x16xf32>,
            %get3A_429 = arith.index_cast %while3A_369 : i32 to index
            %get3A_430 = arith.constant 64 : index
            %get3A_431 = tpu.vector_load %arg6[%get3A_429, %get3A_430] {strides = array<i32>} : memref<250x250xf32, #tpu.memory_space<vmem>>, vector<1x16xf32>,
            %get3A_432 = vector.shape_cast %get3A_431 : vector<1x16xf32> to vector<16xf32>
            %get3A_433 = arith.constant 0 : i32
            %get3A_434 = arith.index_cast %get3A_433 : i32 to index
            %get3A_435 = arith.constant 64 : index
            %get3A_436 = tpu.vector_load %arg8[%get3A_434, %get3A_435] {strides = array<i32>} : memref<4x250xf32, #tpu.memory_space<vmem>>, vector<1x16xf32>,
            %get3A_437 = vector.shape_cast %get3A_436 : vector<1x16xf32> to vector<16xf32>
            %mul3A_438 = arith.mulf %get3A_432, %get3A_437 : vector<16xf32>
            %swap3A_439 = arith.index_cast %while3A_369 : i32 to index
            %swap3A_440 = arith.constant 64 : index
            %swap3A_441 = tpu.vector_load %arg6[%swap3A_439, %swap3A_440] {strides = array<i32>} : memref<250x250xf32, #tpu.memory_space<vmem>>, vector<1x16xf32>,
            %swap3A_442 = vector.shape_cast %swap3A_441 : vector<1x16xf32> to vector<16xf32>
            %swap3A_443 = vector.shape_cast %mul3A_438 : vector<16xf32> to vector<1x16xf32>
            tpu.vector_store %arg6[%swap3A_439, %swap3A_440], %swap3A_443 {strides = array<i32>} : memref<250x250xf32, #tpu.memory_space<vmem>>, vector<1x16xf32>,
            %get3A_444 = arith.index_cast %while3A_369 : i32 to index
            %get3A_445 = arith.constant 80 : index
            %get3A_446 = tpu.vector_load %arg6[%get3A_444, %get3A_445] {strides = array<i32>} : memref<250x250xf32, #tpu.memory_space<vmem>>, vector<1x16xf32>,
            %get3A_447 = vector.shape_cast %get3A_446 : vector<1x16xf32> to vector<16xf32>
            %get3A_448 = arith.constant 0 : i32
            %get3A_449 = arith.index_cast %get3A_448 : i32 to index
            %get3A_450 = arith.constant 80 : index
            %get3A_451 = tpu.vector_load %arg8[%get3A_449, %get3A_450] {strides = array<i32>} : memref<4x250xf32, #tpu.memory_space<vmem>>, vector<1x16xf32>,
            %get3A_452 = vector.shape_cast %get3A_451 : vector<1x16xf32> to vector<16xf32>
            %mul3A_453 = arith.mulf %get3A_447, %get3A_452 : vector<16xf32>
            %swap3A_454 = arith.index_cast %while3A_369 : i32 to index
            %swap3A_455 = arith.constant 80 : index
            %swap3A_456 = tpu.vector_load %arg6[%swap3A_454, %swap3A_455] {strides = array<i32>} : memref<250x250xf32, #tpu.memory_space<vmem>>, vector<1x16xf32>,
            %swap3A_457 = vector.shape_cast %swap3A_456 : vector<1x16xf32> to vector<16xf32>
            %swap3A_458 = vector.shape_cast %mul3A_453 : vector<16xf32> to vector<1x16xf32>
            tpu.vector_store %arg6[%swap3A_454, %swap3A_455], %swap3A_458 {strides = array<i32>} : memref<250x250xf32, #tpu.memory_space<vmem>>, vector<1x16xf32>,
            %get3A_459 = arith.index_cast %while3A_369 : i32 to index
            %get3A_460 = arith.constant 96 : index
            %get3A_461 = tpu.vector_load %arg6[%get3A_459, %get3A_460] {strides = array<i32>} : memref<250x250xf32, #tpu.memory_space<vmem>>, vector<1x16xf32>,
            %get3A_462 = vector.shape_cast %get3A_461 : vector<1x16xf32> to vector<16xf32>
            %get3A_463 = arith.constant 0 : i32
            %get3A_464 = arith.index_cast %get3A_463 : i32 to index
            %get3A_465 = arith.constant 96 : index
            %get3A_466 = tpu.vector_load %arg8[%get3A_464, %get3A_465] {strides = array<i32>} : memref<4x250xf32, #tpu.memory_space<vmem>>, vector<1x16xf32>,
            %get3A_467 = vector.shape_cast %get3A_466 : vector<1x16xf32> to vector<16xf32>
            %mul3A_468 = arith.mulf %get3A_462, %get3A_467 : vector<16xf32>
            %swap3A_469 = arith.index_cast %while3A_369 : i32 to index
            %swap3A_470 = arith.constant 96 : index
            %swap3A_471 = tpu.vector_load %arg6[%swap3A_469, %swap3A_470] {strides = array<i32>} : memref<250x250xf32, #tpu.memory_space<vmem>>, vector<1x16xf32>,
            %swap3A_472 = vector.shape_cast %swap3A_471 : vector<1x16xf32> to vector<16xf32>
            %swap3A_473 = vector.shape_cast %mul3A_468 : vector<16xf32> to vector<1x16xf32>
            tpu.vector_store %arg6[%swap3A_469, %swap3A_470], %swap3A_473 {strides = array<i32>} : memref<250x250xf32, #tpu.memory_space<vmem>>, vector<1x16xf32>,
            %get3A_474 = arith.index_cast %while3A_369 : i32 to index
            %get3A_475 = arith.constant 112 : index
            %get3A_476 = tpu.vector_load %arg6[%get3A_474, %get3A_475] {strides = array<i32>} : memref<250x250xf32, #tpu.memory_space<vmem>>, vector<1x16xf32>,
            %get3A_477 = vector.shape_cast %get3A_476 : vector<1x16xf32> to vector<16xf32>
            %get3A_478 = arith.constant 0 : i32
            %get3A_479 = arith.index_cast %get3A_478 : i32 to index
            %get3A_480 = arith.constant 112 : index
            %get3A_481 = tpu.vector_load %arg8[%get3A_479, %get3A_480] {strides = array<i32>} : memref<4x250xf32, #tpu.memory_space<vmem>>, vector<1x16xf32>,
            %get3A_482 = vector.shape_cast %get3A_481 : vector<1x16xf32> to vector<16xf32>
            %mul3A_483 = arith.mulf %get3A_477, %get3A_482 : vector<16xf32>
            %swap3A_484 = arith.index_cast %while3A_369 : i32 to index
            %swap3A_485 = arith.constant 112 : index
            %swap3A_486 = tpu.vector_load %arg6[%swap3A_484, %swap3A_485] {strides = array<i32>} : memref<250x250xf32, #tpu.memory_space<vmem>>, vector<1x16xf32>,
            %swap3A_487 = vector.shape_cast %swap3A_486 : vector<1x16xf32> to vector<16xf32>
            %swap3A_488 = vector.shape_cast %mul3A_483 : vector<16xf32> to vector<1x16xf32>
            tpu.vector_store %arg6[%swap3A_484, %swap3A_485], %swap3A_488 {strides = array<i32>} : memref<250x250xf32, #tpu.memory_space<vmem>>, vector<1x16xf32>,
            %get3A_489 = arith.index_cast %while3A_369 : i32 to index
            %get3A_490 = arith.constant 128 : index
            %get3A_491 = tpu.vector_load %arg6[%get3A_489, %get3A_490] {strides = array<i32>} : memref<250x250xf32, #tpu.memory_space<vmem>>, vector<1x16xf32>,
            %get3A_492 = vector.shape_cast %get3A_491 : vector<1x16xf32> to vector<16xf32>
            %get3A_493 = arith.constant 0 : i32
            %get3A_494 = arith.index_cast %get3A_493 : i32 to index
            %get3A_495 = arith.constant 128 : index
            %get3A_496 = tpu.vector_load %arg8[%get3A_494, %get3A_495] {strides = array<i32>} : memref<4x250xf32, #tpu.memory_space<vmem>>, vector<1x16xf32>,
            %get3A_497 = vector.shape_cast %get3A_496 : vector<1x16xf32> to vector<16xf32>
            %mul3A_498 = arith.mulf %get3A_492, %get3A_497 : vector<16xf32>
            %swap3A_499 = arith.index_cast %while3A_369 : i32 to index
            %swap3A_500 = arith.constant 128 : index
            %swap3A_501 = tpu.vector_load %arg6[%swap3A_499, %swap3A_500] {strides = array<i32>} : memref<250x250xf32, #tpu.memory_space<vmem>>, vector<1x16xf32>,
            %swap3A_502 = vector.shape_cast %swap3A_501 : vector<1x16xf32> to vector<16xf32>
            %swap3A_503 = vector.shape_cast %mul3A_498 : vector<16xf32> to vector<1x16xf32>
            tpu.vector_store %arg6[%swap3A_499, %swap3A_500], %swap3A_503 {strides = array<i32>} : memref<250x250xf32, #tpu.memory_space<vmem>>, vector<1x16xf32>,
            %get3A_504 = arith.index_cast %while3A_369 : i32 to index
            %get3A_505 = arith.constant 144 : index
            %get3A_506 = tpu.vector_load %arg6[%get3A_504, %get3A_505] {strides = array<i32>} : memref<250x250xf32, #tpu.memory_space<vmem>>, vector<1x16xf32>,
            %get3A_507 = vector.shape_cast %get3A_506 : vector<1x16xf32> to vector<16xf32>
            %get3A_508 = arith.constant 0 : i32
            %get3A_509 = arith.index_cast %get3A_508 : i32 to index
            %get3A_510 = arith.constant 144 : index
            %get3A_511 = tpu.vector_load %arg8[%get3A_509, %get3A_510] {strides = array<i32>} : memref<4x250xf32, #tpu.memory_space<vmem>>, vector<1x16xf32>,
            %get3A_512 = vector.shape_cast %get3A_511 : vector<1x16xf32> to vector<16xf32>
            %mul3A_513 = arith.mulf %get3A_507, %get3A_512 : vector<16xf32>
            %swap3A_514 = arith.index_cast %while3A_369 : i32 to index
            %swap3A_515 = arith.constant 144 : index
            %swap3A_516 = tpu.vector_load %arg6[%swap3A_514, %swap3A_515] {strides = array<i32>} : memref<250x250xf32, #tpu.memory_space<vmem>>, vector<1x16xf32>,
            %swap3A_517 = vector.shape_cast %swap3A_516 : vector<1x16xf32> to vector<16xf32>
            %swap3A_518 = vector.shape_cast %mul3A_513 : vector<16xf32> to vector<1x16xf32>
            tpu.vector_store %arg6[%swap3A_514, %swap3A_515], %swap3A_518 {strides = array<i32>} : memref<250x250xf32, #tpu.memory_space<vmem>>, vector<1x16xf32>,
            %get3A_519 = arith.index_cast %while3A_369 : i32 to index
            %get3A_520 = arith.constant 160 : index
            %get3A_521 = tpu.vector_load %arg6[%get3A_519, %get3A_520] {strides = array<i32>} : memref<250x250xf32, #tpu.memory_space<vmem>>, vector<1x16xf32>,
            %get3A_522 = vector.shape_cast %get3A_521 : vector<1x16xf32> to vector<16xf32>
            %get3A_523 = arith.constant 0 : i32
            %get3A_524 = arith.index_cast %get3A_523 : i32 to index
            %get3A_525 = arith.constant 160 : index
            %get3A_526 = tpu.vector_load %arg8[%get3A_524, %get3A_525] {strides = array<i32>} : memref<4x250xf32, #tpu.memory_space<vmem>>, vector<1x16xf32>,
            %get3A_527 = vector.shape_cast %get3A_526 : vector<1x16xf32> to vector<16xf32>
            %mul3A_528 = arith.mulf %get3A_522, %get3A_527 : vector<16xf32>
            %swap3A_529 = arith.index_cast %while3A_369 : i32 to index
            %swap3A_530 = arith.constant 160 : index
            %swap3A_531 = tpu.vector_load %arg6[%swap3A_529, %swap3A_530] {strides = array<i32>} : memref<250x250xf32, #tpu.memory_space<vmem>>, vector<1x16xf32>,
            %swap3A_532 = vector.shape_cast %swap3A_531 : vector<1x16xf32> to vector<16xf32>
            %swap3A_533 = vector.shape_cast %mul3A_528 : vector<16xf32> to vector<1x16xf32>
            tpu.vector_store %arg6[%swap3A_529, %swap3A_530], %swap3A_533 {strides = array<i32>} : memref<250x250xf32, #tpu.memory_space<vmem>>, vector<1x16xf32>,
            %get3A_534 = arith.index_cast %while3A_369 : i32 to index
            %get3A_535 = arith.constant 176 : index
            %get3A_536 = tpu.vector_load %arg6[%get3A_534, %get3A_535] {strides = array<i32>} : memref<250x250xf32, #tpu.memory_space<vmem>>, vector<1x16xf32>,
            %get3A_537 = vector.shape_cast %get3A_536 : vector<1x16xf32> to vector<16xf32>
            %get3A_538 = arith.constant 0 : i32
            %get3A_539 = arith.index_cast %get3A_538 : i32 to index
            %get3A_540 = arith.constant 176 : index
            %get3A_541 = tpu.vector_load %arg8[%get3A_539, %get3A_540] {strides = array<i32>} : memref<4x250xf32, #tpu.memory_space<vmem>>, vector<1x16xf32>,
            %get3A_542 = vector.shape_cast %get3A_541 : vector<1x16xf32> to vector<16xf32>
            %mul3A_543 = arith.mulf %get3A_537, %get3A_542 : vector<16xf32>
            %swap3A_544 = arith.index_cast %while3A_369 : i32 to index
            %swap3A_545 = arith.constant 176 : index
            %swap3A_546 = tpu.vector_load %arg6[%swap3A_544, %swap3A_545] {strides = array<i32>} : memref<250x250xf32, #tpu.memory_space<vmem>>, vector<1x16xf32>,
            %swap3A_547 = vector.shape_cast %swap3A_546 : vector<1x16xf32> to vector<16xf32>
            %swap3A_548 = vector.shape_cast %mul3A_543 : vector<16xf32> to vector<1x16xf32>
            tpu.vector_store %arg6[%swap3A_544, %swap3A_545], %swap3A_548 {strides = array<i32>} : memref<250x250xf32, #tpu.memory_space<vmem>>, vector<1x16xf32>,
            %get3A_549 = arith.index_cast %while3A_369 : i32 to index
            %get3A_550 = arith.constant 192 : index
            %get3A_551 = tpu.vector_load %arg6[%get3A_549, %get3A_550] {strides = array<i32>} : memref<250x250xf32, #tpu.memory_space<vmem>>, vector<1x16xf32>,
            %get3A_552 = vector.shape_cast %get3A_551 : vector<1x16xf32> to vector<16xf32>
            %get3A_553 = arith.constant 0 : i32
            %get3A_554 = arith.index_cast %get3A_553 : i32 to index
            %get3A_555 = arith.constant 192 : index
            %get3A_556 = tpu.vector_load %arg8[%get3A_554, %get3A_555] {strides = array<i32>} : memref<4x250xf32, #tpu.memory_space<vmem>>, vector<1x16xf32>,
            %get3A_557 = vector.shape_cast %get3A_556 : vector<1x16xf32> to vector<16xf32>
            %mul3A_558 = arith.mulf %get3A_552, %get3A_557 : vector<16xf32>
            %swap3A_559 = arith.index_cast %while3A_369 : i32 to index
            %swap3A_560 = arith.constant 192 : index
            %swap3A_561 = tpu.vector_load %arg6[%swap3A_559, %swap3A_560] {strides = array<i32>} : memref<250x250xf32, #tpu.memory_space<vmem>>, vector<1x16xf32>,
            %swap3A_562 = vector.shape_cast %swap3A_561 : vector<1x16xf32> to vector<16xf32>
            %swap3A_563 = vector.shape_cast %mul3A_558 : vector<16xf32> to vector<1x16xf32>
            tpu.vector_store %arg6[%swap3A_559, %swap3A_560], %swap3A_563 {strides = array<i32>} : memref<250x250xf32, #tpu.memory_space<vmem>>, vector<1x16xf32>,
            %get3A_564 = arith.index_cast %while3A_369 : i32 to index
            %get3A_565 = arith.constant 208 : index
            %get3A_566 = tpu.vector_load %arg6[%get3A_564, %get3A_565] {strides = array<i32>} : memref<250x250xf32, #tpu.memory_space<vmem>>, vector<1x16xf32>,
            %get3A_567 = vector.shape_cast %get3A_566 : vector<1x16xf32> to vector<16xf32>
            %get3A_568 = arith.constant 0 : i32
            %get3A_569 = arith.index_cast %get3A_568 : i32 to index
            %get3A_570 = arith.constant 208 : index
            %get3A_571 = tpu.vector_load %arg8[%get3A_569, %get3A_570] {strides = array<i32>} : memref<4x250xf32, #tpu.memory_space<vmem>>, vector<1x16xf32>,
            %get3A_572 = vector.shape_cast %get3A_571 : vector<1x16xf32> to vector<16xf32>
            %mul3A_573 = arith.mulf %get3A_567, %get3A_572 : vector<16xf32>
            %swap3A_574 = arith.index_cast %while3A_369 : i32 to index
            %swap3A_575 = arith.constant 208 : index
            %swap3A_576 = tpu.vector_load %arg6[%swap3A_574, %swap3A_575] {strides = array<i32>} : memref<250x250xf32, #tpu.memory_space<vmem>>, vector<1x16xf32>,
            %swap3A_577 = vector.shape_cast %swap3A_576 : vector<1x16xf32> to vector<16xf32>
            %swap3A_578 = vector.shape_cast %mul3A_573 : vector<16xf32> to vector<1x16xf32>
            tpu.vector_store %arg6[%swap3A_574, %swap3A_575], %swap3A_578 {strides = array<i32>} : memref<250x250xf32, #tpu.memory_space<vmem>>, vector<1x16xf32>,
            %get3A_579 = arith.index_cast %while3A_369 : i32 to index
            %get3A_580 = arith.constant 224 : index
            %get3A_581 = tpu.vector_load %arg6[%get3A_579, %get3A_580] {strides = array<i32>} : memref<250x250xf32, #tpu.memory_space<vmem>>, vector<1x16xf32>,
            %get3A_582 = vector.shape_cast %get3A_581 : vector<1x16xf32> to vector<16xf32>
            %get3A_583 = arith.constant 0 : i32
            %get3A_584 = arith.index_cast %get3A_583 : i32 to index
            %get3A_585 = arith.constant 224 : index
            %get3A_586 = tpu.vector_load %arg8[%get3A_584, %get3A_585] {strides = array<i32>} : memref<4x250xf32, #tpu.memory_space<vmem>>, vector<1x16xf32>,
            %get3A_587 = vector.shape_cast %get3A_586 : vector<1x16xf32> to vector<16xf32>
            %mul3A_588 = arith.mulf %get3A_582, %get3A_587 : vector<16xf32>
            %swap3A_589 = arith.index_cast %while3A_369 : i32 to index
            %swap3A_590 = arith.constant 224 : index
            %swap3A_591 = tpu.vector_load %arg6[%swap3A_589, %swap3A_590] {strides = array<i32>} : memref<250x250xf32, #tpu.memory_space<vmem>>, vector<1x16xf32>,
            %swap3A_592 = vector.shape_cast %swap3A_591 : vector<1x16xf32> to vector<16xf32>
            %swap3A_593 = vector.shape_cast %mul3A_588 : vector<16xf32> to vector<1x16xf32>
            tpu.vector_store %arg6[%swap3A_589, %swap3A_590], %swap3A_593 {strides = array<i32>} : memref<250x250xf32, #tpu.memory_space<vmem>>, vector<1x16xf32>,
            %get3A_594 = arith.index_cast %while3A_369 : i32 to index
            %get3A_595 = arith.constant 234 : index
            %get3A_596 = tpu.vector_load %arg6[%get3A_594, %get3A_595] {strides = array<i32>} : memref<250x250xf32, #tpu.memory_space<vmem>>, vector<1x16xf32>,
            %get3A_597 = vector.shape_cast %get3A_596 : vector<1x16xf32> to vector<16xf32>
            %get3A_598 = arith.constant 0 : i32
            %get3A_599 = arith.index_cast %get3A_598 : i32 to index
            %get3A_600 = arith.constant 234 : index
            %get3A_601 = tpu.vector_load %arg8[%get3A_599, %get3A_600] {strides = array<i32>} : memref<4x250xf32, #tpu.memory_space<vmem>>, vector<1x16xf32>,
            %get3A_602 = vector.shape_cast %get3A_601 : vector<1x16xf32> to vector<16xf32>
            %mul3A_603 = arith.mulf %get3A_597, %get3A_602 : vector<16xf32>
            %swap3A_604 = arith.index_cast %while3A_369 : i32 to index
            %swap3A_605 = arith.constant 234 : index
            %swap3A_606 = tpu.vector_load %arg6[%swap3A_604, %swap3A_605] {strides = array<i32>} : memref<250x250xf32, #tpu.memory_space<vmem>>, vector<1x16xf32>,
            %swap3A_607 = vector.shape_cast %swap3A_606 : vector<1x16xf32> to vector<16xf32>
            %swap3A_608 = vector.shape_cast %mul3A_603 : vector<16xf32> to vector<1x16xf32>
            tpu.vector_store %arg6[%swap3A_604, %swap3A_605], %swap3A_608 {strides = array<i32>} : memref<250x250xf32, #tpu.memory_space<vmem>>, vector<1x16xf32>,
          }
          %while3A_368 = arith.constant 1 : i32
          scf.for %while3A_369 = %while3A_366 to %while3A_362 step %while3A_368  : i32 {
            %get3A_370 = arith.index_cast %while3A_369 : i32 to index
            %get3A_371 = arith.constant 0 : index
            %get3A_372 = tpu.vector_load %arg6[%get3A_370, %get3A_371] {strides = array<i32>} : memref<250x250xf32, #tpu.memory_space<vmem>>, vector<1x16xf32>,
            %get3A_373 = vector.shape_cast %get3A_372 : vector<1x16xf32> to vector<16xf32>
            %get3A_374 = arith.constant 0 : i32
            %get3A_375 = arith.index_cast %get3A_374 : i32 to index
            %get3A_376 = arith.constant 0 : index
            %get3A_377 = tpu.vector_load %arg8[%get3A_375, %get3A_376] {strides = array<i32>} : memref<4x250xf32, #tpu.memory_space<vmem>>, vector<1x16xf32>,
            %get3A_378 = vector.shape_cast %get3A_377 : vector<1x16xf32> to vector<16xf32>
            %mul3A_379 = arith.mulf %get3A_373, %get3A_378 : vector<16xf32>
            %swap3A = arith.index_cast %while3A_369 : i32 to index
            %swap3A_380 = arith.constant 0 : index
            %swap3A_381 = tpu.vector_load %arg6[%swap3A, %swap3A_380] {strides = array<i32>} : memref<250x250xf32, #tpu.memory_space<vmem>>, vector<1x16xf32>,
            %swap3A_382 = vector.shape_cast %swap3A_381 : vector<1x16xf32> to vector<16xf32>
            %swap3A_383 = vector.shape_cast %mul3A_379 : vector<16xf32> to vector<1x16xf32>
            tpu.vector_store %arg6[%swap3A, %swap3A_380], %swap3A_383 {strides = array<i32>} : memref<250x250xf32, #tpu.memory_space<vmem>>, vector<1x16xf32>,
            %get3A_384 = arith.index_cast %while3A_369 : i32 to index
            %get3A_385 = arith.constant 16 : index
            %get3A_386 = tpu.vector_load %arg6[%get3A_384, %get3A_385] {strides = array<i32>} : memref<250x250xf32, #tpu.memory_space<vmem>>, vector<1x16xf32>,
            %get3A_387 = vector.shape_cast %get3A_386 : vector<1x16xf32> to vector<16xf32>
            %get3A_388 = arith.constant 0 : i32
            %get3A_389 = arith.index_cast %get3A_388 : i32 to index
            %get3A_390 = arith.constant 16 : index
            %get3A_391 = tpu.vector_load %arg8[%get3A_389, %get3A_390] {strides = array<i32>} : memref<4x250xf32, #tpu.memory_space<vmem>>, vector<1x16xf32>,
            %get3A_392 = vector.shape_cast %get3A_391 : vector<1x16xf32> to vector<16xf32>
            %mul3A_393 = arith.mulf %get3A_387, %get3A_392 : vector<16xf32>
            %swap3A_394 = arith.index_cast %while3A_369 : i32 to index
            %swap3A_395 = arith.constant 16 : index
            %swap3A_396 = tpu.vector_load %arg6[%swap3A_394, %swap3A_395] {strides = array<i32>} : memref<250x250xf32, #tpu.memory_space<vmem>>, vector<1x16xf32>,
            %swap3A_397 = vector.shape_cast %swap3A_396 : vector<1x16xf32> to vector<16xf32>
            %swap3A_398 = vector.shape_cast %mul3A_393 : vector<16xf32> to vector<1x16xf32>
            tpu.vector_store %arg6[%swap3A_394, %swap3A_395], %swap3A_398 {strides = array<i32>} : memref<250x250xf32, #tpu.memory_space<vmem>>, vector<1x16xf32>,
            %get3A_399 = arith.index_cast %while3A_369 : i32 to index
            %get3A_400 = arith.constant 32 : index
            %get3A_401 = tpu.vector_load %arg6[%get3A_399, %get3A_400] {strides = array<i32>} : memref<250x250xf32, #tpu.memory_space<vmem>>, vector<1x16xf32>,
            %get3A_402 = vector.shape_cast %get3A_401 : vector<1x16xf32> to vector<16xf32>
            %get3A_403 = arith.constant 0 : i32
            %get3A_404 = arith.index_cast %get3A_403 : i32 to index
            %get3A_405 = arith.constant 32 : index
            %get3A_406 = tpu.vector_load %arg8[%get3A_404, %get3A_405] {strides = array<i32>} : memref<4x250xf32, #tpu.memory_space<vmem>>, vector<1x16xf32>,
            %get3A_407 = vector.shape_cast %get3A_406 : vector<1x16xf32> to vector<16xf32>
            %mul3A_408 = arith.mulf %get3A_402, %get3A_407 : vector<16xf32>
            %swap3A_409 = arith.index_cast %while3A_369 : i32 to index
            %swap3A_410 = arith.constant 32 : index
            %swap3A_411 = tpu.vector_load %arg6[%swap3A_409, %swap3A_410] {strides = array<i32>} : memref<250x250xf32, #tpu.memory_space<vmem>>, vector<1x16xf32>,
            %swap3A_412 = vector.shape_cast %swap3A_411 : vector<1x16xf32> to vector<16xf32>
            %swap3A_413 = vector.shape_cast %mul3A_408 : vector<16xf32> to vector<1x16xf32>
            tpu.vector_store %arg6[%swap3A_409, %swap3A_410], %swap3A_413 {strides = array<i32>} : memref<250x250xf32, #tpu.memory_space<vmem>>, vector<1x16xf32>,
            %get3A_414 = arith.index_cast %while3A_369 : i32 to index
            %get3A_415 = arith.constant 48 : index
            %get3A_416 = tpu.vector_load %arg6[%get3A_414, %get3A_415] {strides = array<i32>} : memref<250x250xf32, #tpu.memory_space<vmem>>, vector<1x16xf32>,
            %get3A_417 = vector.shape_cast %get3A_416 : vector<1x16xf32> to vector<16xf32>
            %get3A_418 = arith.constant 0 : i32
            %get3A_419 = arith.index_cast %get3A_418 : i32 to index
            %get3A_420 = arith.constant 48 : index
            %get3A_421 = tpu.vector_load %arg8[%get3A_419, %get3A_420] {strides = array<i32>} : memref<4x250xf32, #tpu.memory_space<vmem>>, vector<1x16xf32>,
            %get3A_422 = vector.shape_cast %get3A_421 : vector<1x16xf32> to vector<16xf32>
            %mul3A_423 = arith.mulf %get3A_417, %get3A_422 : vector<16xf32>
            %swap3A_424 = arith.index_cast %while3A_369 : i32 to index
            %swap3A_425 = arith.constant 48 : index
            %swap3A_426 = tpu.vector_load %arg6[%swap3A_424, %swap3A_425] {strides = array<i32>} : memref<250x250xf32, #tpu.memory_space<vmem>>, vector<1x16xf32>,
            %swap3A_427 = vector.shape_cast %swap3A_426 : vector<1x16xf32> to vector<16xf32>
            %swap3A_428 = vector.shape_cast %mul3A_423 : vector<16xf32> to vector<1x16xf32>
            tpu.vector_store %arg6[%swap3A_424, %swap3A_425], %swap3A_428 {strides = array<i32>} : memref<250x250xf32, #tpu.memory_space<vmem>>, vector<1x16xf32>,
            %get3A_429 = arith.index_cast %while3A_369 : i32 to index
            %get3A_430 = arith.constant 64 : index
            %get3A_431 = tpu.vector_load %arg6[%get3A_429, %get3A_430] {strides = array<i32>} : memref<250x250xf32, #tpu.memory_space<vmem>>, vector<1x16xf32>,
            %get3A_432 = vector.shape_cast %get3A_431 : vector<1x16xf32> to vector<16xf32>
            %get3A_433 = arith.constant 0 : i32
            %get3A_434 = arith.index_cast %get3A_433 : i32 to index
            %get3A_435 = arith.constant 64 : index
            %get3A_436 = tpu.vector_load %arg8[%get3A_434, %get3A_435] {strides = array<i32>} : memref<4x250xf32, #tpu.memory_space<vmem>>, vector<1x16xf32>,
            %get3A_437 = vector.shape_cast %get3A_436 : vector<1x16xf32> to vector<16xf32>
            %mul3A_438 = arith.mulf %get3A_432, %get3A_437 : vector<16xf32>
            %swap3A_439 = arith.index_cast %while3A_369 : i32 to index
            %swap3A_440 = arith.constant 64 : index
            %swap3A_441 = tpu.vector_load %arg6[%swap3A_439, %swap3A_440] {strides = array<i32>} : memref<250x250xf32, #tpu.memory_space<vmem>>, vector<1x16xf32>,
            %swap3A_442 = vector.shape_cast %swap3A_441 : vector<1x16xf32> to vector<16xf32>
            %swap3A_443 = vector.shape_cast %mul3A_438 : vector<16xf32> to vector<1x16xf32>
            tpu.vector_store %arg6[%swap3A_439, %swap3A_440], %swap3A_443 {strides = array<i32>} : memref<250x250xf32, #tpu.memory_space<vmem>>, vector<1x16xf32>,
            %get3A_444 = arith.index_cast %while3A_369 : i32 to index
            %get3A_445 = arith.constant 80 : index
            %get3A_446 = tpu.vector_load %arg6[%get3A_444, %get3A_445] {strides = array<i32>} : memref<250x250xf32, #tpu.memory_space<vmem>>, vector<1x16xf32>,
            %get3A_447 = vector.shape_cast %get3A_446 : vector<1x16xf32> to vector<16xf32>
            %get3A_448 = arith.constant 0 : i32
            %get3A_449 = arith.index_cast %get3A_448 : i32 to index
            %get3A_450 = arith.constant 80 : index
            %get3A_451 = tpu.vector_load %arg8[%get3A_449, %get3A_450] {strides = array<i32>} : memref<4x250xf32, #tpu.memory_space<vmem>>, vector<1x16xf32>,
            %get3A_452 = vector.shape_cast %get3A_451 : vector<1x16xf32> to vector<16xf32>
            %mul3A_453 = arith.mulf %get3A_447, %get3A_452 : vector<16xf32>
            %swap3A_454 = arith.index_cast %while3A_369 : i32 to index
            %swap3A_455 = arith.constant 80 : index
            %swap3A_456 = tpu.vector_load %arg6[%swap3A_454, %swap3A_455] {strides = array<i32>} : memref<250x250xf32, #tpu.memory_space<vmem>>, vector<1x16xf32>,
            %swap3A_457 = vector.shape_cast %swap3A_456 : vector<1x16xf32> to vector<16xf32>
            %swap3A_458 = vector.shape_cast %mul3A_453 : vector<16xf32> to vector<1x16xf32>
            tpu.vector_store %arg6[%swap3A_454, %swap3A_455], %swap3A_458 {strides = array<i32>} : memref<250x250xf32, #tpu.memory_space<vmem>>, vector<1x16xf32>,
            %get3A_459 = arith.index_cast %while3A_369 : i32 to index
            %get3A_460 = arith.constant 96 : index
            %get3A_461 = tpu.vector_load %arg6[%get3A_459, %get3A_460] {strides = array<i32>} : memref<250x250xf32, #tpu.memory_space<vmem>>, vector<1x16xf32>,
            %get3A_462 = vector.shape_cast %get3A_461 : vector<1x16xf32> to vector<16xf32>
            %get3A_463 = arith.constant 0 : i32
            %get3A_464 = arith.index_cast %get3A_463 : i32 to index
            %get3A_465 = arith.constant 96 : index
            %get3A_466 = tpu.vector_load %arg8[%get3A_464, %get3A_465] {strides = array<i32>} : memref<4x250xf32, #tpu.memory_space<vmem>>, vector<1x16xf32>,
            %get3A_467 = vector.shape_cast %get3A_466 : vector<1x16xf32> to vector<16xf32>
            %mul3A_468 = arith.mulf %get3A_462, %get3A_467 : vector<16xf32>
            %swap3A_469 = arith.index_cast %while3A_369 : i32 to index
            %swap3A_470 = arith.constant 96 : index
            %swap3A_471 = tpu.vector_load %arg6[%swap3A_469, %swap3A_470] {strides = array<i32>} : memref<250x250xf32, #tpu.memory_space<vmem>>, vector<1x16xf32>,
            %swap3A_472 = vector.shape_cast %swap3A_471 : vector<1x16xf32> to vector<16xf32>
            %swap3A_473 = vector.shape_cast %mul3A_468 : vector<16xf32> to vector<1x16xf32>
            tpu.vector_store %arg6[%swap3A_469, %swap3A_470], %swap3A_473 {strides = array<i32>} : memref<250x250xf32, #tpu.memory_space<vmem>>, vector<1x16xf32>,
            %get3A_474 = arith.index_cast %while3A_369 : i32 to index
            %get3A_475 = arith.constant 112 : index
            %get3A_476 = tpu.vector_load %arg6[%get3A_474, %get3A_475] {strides = array<i32>} : memref<250x250xf32, #tpu.memory_space<vmem>>, vector<1x16xf32>,
            %get3A_477 = vector.shape_cast %get3A_476 : vector<1x16xf32> to vector<16xf32>
            %get3A_478 = arith.constant 0 : i32
            %get3A_479 = arith.index_cast %get3A_478 : i32 to index
            %get3A_480 = arith.constant 112 : index
            %get3A_481 = tpu.vector_load %arg8[%get3A_479, %get3A_480] {strides = array<i32>} : memref<4x250xf32, #tpu.memory_space<vmem>>, vector<1x16xf32>,
            %get3A_482 = vector.shape_cast %get3A_481 : vector<1x16xf32> to vector<16xf32>
            %mul3A_483 = arith.mulf %get3A_477, %get3A_482 : vector<16xf32>
            %swap3A_484 = arith.index_cast %while3A_369 : i32 to index
            %swap3A_485 = arith.constant 112 : index
            %swap3A_486 = tpu.vector_load %arg6[%swap3A_484, %swap3A_485] {strides = array<i32>} : memref<250x250xf32, #tpu.memory_space<vmem>>, vector<1x16xf32>,
            %swap3A_487 = vector.shape_cast %swap3A_486 : vector<1x16xf32> to vector<16xf32>
            %swap3A_488 = vector.shape_cast %mul3A_483 : vector<16xf32> to vector<1x16xf32>
            tpu.vector_store %arg6[%swap3A_484, %swap3A_485], %swap3A_488 {strides = array<i32>} : memref<250x250xf32, #tpu.memory_space<vmem>>, vector<1x16xf32>,
            %get3A_489 = arith.index_cast %while3A_369 : i32 to index
            %get3A_490 = arith.constant 128 : index
            %get3A_491 = tpu.vector_load %arg6[%get3A_489, %get3A_490] {strides = array<i32>} : memref<250x250xf32, #tpu.memory_space<vmem>>, vector<1x16xf32>,
            %get3A_492 = vector.shape_cast %get3A_491 : vector<1x16xf32> to vector<16xf32>
            %get3A_493 = arith.constant 0 : i32
            %get3A_494 = arith.index_cast %get3A_493 : i32 to index
            %get3A_495 = arith.constant 128 : index
            %get3A_496 = tpu.vector_load %arg8[%get3A_494, %get3A_495] {strides = array<i32>} : memref<4x250xf32, #tpu.memory_space<vmem>>, vector<1x16xf32>,
            %get3A_497 = vector.shape_cast %get3A_496 : vector<1x16xf32> to vector<16xf32>
            %mul3A_498 = arith.mulf %get3A_492, %get3A_497 : vector<16xf32>
            %swap3A_499 = arith.index_cast %while3A_369 : i32 to index
            %swap3A_500 = arith.constant 128 : index
            %swap3A_501 = tpu.vector_load %arg6[%swap3A_499, %swap3A_500] {strides = array<i32>} : memref<250x250xf32, #tpu.memory_space<vmem>>, vector<1x16xf32>,
            %swap3A_502 = vector.shape_cast %swap3A_501 : vector<1x16xf32> to vector<16xf32>
            %swap3A_503 = vector.shape_cast %mul3A_498 : vector<16xf32> to vector<1x16xf32>
            tpu.vector_store %arg6[%swap3A_499, %swap3A_500], %swap3A_503 {strides = array<i32>} : memref<250x250xf32, #tpu.memory_space<vmem>>, vector<1x16xf32>,
            %get3A_504 = arith.index_cast %while3A_369 : i32 to index
            %get3A_505 = arith.constant 144 : index
            %get3A_506 = tpu.vector_load %arg6[%get3A_504, %get3A_505] {strides = array<i32>} : memref<250x250xf32, #tpu.memory_space<vmem>>, vector<1x16xf32>,
            %get3A_507 = vector.shape_cast %get3A_506 : vector<1x16xf32> to vector<16xf32>
            %get3A_508 = arith.constant 0 : i32
            %get3A_509 = arith.index_cast %get3A_508 : i32 to index
            %get3A_510 = arith.constant 144 : index
            %get3A_511 = tpu.vector_load %arg8[%get3A_509, %get3A_510] {strides = array<i32>} : memref<4x250xf32, #tpu.memory_space<vmem>>, vector<1x16xf32>,
            %get3A_512 = vector.shape_cast %get3A_511 : vector<1x16xf32> to vector<16xf32>
            %mul3A_513 = arith.mulf %get3A_507, %get3A_512 : vector<16xf32>
            %swap3A_514 = arith.index_cast %while3A_369 : i32 to index
            %swap3A_515 = arith.constant 144 : index
            %swap3A_516 = tpu.vector_load %arg6[%swap3A_514, %swap3A_515] {strides = array<i32>} : memref<250x250xf32, #tpu.memory_space<vmem>>, vector<1x16xf32>,
            %swap3A_517 = vector.shape_cast %swap3A_516 : vector<1x16xf32> to vector<16xf32>
            %swap3A_518 = vector.shape_cast %mul3A_513 : vector<16xf32> to vector<1x16xf32>
            tpu.vector_store %arg6[%swap3A_514, %swap3A_515], %swap3A_518 {strides = array<i32>} : memref<250x250xf32, #tpu.memory_space<vmem>>, vector<1x16xf32>,
            %get3A_519 = arith.index_cast %while3A_369 : i32 to index
            %get3A_520 = arith.constant 160 : index
            %get3A_521 = tpu.vector_load %arg6[%get3A_519, %get3A_520] {strides = array<i32>} : memref<250x250xf32, #tpu.memory_space<vmem>>, vector<1x16xf32>,
            %get3A_522 = vector.shape_cast %get3A_521 : vector<1x16xf32> to vector<16xf32>
            %get3A_523 = arith.constant 0 : i32
            %get3A_524 = arith.index_cast %get3A_523 : i32 to index
            %get3A_525 = arith.constant 160 : index
            %get3A_526 = tpu.vector_load %arg8[%get3A_524, %get3A_525] {strides = array<i32>} : memref<4x250xf32, #tpu.memory_space<vmem>>, vector<1x16xf32>,
            %get3A_527 = vector.shape_cast %get3A_526 : vector<1x16xf32> to vector<16xf32>
            %mul3A_528 = arith.mulf %get3A_522, %get3A_527 : vector<16xf32>
            %swap3A_529 = arith.index_cast %while3A_369 : i32 to index
            %swap3A_530 = arith.constant 160 : index
            %swap3A_531 = tpu.vector_load %arg6[%swap3A_529, %swap3A_530] {strides = array<i32>} : memref<250x250xf32, #tpu.memory_space<vmem>>, vector<1x16xf32>,
            %swap3A_532 = vector.shape_cast %swap3A_531 : vector<1x16xf32> to vector<16xf32>
            %swap3A_533 = vector.shape_cast %mul3A_528 : vector<16xf32> to vector<1x16xf32>
            tpu.vector_store %arg6[%swap3A_529, %swap3A_530], %swap3A_533 {strides = array<i32>} : memref<250x250xf32, #tpu.memory_space<vmem>>, vector<1x16xf32>,
            %get3A_534 = arith.index_cast %while3A_369 : i32 to index
            %get3A_535 = arith.constant 176 : index
            %get3A_536 = tpu.vector_load %arg6[%get3A_534, %get3A_535] {strides = array<i32>} : memref<250x250xf32, #tpu.memory_space<vmem>>, vector<1x16xf32>,
            %get3A_537 = vector.shape_cast %get3A_536 : vector<1x16xf32> to vector<16xf32>
            %get3A_538 = arith.constant 0 : i32
            %get3A_539 = arith.index_cast %get3A_538 : i32 to index
            %get3A_540 = arith.constant 176 : index
            %get3A_541 = tpu.vector_load %arg8[%get3A_539, %get3A_540] {strides = array<i32>} : memref<4x250xf32, #tpu.memory_space<vmem>>, vector<1x16xf32>,
            %get3A_542 = vector.shape_cast %get3A_541 : vector<1x16xf32> to vector<16xf32>
            %mul3A_543 = arith.mulf %get3A_537, %get3A_542 : vector<16xf32>
            %swap3A_544 = arith.index_cast %while3A_369 : i32 to index
            %swap3A_545 = arith.constant 176 : index
            %swap3A_546 = tpu.vector_load %arg6[%swap3A_544, %swap3A_545] {strides = array<i32>} : memref<250x250xf32, #tpu.memory_space<vmem>>, vector<1x16xf32>,
            %swap3A_547 = vector.shape_cast %swap3A_546 : vector<1x16xf32> to vector<16xf32>
            %swap3A_548 = vector.shape_cast %mul3A_543 : vector<16xf32> to vector<1x16xf32>
            tpu.vector_store %arg6[%swap3A_544, %swap3A_545], %swap3A_548 {strides = array<i32>} : memref<250x250xf32, #tpu.memory_space<vmem>>, vector<1x16xf32>,
            %get3A_549 = arith.index_cast %while3A_369 : i32 to index
            %get3A_550 = arith.constant 192 : index
            %get3A_551 = tpu.vector_load %arg6[%get3A_549, %get3A_550] {strides = array<i32>} : memref<250x250xf32, #tpu.memory_space<vmem>>, vector<1x16xf32>,
            %get3A_552 = vector.shape_cast %get3A_551 : vector<1x16xf32> to vector<16xf32>
            %get3A_553 = arith.constant 0 : i32
            %get3A_554 = arith.index_cast %get3A_553 : i32 to index
            %get3A_555 = arith.constant 192 : index
            %get3A_556 = tpu.vector_load %arg8[%get3A_554, %get3A_555] {strides = array<i32>} : memref<4x250xf32, #tpu.memory_space<vmem>>, vector<1x16xf32>,
            %get3A_557 = vector.shape_cast %get3A_556 : vector<1x16xf32> to vector<16xf32>
            %mul3A_558 = arith.mulf %get3A_552, %get3A_557 : vector<16xf32>
            %swap3A_559 = arith.index_cast %while3A_369 : i32 to index
            %swap3A_560 = arith.constant 192 : index
            %swap3A_561 = tpu.vector_load %arg6[%swap3A_559, %swap3A_560] {strides = array<i32>} : memref<250x250xf32, #tpu.memory_space<vmem>>, vector<1x16xf32>,
            %swap3A_562 = vector.shape_cast %swap3A_561 : vector<1x16xf32> to vector<16xf32>
            %swap3A_563 = vector.shape_cast %mul3A_558 : vector<16xf32> to vector<1x16xf32>
            tpu.vector_store %arg6[%swap3A_559, %swap3A_560], %swap3A_563 {strides = array<i32>} : memref<250x250xf32, #tpu.memory_space<vmem>>, vector<1x16xf32>,
            %get3A_564 = arith.index_cast %while3A_369 : i32 to index
            %get3A_565 = arith.constant 208 : index
            %get3A_566 = tpu.vector_load %arg6[%get3A_564, %get3A_565] {strides = array<i32>} : memref<250x250xf32, #tpu.memory_space<vmem>>, vector<1x16xf32>,
            %get3A_567 = vector.shape_cast %get3A_566 : vector<1x16xf32> to vector<16xf32>
            %get3A_568 = arith.constant 0 : i32
            %get3A_569 = arith.index_cast %get3A_568 : i32 to index
            %get3A_570 = arith.constant 208 : index
            %get3A_571 = tpu.vector_load %arg8[%get3A_569, %get3A_570] {strides = array<i32>} : memref<4x250xf32, #tpu.memory_space<vmem>>, vector<1x16xf32>,
            %get3A_572 = vector.shape_cast %get3A_571 : vector<1x16xf32> to vector<16xf32>
            %mul3A_573 = arith.mulf %get3A_567, %get3A_572 : vector<16xf32>
            %swap3A_574 = arith.index_cast %while3A_369 : i32 to index
            %swap3A_575 = arith.constant 208 : index
            %swap3A_576 = tpu.vector_load %arg6[%swap3A_574, %swap3A_575] {strides = array<i32>} : memref<250x250xf32, #tpu.memory_space<vmem>>, vector<1x16xf32>,
            %swap3A_577 = vector.shape_cast %swap3A_576 : vector<1x16xf32> to vector<16xf32>
            %swap3A_578 = vector.shape_cast %mul3A_573 : vector<16xf32> to vector<1x16xf32>
            tpu.vector_store %arg6[%swap3A_574, %swap3A_575], %swap3A_578 {strides = array<i32>} : memref<250x250xf32, #tpu.memory_space<vmem>>, vector<1x16xf32>,
            %get3A_579 = arith.index_cast %while3A_369 : i32 to index
            %get3A_580 = arith.constant 224 : index
            %get3A_581 = tpu.vector_load %arg6[%get3A_579, %get3A_580] {strides = array<i32>} : memref<250x250xf32, #tpu.memory_space<vmem>>, vector<1x16xf32>,
            %get3A_582 = vector.shape_cast %get3A_581 : vector<1x16xf32> to vector<16xf32>
            %get3A_583 = arith.constant 0 : i32
            %get3A_584 = arith.index_cast %get3A_583 : i32 to index
            %get3A_585 = arith.constant 224 : index
            %get3A_586 = tpu.vector_load %arg8[%get3A_584, %get3A_585] {strides = array<i32>} : memref<4x250xf32, #tpu.memory_space<vmem>>, vector<1x16xf32>,
            %get3A_587 = vector.shape_cast %get3A_586 : vector<1x16xf32> to vector<16xf32>
            %mul3A_588 = arith.mulf %get3A_582, %get3A_587 : vector<16xf32>
            %swap3A_589 = arith.index_cast %while3A_369 : i32 to index
            %swap3A_590 = arith.constant 224 : index
            %swap3A_591 = tpu.vector_load %arg6[%swap3A_589, %swap3A_590] {strides = array<i32>} : memref<250x250xf32, #tpu.memory_space<vmem>>, vector<1x16xf32>,
            %swap3A_592 = vector.shape_cast %swap3A_591 : vector<1x16xf32> to vector<16xf32>
            %swap3A_593 = vector.shape_cast %mul3A_588 : vector<16xf32> to vector<1x16xf32>
            tpu.vector_store %arg6[%swap3A_589, %swap3A_590], %swap3A_593 {strides = array<i32>} : memref<250x250xf32, #tpu.memory_space<vmem>>, vector<1x16xf32>,
            %get3A_594 = arith.index_cast %while3A_369 : i32 to index
            %get3A_595 = arith.constant 234 : index
            %get3A_596 = tpu.vector_load %arg6[%get3A_594, %get3A_595] {strides = array<i32>} : memref<250x250xf32, #tpu.memory_space<vmem>>, vector<1x16xf32>,
            %get3A_597 = vector.shape_cast %get3A_596 : vector<1x16xf32> to vector<16xf32>
            %get3A_598 = arith.constant 0 : i32
            %get3A_599 = arith.index_cast %get3A_598 : i32 to index
            %get3A_600 = arith.constant 234 : index
            %get3A_601 = tpu.vector_load %arg8[%get3A_599, %get3A_600] {strides = array<i32>} : memref<4x250xf32, #tpu.memory_space<vmem>>, vector<1x16xf32>,
            %get3A_602 = vector.shape_cast %get3A_601 : vector<1x16xf32> to vector<16xf32>
            %mul3A_603 = arith.mulf %get3A_597, %get3A_602 : vector<16xf32>
            %swap3A_604 = arith.index_cast %while3A_369 : i32 to index
            %swap3A_605 = arith.constant 234 : index
            %swap3A_606 = tpu.vector_load %arg6[%swap3A_604, %swap3A_605] {strides = array<i32>} : memref<250x250xf32, #tpu.memory_space<vmem>>, vector<1x16xf32>,
            %swap3A_607 = vector.shape_cast %swap3A_606 : vector<1x16xf32> to vector<16xf32>
            %swap3A_608 = vector.shape_cast %mul3A_603 : vector<16xf32> to vector<1x16xf32>
            tpu.vector_store %arg6[%swap3A_604, %swap3A_605], %swap3A_608 {strides = array<i32>} : memref<250x250xf32, #tpu.memory_space<vmem>>, vector<1x16xf32>,
          }
        } else {
        }
        %mul3A_318 = arith.constant 32 : i32
        %mul3A_319 = arith.muli %select_n3A_82, %mul3A_318 : i32
        %ge3A_320 = arith.cmpi sge, %select_n3A_306, %mul3A_319 : i32
        %mul3A_321 = arith.constant 32 : i32
        %mul3A_322 = arith.muli %select_n3A_82, %mul3A_321 : i32
        %add3A_323 = arith.constant 32 : i32
        %add3A_324 = arith.addi %mul3A_322, %add3A_323 : i32
        %lt3A_325 = arith.cmpi slt, %select_n3A_306, %add3A_324 : i32
        %and3A_326 = arith.andi %ge3A_320, %lt3A_325 : i1
        %convert_element_type3A_327 = arith.extui %and3A_326 : i1 to i32
        %cond3A_328 = arith.constant 0 : i32
        %cond3A_329 = arith.cmpi ne, %convert_element_type3A_327, %cond3A_328 : i32
        scf.if %cond3A_329 {
          %mul3A_354 = arith.constant 32 : i32
          %mul3A_355 = arith.muli %select_n3A_122, %mul3A_354 : i32
          %mul3A_356 = arith.constant 32 : i32
          %mul3A_357 = arith.muli %select_n3A_122, %mul3A_356 : i32
          %add3A_358 = arith.constant 32 : i32
          %add3A_359 = arith.addi %mul3A_357, %add3A_358 : i32
          %min3A = arith.constant 250 : i32
          %min3A_360 = arith.minsi %min3A, %add3A_359 : i32
          %while3A = arith.constant 0 : i32
          %while3A_361 = arith.subi %min3A_360, %mul3A_355 : i32
          %while3A_362 = arith.addi %mul3A_355, %while3A_361 : i32
          %while3A_363 = arith.constant 1 : i32
          %while3A_364 = arith.divsi %while3A_361, %while3A_363 : i32
          %while3A_365 = arith.muli %while3A_364, %while3A_363 : i32
          %while3A_366 = arith.addi %mul3A_355, %while3A_365 : i32
          %while3A_367 = arith.constant 1 : i32
          scf.for %while3A_369 = %mul3A_355 to %while3A_366 step %while3A_367  : i32 {
            %get3A_370 = arith.index_cast %while3A_369 : i32 to index
            %get3A_371 = arith.constant 0 : index
            %get3A_372 = tpu.vector_load %arg6[%get3A_370, %get3A_371] {strides = array<i32>} : memref<250x250xf32, #tpu.memory_space<vmem>>, vector<1x16xf32>,
            %get3A_373 = vector.shape_cast %get3A_372 : vector<1x16xf32> to vector<16xf32>
            %get3A_374 = arith.constant 1 : i32
            %get3A_375 = arith.index_cast %get3A_374 : i32 to index
            %get3A_376 = arith.constant 0 : index
            %get3A_377 = tpu.vector_load %arg8[%get3A_375, %get3A_376] {strides = array<i32>} : memref<4x250xf32, #tpu.memory_space<vmem>>, vector<1x16xf32>,
            %get3A_378 = vector.shape_cast %get3A_377 : vector<1x16xf32> to vector<16xf32>
            %mul3A_379 = arith.mulf %get3A_373, %get3A_378 : vector<16xf32>
            %swap3A = arith.index_cast %while3A_369 : i32 to index
            %swap3A_380 = arith.constant 0 : index
            %swap3A_381 = tpu.vector_load %arg6[%swap3A, %swap3A_380] {strides = array<i32>} : memref<250x250xf32, #tpu.memory_space<vmem>>, vector<1x16xf32>,
            %swap3A_382 = vector.shape_cast %swap3A_381 : vector<1x16xf32> to vector<16xf32>
            %swap3A_383 = vector.shape_cast %mul3A_379 : vector<16xf32> to vector<1x16xf32>
            tpu.vector_store %arg6[%swap3A, %swap3A_380], %swap3A_383 {strides = array<i32>} : memref<250x250xf32, #tpu.memory_space<vmem>>, vector<1x16xf32>,
            %get3A_384 = arith.index_cast %while3A_369 : i32 to index
            %get3A_385 = arith.constant 16 : index
            %get3A_386 = tpu.vector_load %arg6[%get3A_384, %get3A_385] {strides = array<i32>} : memref<250x250xf32, #tpu.memory_space<vmem>>, vector<1x16xf32>,
            %get3A_387 = vector.shape_cast %get3A_386 : vector<1x16xf32> to vector<16xf32>
            %get3A_388 = arith.constant 1 : i32
            %get3A_389 = arith.index_cast %get3A_388 : i32 to index
            %get3A_390 = arith.constant 16 : index
            %get3A_391 = tpu.vector_load %arg8[%get3A_389, %get3A_390] {strides = array<i32>} : memref<4x250xf32, #tpu.memory_space<vmem>>, vector<1x16xf32>,
            %get3A_392 = vector.shape_cast %get3A_391 : vector<1x16xf32> to vector<16xf32>
            %mul3A_393 = arith.mulf %get3A_387, %get3A_392 : vector<16xf32>
            %swap3A_394 = arith.index_cast %while3A_369 : i32 to index
            %swap3A_395 = arith.constant 16 : index
            %swap3A_396 = tpu.vector_load %arg6[%swap3A_394, %swap3A_395] {strides = array<i32>} : memref<250x250xf32, #tpu.memory_space<vmem>>, vector<1x16xf32>,
            %swap3A_397 = vector.shape_cast %swap3A_396 : vector<1x16xf32> to vector<16xf32>
            %swap3A_398 = vector.shape_cast %mul3A_393 : vector<16xf32> to vector<1x16xf32>
            tpu.vector_store %arg6[%swap3A_394, %swap3A_395], %swap3A_398 {strides = array<i32>} : memref<250x250xf32, #tpu.memory_space<vmem>>, vector<1x16xf32>,
            %get3A_399 = arith.index_cast %while3A_369 : i32 to index
            %get3A_400 = arith.constant 32 : index
            %get3A_401 = tpu.vector_load %arg6[%get3A_399, %get3A_400] {strides = array<i32>} : memref<250x250xf32, #tpu.memory_space<vmem>>, vector<1x16xf32>,
            %get3A_402 = vector.shape_cast %get3A_401 : vector<1x16xf32> to vector<16xf32>
            %get3A_403 = arith.constant 1 : i32
            %get3A_404 = arith.index_cast %get3A_403 : i32 to index
            %get3A_405 = arith.constant 32 : index
            %get3A_406 = tpu.vector_load %arg8[%get3A_404, %get3A_405] {strides = array<i32>} : memref<4x250xf32, #tpu.memory_space<vmem>>, vector<1x16xf32>,
            %get3A_407 = vector.shape_cast %get3A_406 : vector<1x16xf32> to vector<16xf32>
            %mul3A_408 = arith.mulf %get3A_402, %get3A_407 : vector<16xf32>
            %swap3A_409 = arith.index_cast %while3A_369 : i32 to index
            %swap3A_410 = arith.constant 32 : index
            %swap3A_411 = tpu.vector_load %arg6[%swap3A_409, %swap3A_410] {strides = array<i32>} : memref<250x250xf32, #tpu.memory_space<vmem>>, vector<1x16xf32>,
            %swap3A_412 = vector.shape_cast %swap3A_411 : vector<1x16xf32> to vector<16xf32>
            %swap3A_413 = vector.shape_cast %mul3A_408 : vector<16xf32> to vector<1x16xf32>
            tpu.vector_store %arg6[%swap3A_409, %swap3A_410], %swap3A_413 {strides = array<i32>} : memref<250x250xf32, #tpu.memory_space<vmem>>, vector<1x16xf32>,
            %get3A_414 = arith.index_cast %while3A_369 : i32 to index
            %get3A_415 = arith.constant 48 : index
            %get3A_416 = tpu.vector_load %arg6[%get3A_414, %get3A_415] {strides = array<i32>} : memref<250x250xf32, #tpu.memory_space<vmem>>, vector<1x16xf32>,
            %get3A_417 = vector.shape_cast %get3A_416 : vector<1x16xf32> to vector<16xf32>
            %get3A_418 = arith.constant 1 : i32
            %get3A_419 = arith.index_cast %get3A_418 : i32 to index
            %get3A_420 = arith.constant 48 : index
            %get3A_421 = tpu.vector_load %arg8[%get3A_419, %get3A_420] {strides = array<i32>} : memref<4x250xf32, #tpu.memory_space<vmem>>, vector<1x16xf32>,
            %get3A_422 = vector.shape_cast %get3A_421 : vector<1x16xf32> to vector<16xf32>
            %mul3A_423 = arith.mulf %get3A_417, %get3A_422 : vector<16xf32>
            %swap3A_424 = arith.index_cast %while3A_369 : i32 to index
            %swap3A_425 = arith.constant 48 : index
            %swap3A_426 = tpu.vector_load %arg6[%swap3A_424, %swap3A_425] {strides = array<i32>} : memref<250x250xf32, #tpu.memory_space<vmem>>, vector<1x16xf32>,
            %swap3A_427 = vector.shape_cast %swap3A_426 : vector<1x16xf32> to vector<16xf32>
            %swap3A_428 = vector.shape_cast %mul3A_423 : vector<16xf32> to vector<1x16xf32>
            tpu.vector_store %arg6[%swap3A_424, %swap3A_425], %swap3A_428 {strides = array<i32>} : memref<250x250xf32, #tpu.memory_space<vmem>>, vector<1x16xf32>,
            %get3A_429 = arith.index_cast %while3A_369 : i32 to index
            %get3A_430 = arith.constant 64 : index
            %get3A_431 = tpu.vector_load %arg6[%get3A_429, %get3A_430] {strides = array<i32>} : memref<250x250xf32, #tpu.memory_space<vmem>>, vector<1x16xf32>,
            %get3A_432 = vector.shape_cast %get3A_431 : vector<1x16xf32> to vector<16xf32>
            %get3A_433 = arith.constant 1 : i32
            %get3A_434 = arith.index_cast %get3A_433 : i32 to index
            %get3A_435 = arith.constant 64 : index
            %get3A_436 = tpu.vector_load %arg8[%get3A_434, %get3A_435] {strides = array<i32>} : memref<4x250xf32, #tpu.memory_space<vmem>>, vector<1x16xf32>,
            %get3A_437 = vector.shape_cast %get3A_436 : vector<1x16xf32> to vector<16xf32>
            %mul3A_438 = arith.mulf %get3A_432, %get3A_437 : vector<16xf32>
            %swap3A_439 = arith.index_cast %while3A_369 : i32 to index
            %swap3A_440 = arith.constant 64 : index
            %swap3A_441 = tpu.vector_load %arg6[%swap3A_439, %swap3A_440] {strides = array<i32>} : memref<250x250xf32, #tpu.memory_space<vmem>>, vector<1x16xf32>,
            %swap3A_442 = vector.shape_cast %swap3A_441 : vector<1x16xf32> to vector<16xf32>
            %swap3A_443 = vector.shape_cast %mul3A_438 : vector<16xf32> to vector<1x16xf32>
            tpu.vector_store %arg6[%swap3A_439, %swap3A_440], %swap3A_443 {strides = array<i32>} : memref<250x250xf32, #tpu.memory_space<vmem>>, vector<1x16xf32>,
            %get3A_444 = arith.index_cast %while3A_369 : i32 to index
            %get3A_445 = arith.constant 80 : index
            %get3A_446 = tpu.vector_load %arg6[%get3A_444, %get3A_445] {strides = array<i32>} : memref<250x250xf32, #tpu.memory_space<vmem>>, vector<1x16xf32>,
            %get3A_447 = vector.shape_cast %get3A_446 : vector<1x16xf32> to vector<16xf32>
            %get3A_448 = arith.constant 1 : i32
            %get3A_449 = arith.index_cast %get3A_448 : i32 to index
            %get3A_450 = arith.constant 80 : index
            %get3A_451 = tpu.vector_load %arg8[%get3A_449, %get3A_450] {strides = array<i32>} : memref<4x250xf32, #tpu.memory_space<vmem>>, vector<1x16xf32>,
            %get3A_452 = vector.shape_cast %get3A_451 : vector<1x16xf32> to vector<16xf32>
            %mul3A_453 = arith.mulf %get3A_447, %get3A_452 : vector<16xf32>
            %swap3A_454 = arith.index_cast %while3A_369 : i32 to index
            %swap3A_455 = arith.constant 80 : index
            %swap3A_456 = tpu.vector_load %arg6[%swap3A_454, %swap3A_455] {strides = array<i32>} : memref<250x250xf32, #tpu.memory_space<vmem>>, vector<1x16xf32>,
            %swap3A_457 = vector.shape_cast %swap3A_456 : vector<1x16xf32> to vector<16xf32>
            %swap3A_458 = vector.shape_cast %mul3A_453 : vector<16xf32> to vector<1x16xf32>
            tpu.vector_store %arg6[%swap3A_454, %swap3A_455], %swap3A_458 {strides = array<i32>} : memref<250x250xf32, #tpu.memory_space<vmem>>, vector<1x16xf32>,
            %get3A_459 = arith.index_cast %while3A_369 : i32 to index
            %get3A_460 = arith.constant 96 : index
            %get3A_461 = tpu.vector_load %arg6[%get3A_459, %get3A_460] {strides = array<i32>} : memref<250x250xf32, #tpu.memory_space<vmem>>, vector<1x16xf32>,
            %get3A_462 = vector.shape_cast %get3A_461 : vector<1x16xf32> to vector<16xf32>
            %get3A_463 = arith.constant 1 : i32
            %get3A_464 = arith.index_cast %get3A_463 : i32 to index
            %get3A_465 = arith.constant 96 : index
            %get3A_466 = tpu.vector_load %arg8[%get3A_464, %get3A_465] {strides = array<i32>} : memref<4x250xf32, #tpu.memory_space<vmem>>, vector<1x16xf32>,
            %get3A_467 = vector.shape_cast %get3A_466 : vector<1x16xf32> to vector<16xf32>
            %mul3A_468 = arith.mulf %get3A_462, %get3A_467 : vector<16xf32>
            %swap3A_469 = arith.index_cast %while3A_369 : i32 to index
            %swap3A_470 = arith.constant 96 : index
            %swap3A_471 = tpu.vector_load %arg6[%swap3A_469, %swap3A_470] {strides = array<i32>} : memref<250x250xf32, #tpu.memory_space<vmem>>, vector<1x16xf32>,
            %swap3A_472 = vector.shape_cast %swap3A_471 : vector<1x16xf32> to vector<16xf32>
            %swap3A_473 = vector.shape_cast %mul3A_468 : vector<16xf32> to vector<1x16xf32>
            tpu.vector_store %arg6[%swap3A_469, %swap3A_470], %swap3A_473 {strides = array<i32>} : memref<250x250xf32, #tpu.memory_space<vmem>>, vector<1x16xf32>,
            %get3A_474 = arith.index_cast %while3A_369 : i32 to index
            %get3A_475 = arith.constant 112 : index
            %get3A_476 = tpu.vector_load %arg6[%get3A_474, %get3A_475] {strides = array<i32>} : memref<250x250xf32, #tpu.memory_space<vmem>>, vector<1x16xf32>,
            %get3A_477 = vector.shape_cast %get3A_476 : vector<1x16xf32> to vector<16xf32>
            %get3A_478 = arith.constant 1 : i32
            %get3A_479 = arith.index_cast %get3A_478 : i32 to index
            %get3A_480 = arith.constant 112 : index
            %get3A_481 = tpu.vector_load %arg8[%get3A_479, %get3A_480] {strides = array<i32>} : memref<4x250xf32, #tpu.memory_space<vmem>>, vector<1x16xf32>,
            %get3A_482 = vector.shape_cast %get3A_481 : vector<1x16xf32> to vector<16xf32>
            %mul3A_483 = arith.mulf %get3A_477, %get3A_482 : vector<16xf32>
            %swap3A_484 = arith.index_cast %while3A_369 : i32 to index
            %swap3A_485 = arith.constant 112 : index
            %swap3A_486 = tpu.vector_load %arg6[%swap3A_484, %swap3A_485] {strides = array<i32>} : memref<250x250xf32, #tpu.memory_space<vmem>>, vector<1x16xf32>,
            %swap3A_487 = vector.shape_cast %swap3A_486 : vector<1x16xf32> to vector<16xf32>
            %swap3A_488 = vector.shape_cast %mul3A_483 : vector<16xf32> to vector<1x16xf32>
            tpu.vector_store %arg6[%swap3A_484, %swap3A_485], %swap3A_488 {strides = array<i32>} : memref<250x250xf32, #tpu.memory_space<vmem>>, vector<1x16xf32>,
            %get3A_489 = arith.index_cast %while3A_369 : i32 to index
            %get3A_490 = arith.constant 128 : index
            %get3A_491 = tpu.vector_load %arg6[%get3A_489, %get3A_490] {strides = array<i32>} : memref<250x250xf32, #tpu.memory_space<vmem>>, vector<1x16xf32>,
            %get3A_492 = vector.shape_cast %get3A_491 : vector<1x16xf32> to vector<16xf32>
            %get3A_493 = arith.constant 1 : i32
            %get3A_494 = arith.index_cast %get3A_493 : i32 to index
            %get3A_495 = arith.constant 128 : index
            %get3A_496 = tpu.vector_load %arg8[%get3A_494, %get3A_495] {strides = array<i32>} : memref<4x250xf32, #tpu.memory_space<vmem>>, vector<1x16xf32>,
            %get3A_497 = vector.shape_cast %get3A_496 : vector<1x16xf32> to vector<16xf32>
            %mul3A_498 = arith.mulf %get3A_492, %get3A_497 : vector<16xf32>
            %swap3A_499 = arith.index_cast %while3A_369 : i32 to index
            %swap3A_500 = arith.constant 128 : index
            %swap3A_501 = tpu.vector_load %arg6[%swap3A_499, %swap3A_500] {strides = array<i32>} : memref<250x250xf32, #tpu.memory_space<vmem>>, vector<1x16xf32>,
            %swap3A_502 = vector.shape_cast %swap3A_501 : vector<1x16xf32> to vector<16xf32>
            %swap3A_503 = vector.shape_cast %mul3A_498 : vector<16xf32> to vector<1x16xf32>
            tpu.vector_store %arg6[%swap3A_499, %swap3A_500], %swap3A_503 {strides = array<i32>} : memref<250x250xf32, #tpu.memory_space<vmem>>, vector<1x16xf32>,
            %get3A_504 = arith.index_cast %while3A_369 : i32 to index
            %get3A_505 = arith.constant 144 : index
            %get3A_506 = tpu.vector_load %arg6[%get3A_504, %get3A_505] {strides = array<i32>} : memref<250x250xf32, #tpu.memory_space<vmem>>, vector<1x16xf32>,
            %get3A_507 = vector.shape_cast %get3A_506 : vector<1x16xf32> to vector<16xf32>
            %get3A_508 = arith.constant 1 : i32
            %get3A_509 = arith.index_cast %get3A_508 : i32 to index
            %get3A_510 = arith.constant 144 : index
            %get3A_511 = tpu.vector_load %arg8[%get3A_509, %get3A_510] {strides = array<i32>} : memref<4x250xf32, #tpu.memory_space<vmem>>, vector<1x16xf32>,
            %get3A_512 = vector.shape_cast %get3A_511 : vector<1x16xf32> to vector<16xf32>
            %mul3A_513 = arith.mulf %get3A_507, %get3A_512 : vector<16xf32>
            %swap3A_514 = arith.index_cast %while3A_369 : i32 to index
            %swap3A_515 = arith.constant 144 : index
            %swap3A_516 = tpu.vector_load %arg6[%swap3A_514, %swap3A_515] {strides = array<i32>} : memref<250x250xf32, #tpu.memory_space<vmem>>, vector<1x16xf32>,
            %swap3A_517 = vector.shape_cast %swap3A_516 : vector<1x16xf32> to vector<16xf32>
            %swap3A_518 = vector.shape_cast %mul3A_513 : vector<16xf32> to vector<1x16xf32>
            tpu.vector_store %arg6[%swap3A_514, %swap3A_515], %swap3A_518 {strides = array<i32>} : memref<250x250xf32, #tpu.memory_space<vmem>>, vector<1x16xf32>,
            %get3A_519 = arith.index_cast %while3A_369 : i32 to index
            %get3A_520 = arith.constant 160 : index
            %get3A_521 = tpu.vector_load %arg6[%get3A_519, %get3A_520] {strides = array<i32>} : memref<250x250xf32, #tpu.memory_space<vmem>>, vector<1x16xf32>,
            %get3A_522 = vector.shape_cast %get3A_521 : vector<1x16xf32> to vector<16xf32>
            %get3A_523 = arith.constant 1 : i32
            %get3A_524 = arith.index_cast %get3A_523 : i32 to index
            %get3A_525 = arith.constant 160 : index
            %get3A_526 = tpu.vector_load %arg8[%get3A_524, %get3A_525] {strides = array<i32>} : memref<4x250xf32, #tpu.memory_space<vmem>>, vector<1x16xf32>,
            %get3A_527 = vector.shape_cast %get3A_526 : vector<1x16xf32> to vector<16xf32>
            %mul3A_528 = arith.mulf %get3A_522, %get3A_527 : vector<16xf32>
            %swap3A_529 = arith.index_cast %while3A_369 : i32 to index
            %swap3A_530 = arith.constant 160 : index
            %swap3A_531 = tpu.vector_load %arg6[%swap3A_529, %swap3A_530] {strides = array<i32>} : memref<250x250xf32, #tpu.memory_space<vmem>>, vector<1x16xf32>,
            %swap3A_532 = vector.shape_cast %swap3A_531 : vector<1x16xf32> to vector<16xf32>
            %swap3A_533 = vector.shape_cast %mul3A_528 : vector<16xf32> to vector<1x16xf32>
            tpu.vector_store %arg6[%swap3A_529, %swap3A_530], %swap3A_533 {strides = array<i32>} : memref<250x250xf32, #tpu.memory_space<vmem>>, vector<1x16xf32>,
            %get3A_534 = arith.index_cast %while3A_369 : i32 to index
            %get3A_535 = arith.constant 176 : index
            %get3A_536 = tpu.vector_load %arg6[%get3A_534, %get3A_535] {strides = array<i32>} : memref<250x250xf32, #tpu.memory_space<vmem>>, vector<1x16xf32>,
            %get3A_537 = vector.shape_cast %get3A_536 : vector<1x16xf32> to vector<16xf32>
            %get3A_538 = arith.constant 1 : i32
            %get3A_539 = arith.index_cast %get3A_538 : i32 to index
            %get3A_540 = arith.constant 176 : index
            %get3A_541 = tpu.vector_load %arg8[%get3A_539, %get3A_540] {strides = array<i32>} : memref<4x250xf32, #tpu.memory_space<vmem>>, vector<1x16xf32>,
            %get3A_542 = vector.shape_cast %get3A_541 : vector<1x16xf32> to vector<16xf32>
            %mul3A_543 = arith.mulf %get3A_537, %get3A_542 : vector<16xf32>
            %swap3A_544 = arith.index_cast %while3A_369 : i32 to index
            %swap3A_545 = arith.constant 176 : index
            %swap3A_546 = tpu.vector_load %arg6[%swap3A_544, %swap3A_545] {strides = array<i32>} : memref<250x250xf32, #tpu.memory_space<vmem>>, vector<1x16xf32>,
            %swap3A_547 = vector.shape_cast %swap3A_546 : vector<1x16xf32> to vector<16xf32>
            %swap3A_548 = vector.shape_cast %mul3A_543 : vector<16xf32> to vector<1x16xf32>
            tpu.vector_store %arg6[%swap3A_544, %swap3A_545], %swap3A_548 {strides = array<i32>} : memref<250x250xf32, #tpu.memory_space<vmem>>, vector<1x16xf32>,
            %get3A_549 = arith.index_cast %while3A_369 : i32 to index
            %get3A_550 = arith.constant 192 : index
            %get3A_551 = tpu.vector_load %arg6[%get3A_549, %get3A_550] {strides = array<i32>} : memref<250x250xf32, #tpu.memory_space<vmem>>, vector<1x16xf32>,
            %get3A_552 = vector.shape_cast %get3A_551 : vector<1x16xf32> to vector<16xf32>
            %get3A_553 = arith.constant 1 : i32
            %get3A_554 = arith.index_cast %get3A_553 : i32 to index
            %get3A_555 = arith.constant 192 : index
            %get3A_556 = tpu.vector_load %arg8[%get3A_554, %get3A_555] {strides = array<i32>} : memref<4x250xf32, #tpu.memory_space<vmem>>, vector<1x16xf32>,
            %get3A_557 = vector.shape_cast %get3A_556 : vector<1x16xf32> to vector<16xf32>
            %mul3A_558 = arith.mulf %get3A_552, %get3A_557 : vector<16xf32>
            %swap3A_559 = arith.index_cast %while3A_369 : i32 to index
            %swap3A_560 = arith.constant 192 : index
            %swap3A_561 = tpu.vector_load %arg6[%swap3A_559, %swap3A_560] {strides = array<i32>} : memref<250x250xf32, #tpu.memory_space<vmem>>, vector<1x16xf32>,
            %swap3A_562 = vector.shape_cast %swap3A_561 : vector<1x16xf32> to vector<16xf32>
            %swap3A_563 = vector.shape_cast %mul3A_558 : vector<16xf32> to vector<1x16xf32>
            tpu.vector_store %arg6[%swap3A_559, %swap3A_560], %swap3A_563 {strides = array<i32>} : memref<250x250xf32, #tpu.memory_space<vmem>>, vector<1x16xf32>,
            %get3A_564 = arith.index_cast %while3A_369 : i32 to index
            %get3A_565 = arith.constant 208 : index
            %get3A_566 = tpu.vector_load %arg6[%get3A_564, %get3A_565] {strides = array<i32>} : memref<250x250xf32, #tpu.memory_space<vmem>>, vector<1x16xf32>,
            %get3A_567 = vector.shape_cast %get3A_566 : vector<1x16xf32> to vector<16xf32>
            %get3A_568 = arith.constant 1 : i32
            %get3A_569 = arith.index_cast %get3A_568 : i32 to index
            %get3A_570 = arith.constant 208 : index
            %get3A_571 = tpu.vector_load %arg8[%get3A_569, %get3A_570] {strides = array<i32>} : memref<4x250xf32, #tpu.memory_space<vmem>>, vector<1x16xf32>,
            %get3A_572 = vector.shape_cast %get3A_571 : vector<1x16xf32> to vector<16xf32>
            %mul3A_573 = arith.mulf %get3A_567, %get3A_572 : vector<16xf32>
            %swap3A_574 = arith.index_cast %while3A_369 : i32 to index
            %swap3A_575 = arith.constant 208 : index
            %swap3A_576 = tpu.vector_load %arg6[%swap3A_574, %swap3A_575] {strides = array<i32>} : memref<250x250xf32, #tpu.memory_space<vmem>>, vector<1x16xf32>,
            %swap3A_577 = vector.shape_cast %swap3A_576 : vector<1x16xf32> to vector<16xf32>
            %swap3A_578 = vector.shape_cast %mul3A_573 : vector<16xf32> to vector<1x16xf32>
            tpu.vector_store %arg6[%swap3A_574, %swap3A_575], %swap3A_578 {strides = array<i32>} : memref<250x250xf32, #tpu.memory_space<vmem>>, vector<1x16xf32>,
            %get3A_579 = arith.index_cast %while3A_369 : i32 to index
            %get3A_580 = arith.constant 224 : index
            %get3A_581 = tpu.vector_load %arg6[%get3A_579, %get3A_580] {strides = array<i32>} : memref<250x250xf32, #tpu.memory_space<vmem>>, vector<1x16xf32>,
            %get3A_582 = vector.shape_cast %get3A_581 : vector<1x16xf32> to vector<16xf32>
            %get3A_583 = arith.constant 1 : i32
            %get3A_584 = arith.index_cast %get3A_583 : i32 to index
            %get3A_585 = arith.constant 224 : index
            %get3A_586 = tpu.vector_load %arg8[%get3A_584, %get3A_585] {strides = array<i32>} : memref<4x250xf32, #tpu.memory_space<vmem>>, vector<1x16xf32>,
            %get3A_587 = vector.shape_cast %get3A_586 : vector<1x16xf32> to vector<16xf32>
            %mul3A_588 = arith.mulf %get3A_582, %get3A_587 : vector<16xf32>
            %swap3A_589 = arith.index_cast %while3A_369 : i32 to index
            %swap3A_590 = arith.constant 224 : index
            %swap3A_591 = tpu.vector_load %arg6[%swap3A_589, %swap3A_590] {strides = array<i32>} : memref<250x250xf32, #tpu.memory_space<vmem>>, vector<1x16xf32>,
            %swap3A_592 = vector.shape_cast %swap3A_591 : vector<1x16xf32> to vector<16xf32>
            %swap3A_593 = vector.shape_cast %mul3A_588 : vector<16xf32> to vector<1x16xf32>
            tpu.vector_store %arg6[%swap3A_589, %swap3A_590], %swap3A_593 {strides = array<i32>} : memref<250x250xf32, #tpu.memory_space<vmem>>, vector<1x16xf32>,
            %get3A_594 = arith.index_cast %while3A_369 : i32 to index
            %get3A_595 = arith.constant 234 : index
            %get3A_596 = tpu.vector_load %arg6[%get3A_594, %get3A_595] {strides = array<i32>} : memref<250x250xf32, #tpu.memory_space<vmem>>, vector<1x16xf32>,
            %get3A_597 = vector.shape_cast %get3A_596 : vector<1x16xf32> to vector<16xf32>
            %get3A_598 = arith.constant 1 : i32
            %get3A_599 = arith.index_cast %get3A_598 : i32 to index
            %get3A_600 = arith.constant 234 : index
            %get3A_601 = tpu.vector_load %arg8[%get3A_599, %get3A_600] {strides = array<i32>} : memref<4x250xf32, #tpu.memory_space<vmem>>, vector<1x16xf32>,
            %get3A_602 = vector.shape_cast %get3A_601 : vector<1x16xf32> to vector<16xf32>
            %mul3A_603 = arith.mulf %get3A_597, %get3A_602 : vector<16xf32>
            %swap3A_604 = arith.index_cast %while3A_369 : i32 to index
            %swap3A_605 = arith.constant 234 : index
            %swap3A_606 = tpu.vector_load %arg6[%swap3A_604, %swap3A_605] {strides = array<i32>} : memref<250x250xf32, #tpu.memory_space<vmem>>, vector<1x16xf32>,
            %swap3A_607 = vector.shape_cast %swap3A_606 : vector<1x16xf32> to vector<16xf32>
            %swap3A_608 = vector.shape_cast %mul3A_603 : vector<16xf32> to vector<1x16xf32>
            tpu.vector_store %arg6[%swap3A_604, %swap3A_605], %swap3A_608 {strides = array<i32>} : memref<250x250xf32, #tpu.memory_space<vmem>>, vector<1x16xf32>,
          }
          %while3A_368 = arith.constant 1 : i32
          scf.for %while3A_369 = %while3A_366 to %while3A_362 step %while3A_368  : i32 {
            %get3A_370 = arith.index_cast %while3A_369 : i32 to index
            %get3A_371 = arith.constant 0 : index
            %get3A_372 = tpu.vector_load %arg6[%get3A_370, %get3A_371] {strides = array<i32>} : memref<250x250xf32, #tpu.memory_space<vmem>>, vector<1x16xf32>,
            %get3A_373 = vector.shape_cast %get3A_372 : vector<1x16xf32> to vector<16xf32>
            %get3A_374 = arith.constant 1 : i32
            %get3A_375 = arith.index_cast %get3A_374 : i32 to index
            %get3A_376 = arith.constant 0 : index
            %get3A_377 = tpu.vector_load %arg8[%get3A_375, %get3A_376] {strides = array<i32>} : memref<4x250xf32, #tpu.memory_space<vmem>>, vector<1x16xf32>,
            %get3A_378 = vector.shape_cast %get3A_377 : vector<1x16xf32> to vector<16xf32>
            %mul3A_379 = arith.mulf %get3A_373, %get3A_378 : vector<16xf32>
            %swap3A = arith.index_cast %while3A_369 : i32 to index
            %swap3A_380 = arith.constant 0 : index
            %swap3A_381 = tpu.vector_load %arg6[%swap3A, %swap3A_380] {strides = array<i32>} : memref<250x250xf32, #tpu.memory_space<vmem>>, vector<1x16xf32>,
            %swap3A_382 = vector.shape_cast %swap3A_381 : vector<1x16xf32> to vector<16xf32>
            %swap3A_383 = vector.shape_cast %mul3A_379 : vector<16xf32> to vector<1x16xf32>
            tpu.vector_store %arg6[%swap3A, %swap3A_380], %swap3A_383 {strides = array<i32>} : memref<250x250xf32, #tpu.memory_space<vmem>>, vector<1x16xf32>,
            %get3A_384 = arith.index_cast %while3A_369 : i32 to index
            %get3A_385 = arith.constant 16 : index
            %get3A_386 = tpu.vector_load %arg6[%get3A_384, %get3A_385] {strides = array<i32>} : memref<250x250xf32, #tpu.memory_space<vmem>>, vector<1x16xf32>,
            %get3A_387 = vector.shape_cast %get3A_386 : vector<1x16xf32> to vector<16xf32>
            %get3A_388 = arith.constant 1 : i32
            %get3A_389 = arith.index_cast %get3A_388 : i32 to index
            %get3A_390 = arith.constant 16 : index
            %get3A_391 = tpu.vector_load %arg8[%get3A_389, %get3A_390] {strides = array<i32>} : memref<4x250xf32, #tpu.memory_space<vmem>>, vector<1x16xf32>,
            %get3A_392 = vector.shape_cast %get3A_391 : vector<1x16xf32> to vector<16xf32>
            %mul3A_393 = arith.mulf %get3A_387, %get3A_392 : vector<16xf32>
            %swap3A_394 = arith.index_cast %while3A_369 : i32 to index
            %swap3A_395 = arith.constant 16 : index
            %swap3A_396 = tpu.vector_load %arg6[%swap3A_394, %swap3A_395] {strides = array<i32>} : memref<250x250xf32, #tpu.memory_space<vmem>>, vector<1x16xf32>,
            %swap3A_397 = vector.shape_cast %swap3A_396 : vector<1x16xf32> to vector<16xf32>
            %swap3A_398 = vector.shape_cast %mul3A_393 : vector<16xf32> to vector<1x16xf32>
            tpu.vector_store %arg6[%swap3A_394, %swap3A_395], %swap3A_398 {strides = array<i32>} : memref<250x250xf32, #tpu.memory_space<vmem>>, vector<1x16xf32>,
            %get3A_399 = arith.index_cast %while3A_369 : i32 to index
            %get3A_400 = arith.constant 32 : index
            %get3A_401 = tpu.vector_load %arg6[%get3A_399, %get3A_400] {strides = array<i32>} : memref<250x250xf32, #tpu.memory_space<vmem>>, vector<1x16xf32>,
            %get3A_402 = vector.shape_cast %get3A_401 : vector<1x16xf32> to vector<16xf32>
            %get3A_403 = arith.constant 1 : i32
            %get3A_404 = arith.index_cast %get3A_403 : i32 to index
            %get3A_405 = arith.constant 32 : index
            %get3A_406 = tpu.vector_load %arg8[%get3A_404, %get3A_405] {strides = array<i32>} : memref<4x250xf32, #tpu.memory_space<vmem>>, vector<1x16xf32>,
            %get3A_407 = vector.shape_cast %get3A_406 : vector<1x16xf32> to vector<16xf32>
            %mul3A_408 = arith.mulf %get3A_402, %get3A_407 : vector<16xf32>
            %swap3A_409 = arith.index_cast %while3A_369 : i32 to index
            %swap3A_410 = arith.constant 32 : index
            %swap3A_411 = tpu.vector_load %arg6[%swap3A_409, %swap3A_410] {strides = array<i32>} : memref<250x250xf32, #tpu.memory_space<vmem>>, vector<1x16xf32>,
            %swap3A_412 = vector.shape_cast %swap3A_411 : vector<1x16xf32> to vector<16xf32>
            %swap3A_413 = vector.shape_cast %mul3A_408 : vector<16xf32> to vector<1x16xf32>
            tpu.vector_store %arg6[%swap3A_409, %swap3A_410], %swap3A_413 {strides = array<i32>} : memref<250x250xf32, #tpu.memory_space<vmem>>, vector<1x16xf32>,
            %get3A_414 = arith.index_cast %while3A_369 : i32 to index
            %get3A_415 = arith.constant 48 : index
            %get3A_416 = tpu.vector_load %arg6[%get3A_414, %get3A_415] {strides = array<i32>} : memref<250x250xf32, #tpu.memory_space<vmem>>, vector<1x16xf32>,
            %get3A_417 = vector.shape_cast %get3A_416 : vector<1x16xf32> to vector<16xf32>
            %get3A_418 = arith.constant 1 : i32
            %get3A_419 = arith.index_cast %get3A_418 : i32 to index
            %get3A_420 = arith.constant 48 : index
            %get3A_421 = tpu.vector_load %arg8[%get3A_419, %get3A_420] {strides = array<i32>} : memref<4x250xf32, #tpu.memory_space<vmem>>, vector<1x16xf32>,
            %get3A_422 = vector.shape_cast %get3A_421 : vector<1x16xf32> to vector<16xf32>
            %mul3A_423 = arith.mulf %get3A_417, %get3A_422 : vector<16xf32>
            %swap3A_424 = arith.index_cast %while3A_369 : i32 to index
            %swap3A_425 = arith.constant 48 : index
            %swap3A_426 = tpu.vector_load %arg6[%swap3A_424, %swap3A_425] {strides = array<i32>} : memref<250x250xf32, #tpu.memory_space<vmem>>, vector<1x16xf32>,
            %swap3A_427 = vector.shape_cast %swap3A_426 : vector<1x16xf32> to vector<16xf32>
            %swap3A_428 = vector.shape_cast %mul3A_423 : vector<16xf32> to vector<1x16xf32>
            tpu.vector_store %arg6[%swap3A_424, %swap3A_425], %swap3A_428 {strides = array<i32>} : memref<250x250xf32, #tpu.memory_space<vmem>>, vector<1x16xf32>,
            %get3A_429 = arith.index_cast %while3A_369 : i32 to index
            %get3A_430 = arith.constant 64 : index
            %get3A_431 = tpu.vector_load %arg6[%get3A_429, %get3A_430] {strides = array<i32>} : memref<250x250xf32, #tpu.memory_space<vmem>>, vector<1x16xf32>,
            %get3A_432 = vector.shape_cast %get3A_431 : vector<1x16xf32> to vector<16xf32>
            %get3A_433 = arith.constant 1 : i32
            %get3A_434 = arith.index_cast %get3A_433 : i32 to index
            %get3A_435 = arith.constant 64 : index
            %get3A_436 = tpu.vector_load %arg8[%get3A_434, %get3A_435] {strides = array<i32>} : memref<4x250xf32, #tpu.memory_space<vmem>>, vector<1x16xf32>,
            %get3A_437 = vector.shape_cast %get3A_436 : vector<1x16xf32> to vector<16xf32>
            %mul3A_438 = arith.mulf %get3A_432, %get3A_437 : vector<16xf32>
            %swap3A_439 = arith.index_cast %while3A_369 : i32 to index
            %swap3A_440 = arith.constant 64 : index
            %swap3A_441 = tpu.vector_load %arg6[%swap3A_439, %swap3A_440] {strides = array<i32>} : memref<250x250xf32, #tpu.memory_space<vmem>>, vector<1x16xf32>,
            %swap3A_442 = vector.shape_cast %swap3A_441 : vector<1x16xf32> to vector<16xf32>
            %swap3A_443 = vector.shape_cast %mul3A_438 : vector<16xf32> to vector<1x16xf32>
            tpu.vector_store %arg6[%swap3A_439, %swap3A_440], %swap3A_443 {strides = array<i32>} : memref<250x250xf32, #tpu.memory_space<vmem>>, vector<1x16xf32>,
            %get3A_444 = arith.index_cast %while3A_369 : i32 to index
            %get3A_445 = arith.constant 80 : index
            %get3A_446 = tpu.vector_load %arg6[%get3A_444, %get3A_445] {strides = array<i32>} : memref<250x250xf32, #tpu.memory_space<vmem>>, vector<1x16xf32>,
            %get3A_447 = vector.shape_cast %get3A_446 : vector<1x16xf32> to vector<16xf32>
            %get3A_448 = arith.constant 1 : i32
            %get3A_449 = arith.index_cast %get3A_448 : i32 to index
            %get3A_450 = arith.constant 80 : index
            %get3A_451 = tpu.vector_load %arg8[%get3A_449, %get3A_450] {strides = array<i32>} : memref<4x250xf32, #tpu.memory_space<vmem>>, vector<1x16xf32>,
            %get3A_452 = vector.shape_cast %get3A_451 : vector<1x16xf32> to vector<16xf32>
            %mul3A_453 = arith.mulf %get3A_447, %get3A_452 : vector<16xf32>
            %swap3A_454 = arith.index_cast %while3A_369 : i32 to index
            %swap3A_455 = arith.constant 80 : index
            %swap3A_456 = tpu.vector_load %arg6[%swap3A_454, %swap3A_455] {strides = array<i32>} : memref<250x250xf32, #tpu.memory_space<vmem>>, vector<1x16xf32>,
            %swap3A_457 = vector.shape_cast %swap3A_456 : vector<1x16xf32> to vector<16xf32>
            %swap3A_458 = vector.shape_cast %mul3A_453 : vector<16xf32> to vector<1x16xf32>
            tpu.vector_store %arg6[%swap3A_454, %swap3A_455], %swap3A_458 {strides = array<i32>} : memref<250x250xf32, #tpu.memory_space<vmem>>, vector<1x16xf32>,
            %get3A_459 = arith.index_cast %while3A_369 : i32 to index
            %get3A_460 = arith.constant 96 : index
            %get3A_461 = tpu.vector_load %arg6[%get3A_459, %get3A_460] {strides = array<i32>} : memref<250x250xf32, #tpu.memory_space<vmem>>, vector<1x16xf32>,
            %get3A_462 = vector.shape_cast %get3A_461 : vector<1x16xf32> to vector<16xf32>
            %get3A_463 = arith.constant 1 : i32
            %get3A_464 = arith.index_cast %get3A_463 : i32 to index
            %get3A_465 = arith.constant 96 : index
            %get3A_466 = tpu.vector_load %arg8[%get3A_464, %get3A_465] {strides = array<i32>} : memref<4x250xf32, #tpu.memory_space<vmem>>, vector<1x16xf32>,
            %get3A_467 = vector.shape_cast %get3A_466 : vector<1x16xf32> to vector<16xf32>
            %mul3A_468 = arith.mulf %get3A_462, %get3A_467 : vector<16xf32>
            %swap3A_469 = arith.index_cast %while3A_369 : i32 to index
            %swap3A_470 = arith.constant 96 : index
            %swap3A_471 = tpu.vector_load %arg6[%swap3A_469, %swap3A_470] {strides = array<i32>} : memref<250x250xf32, #tpu.memory_space<vmem>>, vector<1x16xf32>,
            %swap3A_472 = vector.shape_cast %swap3A_471 : vector<1x16xf32> to vector<16xf32>
            %swap3A_473 = vector.shape_cast %mul3A_468 : vector<16xf32> to vector<1x16xf32>
            tpu.vector_store %arg6[%swap3A_469, %swap3A_470], %swap3A_473 {strides = array<i32>} : memref<250x250xf32, #tpu.memory_space<vmem>>, vector<1x16xf32>,
            %get3A_474 = arith.index_cast %while3A_369 : i32 to index
            %get3A_475 = arith.constant 112 : index
            %get3A_476 = tpu.vector_load %arg6[%get3A_474, %get3A_475] {strides = array<i32>} : memref<250x250xf32, #tpu.memory_space<vmem>>, vector<1x16xf32>,
            %get3A_477 = vector.shape_cast %get3A_476 : vector<1x16xf32> to vector<16xf32>
            %get3A_478 = arith.constant 1 : i32
            %get3A_479 = arith.index_cast %get3A_478 : i32 to index
            %get3A_480 = arith.constant 112 : index
            %get3A_481 = tpu.vector_load %arg8[%get3A_479, %get3A_480] {strides = array<i32>} : memref<4x250xf32, #tpu.memory_space<vmem>>, vector<1x16xf32>,
            %get3A_482 = vector.shape_cast %get3A_481 : vector<1x16xf32> to vector<16xf32>
            %mul3A_483 = arith.mulf %get3A_477, %get3A_482 : vector<16xf32>
            %swap3A_484 = arith.index_cast %while3A_369 : i32 to index
            %swap3A_485 = arith.constant 112 : index
            %swap3A_486 = tpu.vector_load %arg6[%swap3A_484, %swap3A_485] {strides = array<i32>} : memref<250x250xf32, #tpu.memory_space<vmem>>, vector<1x16xf32>,
            %swap3A_487 = vector.shape_cast %swap3A_486 : vector<1x16xf32> to vector<16xf32>
            %swap3A_488 = vector.shape_cast %mul3A_483 : vector<16xf32> to vector<1x16xf32>
            tpu.vector_store %arg6[%swap3A_484, %swap3A_485], %swap3A_488 {strides = array<i32>} : memref<250x250xf32, #tpu.memory_space<vmem>>, vector<1x16xf32>,
            %get3A_489 = arith.index_cast %while3A_369 : i32 to index
            %get3A_490 = arith.constant 128 : index
            %get3A_491 = tpu.vector_load %arg6[%get3A_489, %get3A_490] {strides = array<i32>} : memref<250x250xf32, #tpu.memory_space<vmem>>, vector<1x16xf32>,
            %get3A_492 = vector.shape_cast %get3A_491 : vector<1x16xf32> to vector<16xf32>
            %get3A_493 = arith.constant 1 : i32
            %get3A_494 = arith.index_cast %get3A_493 : i32 to index
            %get3A_495 = arith.constant 128 : index
            %get3A_496 = tpu.vector_load %arg8[%get3A_494, %get3A_495] {strides = array<i32>} : memref<4x250xf32, #tpu.memory_space<vmem>>, vector<1x16xf32>,
            %get3A_497 = vector.shape_cast %get3A_496 : vector<1x16xf32> to vector<16xf32>
            %mul3A_498 = arith.mulf %get3A_492, %get3A_497 : vector<16xf32>
            %swap3A_499 = arith.index_cast %while3A_369 : i32 to index
            %swap3A_500 = arith.constant 128 : index
            %swap3A_501 = tpu.vector_load %arg6[%swap3A_499, %swap3A_500] {strides = array<i32>} : memref<250x250xf32, #tpu.memory_space<vmem>>, vector<1x16xf32>,
            %swap3A_502 = vector.shape_cast %swap3A_501 : vector<1x16xf32> to vector<16xf32>
            %swap3A_503 = vector.shape_cast %mul3A_498 : vector<16xf32> to vector<1x16xf32>
            tpu.vector_store %arg6[%swap3A_499, %swap3A_500], %swap3A_503 {strides = array<i32>} : memref<250x250xf32, #tpu.memory_space<vmem>>, vector<1x16xf32>,
            %get3A_504 = arith.index_cast %while3A_369 : i32 to index
            %get3A_505 = arith.constant 144 : index
            %get3A_506 = tpu.vector_load %arg6[%get3A_504, %get3A_505] {strides = array<i32>} : memref<250x250xf32, #tpu.memory_space<vmem>>, vector<1x16xf32>,
            %get3A_507 = vector.shape_cast %get3A_506 : vector<1x16xf32> to vector<16xf32>
            %get3A_508 = arith.constant 1 : i32
            %get3A_509 = arith.index_cast %get3A_508 : i32 to index
            %get3A_510 = arith.constant 144 : index
            %get3A_511 = tpu.vector_load %arg8[%get3A_509, %get3A_510] {strides = array<i32>} : memref<4x250xf32, #tpu.memory_space<vmem>>, vector<1x16xf32>,
            %get3A_512 = vector.shape_cast %get3A_511 : vector<1x16xf32> to vector<16xf32>
            %mul3A_513 = arith.mulf %get3A_507, %get3A_512 : vector<16xf32>
            %swap3A_514 = arith.index_cast %while3A_369 : i32 to index
            %swap3A_515 = arith.constant 144 : index
            %swap3A_516 = tpu.vector_load %arg6[%swap3A_514, %swap3A_515] {strides = array<i32>} : memref<250x250xf32, #tpu.memory_space<vmem>>, vector<1x16xf32>,
            %swap3A_517 = vector.shape_cast %swap3A_516 : vector<1x16xf32> to vector<16xf32>
            %swap3A_518 = vector.shape_cast %mul3A_513 : vector<16xf32> to vector<1x16xf32>
            tpu.vector_store %arg6[%swap3A_514, %swap3A_515], %swap3A_518 {strides = array<i32>} : memref<250x250xf32, #tpu.memory_space<vmem>>, vector<1x16xf32>,
            %get3A_519 = arith.index_cast %while3A_369 : i32 to index
            %get3A_520 = arith.constant 160 : index
            %get3A_521 = tpu.vector_load %arg6[%get3A_519, %get3A_520] {strides = array<i32>} : memref<250x250xf32, #tpu.memory_space<vmem>>, vector<1x16xf32>,
            %get3A_522 = vector.shape_cast %get3A_521 : vector<1x16xf32> to vector<16xf32>
            %get3A_523 = arith.constant 1 : i32
            %get3A_524 = arith.index_cast %get3A_523 : i32 to index
            %get3A_525 = arith.constant 160 : index
            %get3A_526 = tpu.vector_load %arg8[%get3A_524, %get3A_525] {strides = array<i32>} : memref<4x250xf32, #tpu.memory_space<vmem>>, vector<1x16xf32>,
            %get3A_527 = vector.shape_cast %get3A_526 : vector<1x16xf32> to vector<16xf32>
            %mul3A_528 = arith.mulf %get3A_522, %get3A_527 : vector<16xf32>
            %swap3A_529 = arith.index_cast %while3A_369 : i32 to index
            %swap3A_530 = arith.constant 160 : index
            %swap3A_531 = tpu.vector_load %arg6[%swap3A_529, %swap3A_530] {strides = array<i32>} : memref<250x250xf32, #tpu.memory_space<vmem>>, vector<1x16xf32>,
            %swap3A_532 = vector.shape_cast %swap3A_531 : vector<1x16xf32> to vector<16xf32>
            %swap3A_533 = vector.shape_cast %mul3A_528 : vector<16xf32> to vector<1x16xf32>
            tpu.vector_store %arg6[%swap3A_529, %swap3A_530], %swap3A_533 {strides = array<i32>} : memref<250x250xf32, #tpu.memory_space<vmem>>, vector<1x16xf32>,
            %get3A_534 = arith.index_cast %while3A_369 : i32 to index
            %get3A_535 = arith.constant 176 : index
            %get3A_536 = tpu.vector_load %arg6[%get3A_534, %get3A_535] {strides = array<i32>} : memref<250x250xf32, #tpu.memory_space<vmem>>, vector<1x16xf32>,
            %get3A_537 = vector.shape_cast %get3A_536 : vector<1x16xf32> to vector<16xf32>
            %get3A_538 = arith.constant 1 : i32
            %get3A_539 = arith.index_cast %get3A_538 : i32 to index
            %get3A_540 = arith.constant 176 : index
            %get3A_541 = tpu.vector_load %arg8[%get3A_539, %get3A_540] {strides = array<i32>} : memref<4x250xf32, #tpu.memory_space<vmem>>, vector<1x16xf32>,
            %get3A_542 = vector.shape_cast %get3A_541 : vector<1x16xf32> to vector<16xf32>
            %mul3A_543 = arith.mulf %get3A_537, %get3A_542 : vector<16xf32>
            %swap3A_544 = arith.index_cast %while3A_369 : i32 to index
            %swap3A_545 = arith.constant 176 : index
            %swap3A_546 = tpu.vector_load %arg6[%swap3A_544, %swap3A_545] {strides = array<i32>} : memref<250x250xf32, #tpu.memory_space<vmem>>, vector<1x16xf32>,
            %swap3A_547 = vector.shape_cast %swap3A_546 : vector<1x16xf32> to vector<16xf32>
            %swap3A_548 = vector.shape_cast %mul3A_543 : vector<16xf32> to vector<1x16xf32>
            tpu.vector_store %arg6[%swap3A_544, %swap3A_545], %swap3A_548 {strides = array<i32>} : memref<250x250xf32, #tpu.memory_space<vmem>>, vector<1x16xf32>,
            %get3A_549 = arith.index_cast %while3A_369 : i32 to index
            %get3A_550 = arith.constant 192 : index
            %get3A_551 = tpu.vector_load %arg6[%get3A_549, %get3A_550] {strides = array<i32>} : memref<250x250xf32, #tpu.memory_space<vmem>>, vector<1x16xf32>,
            %get3A_552 = vector.shape_cast %get3A_551 : vector<1x16xf32> to vector<16xf32>
            %get3A_553 = arith.constant 1 : i32
            %get3A_554 = arith.index_cast %get3A_553 : i32 to index
            %get3A_555 = arith.constant 192 : index
            %get3A_556 = tpu.vector_load %arg8[%get3A_554, %get3A_555] {strides = array<i32>} : memref<4x250xf32, #tpu.memory_space<vmem>>, vector<1x16xf32>,
            %get3A_557 = vector.shape_cast %get3A_556 : vector<1x16xf32> to vector<16xf32>
            %mul3A_558 = arith.mulf %get3A_552, %get3A_557 : vector<16xf32>
            %swap3A_559 = arith.index_cast %while3A_369 : i32 to index
            %swap3A_560 = arith.constant 192 : index
            %swap3A_561 = tpu.vector_load %arg6[%swap3A_559, %swap3A_560] {strides = array<i32>} : memref<250x250xf32, #tpu.memory_space<vmem>>, vector<1x16xf32>,
            %swap3A_562 = vector.shape_cast %swap3A_561 : vector<1x16xf32> to vector<16xf32>
            %swap3A_563 = vector.shape_cast %mul3A_558 : vector<16xf32> to vector<1x16xf32>
            tpu.vector_store %arg6[%swap3A_559, %swap3A_560], %swap3A_563 {strides = array<i32>} : memref<250x250xf32, #tpu.memory_space<vmem>>, vector<1x16xf32>,
            %get3A_564 = arith.index_cast %while3A_369 : i32 to index
            %get3A_565 = arith.constant 208 : index
            %get3A_566 = tpu.vector_load %arg6[%get3A_564, %get3A_565] {strides = array<i32>} : memref<250x250xf32, #tpu.memory_space<vmem>>, vector<1x16xf32>,
            %get3A_567 = vector.shape_cast %get3A_566 : vector<1x16xf32> to vector<16xf32>
            %get3A_568 = arith.constant 1 : i32
            %get3A_569 = arith.index_cast %get3A_568 : i32 to index
            %get3A_570 = arith.constant 208 : index
            %get3A_571 = tpu.vector_load %arg8[%get3A_569, %get3A_570] {strides = array<i32>} : memref<4x250xf32, #tpu.memory_space<vmem>>, vector<1x16xf32>,
            %get3A_572 = vector.shape_cast %get3A_571 : vector<1x16xf32> to vector<16xf32>
            %mul3A_573 = arith.mulf %get3A_567, %get3A_572 : vector<16xf32>
            %swap3A_574 = arith.index_cast %while3A_369 : i32 to index
            %swap3A_575 = arith.constant 208 : index
            %swap3A_576 = tpu.vector_load %arg6[%swap3A_574, %swap3A_575] {strides = array<i32>} : memref<250x250xf32, #tpu.memory_space<vmem>>, vector<1x16xf32>,
            %swap3A_577 = vector.shape_cast %swap3A_576 : vector<1x16xf32> to vector<16xf32>
            %swap3A_578 = vector.shape_cast %mul3A_573 : vector<16xf32> to vector<1x16xf32>
            tpu.vector_store %arg6[%swap3A_574, %swap3A_575], %swap3A_578 {strides = array<i32>} : memref<250x250xf32, #tpu.memory_space<vmem>>, vector<1x16xf32>,
            %get3A_579 = arith.index_cast %while3A_369 : i32 to index
            %get3A_580 = arith.constant 224 : index
            %get3A_581 = tpu.vector_load %arg6[%get3A_579, %get3A_580] {strides = array<i32>} : memref<250x250xf32, #tpu.memory_space<vmem>>, vector<1x16xf32>,
            %get3A_582 = vector.shape_cast %get3A_581 : vector<1x16xf32> to vector<16xf32>
            %get3A_583 = arith.constant 1 : i32
            %get3A_584 = arith.index_cast %get3A_583 : i32 to index
            %get3A_585 = arith.constant 224 : index
            %get3A_586 = tpu.vector_load %arg8[%get3A_584, %get3A_585] {strides = array<i32>} : memref<4x250xf32, #tpu.memory_space<vmem>>, vector<1x16xf32>,
            %get3A_587 = vector.shape_cast %get3A_586 : vector<1x16xf32> to vector<16xf32>
            %mul3A_588 = arith.mulf %get3A_582, %get3A_587 : vector<16xf32>
            %swap3A_589 = arith.index_cast %while3A_369 : i32 to index
            %swap3A_590 = arith.constant 224 : index
            %swap3A_591 = tpu.vector_load %arg6[%swap3A_589, %swap3A_590] {strides = array<i32>} : memref<250x250xf32, #tpu.memory_space<vmem>>, vector<1x16xf32>,
            %swap3A_592 = vector.shape_cast %swap3A_591 : vector<1x16xf32> to vector<16xf32>
            %swap3A_593 = vector.shape_cast %mul3A_588 : vector<16xf32> to vector<1x16xf32>
            tpu.vector_store %arg6[%swap3A_589, %swap3A_590], %swap3A_593 {strides = array<i32>} : memref<250x250xf32, #tpu.memory_space<vmem>>, vector<1x16xf32>,
            %get3A_594 = arith.index_cast %while3A_369 : i32 to index
            %get3A_595 = arith.constant 234 : index
            %get3A_596 = tpu.vector_load %arg6[%get3A_594, %get3A_595] {strides = array<i32>} : memref<250x250xf32, #tpu.memory_space<vmem>>, vector<1x16xf32>,
            %get3A_597 = vector.shape_cast %get3A_596 : vector<1x16xf32> to vector<16xf32>
            %get3A_598 = arith.constant 1 : i32
            %get3A_599 = arith.index_cast %get3A_598 : i32 to index
            %get3A_600 = arith.constant 234 : index
            %get3A_601 = tpu.vector_load %arg8[%get3A_599, %get3A_600] {strides = array<i32>} : memref<4x250xf32, #tpu.memory_space<vmem>>, vector<1x16xf32>,
            %get3A_602 = vector.shape_cast %get3A_601 : vector<1x16xf32> to vector<16xf32>
            %mul3A_603 = arith.mulf %get3A_597, %get3A_602 : vector<16xf32>
            %swap3A_604 = arith.index_cast %while3A_369 : i32 to index
            %swap3A_605 = arith.constant 234 : index
            %swap3A_606 = tpu.vector_load %arg6[%swap3A_604, %swap3A_605] {strides = array<i32>} : memref<250x250xf32, #tpu.memory_space<vmem>>, vector<1x16xf32>,
            %swap3A_607 = vector.shape_cast %swap3A_606 : vector<1x16xf32> to vector<16xf32>
            %swap3A_608 = vector.shape_cast %mul3A_603 : vector<16xf32> to vector<1x16xf32>
            tpu.vector_store %arg6[%swap3A_604, %swap3A_605], %swap3A_608 {strides = array<i32>} : memref<250x250xf32, #tpu.memory_space<vmem>>, vector<1x16xf32>,
          }
        } else {
        }
        %mul3A_330 = arith.constant 32 : i32
        %mul3A_331 = arith.muli %select_n3A_148, %mul3A_330 : i32
        %ge3A_332 = arith.cmpi sge, %select_n3A_306, %mul3A_331 : i32
        %mul3A_333 = arith.constant 32 : i32
        %mul3A_334 = arith.muli %select_n3A_148, %mul3A_333 : i32
        %add3A_335 = arith.constant 32 : i32
        %add3A_336 = arith.addi %mul3A_334, %add3A_335 : i32
        %lt3A_337 = arith.cmpi slt, %select_n3A_306, %add3A_336 : i32
        %and3A_338 = arith.andi %ge3A_332, %lt3A_337 : i1
        %convert_element_type3A_339 = arith.extui %and3A_338 : i1 to i32
        %cond3A_340 = arith.constant 0 : i32
        %cond3A_341 = arith.cmpi ne, %convert_element_type3A_339, %cond3A_340 : i32
        scf.if %cond3A_341 {
          %mul3A_354 = arith.constant 32 : i32
          %mul3A_355 = arith.muli %select_n3A_188, %mul3A_354 : i32
          %mul3A_356 = arith.constant 32 : i32
          %mul3A_357 = arith.muli %select_n3A_188, %mul3A_356 : i32
          %add3A_358 = arith.constant 32 : i32
          %add3A_359 = arith.addi %mul3A_357, %add3A_358 : i32
          %min3A = arith.constant 250 : i32
          %min3A_360 = arith.minsi %min3A, %add3A_359 : i32
          %while3A = arith.constant 0 : i32
          %while3A_361 = arith.subi %min3A_360, %mul3A_355 : i32
          %while3A_362 = arith.addi %mul3A_355, %while3A_361 : i32
          %while3A_363 = arith.constant 1 : i32
          %while3A_364 = arith.divsi %while3A_361, %while3A_363 : i32
          %while3A_365 = arith.muli %while3A_364, %while3A_363 : i32
          %while3A_366 = arith.addi %mul3A_355, %while3A_365 : i32
          %while3A_367 = arith.constant 1 : i32
          scf.for %while3A_369 = %mul3A_355 to %while3A_366 step %while3A_367  : i32 {
            %get3A_370 = arith.index_cast %while3A_369 : i32 to index
            %get3A_371 = arith.constant 0 : index
            %get3A_372 = tpu.vector_load %arg6[%get3A_370, %get3A_371] {strides = array<i32>} : memref<250x250xf32, #tpu.memory_space<vmem>>, vector<1x16xf32>,
            %get3A_373 = vector.shape_cast %get3A_372 : vector<1x16xf32> to vector<16xf32>
            %get3A_374 = arith.constant 2 : i32
            %get3A_375 = arith.index_cast %get3A_374 : i32 to index
            %get3A_376 = arith.constant 0 : index
            %get3A_377 = tpu.vector_load %arg8[%get3A_375, %get3A_376] {strides = array<i32>} : memref<4x250xf32, #tpu.memory_space<vmem>>, vector<1x16xf32>,
            %get3A_378 = vector.shape_cast %get3A_377 : vector<1x16xf32> to vector<16xf32>
            %mul3A_379 = arith.mulf %get3A_373, %get3A_378 : vector<16xf32>
            %swap3A = arith.index_cast %while3A_369 : i32 to index
            %swap3A_380 = arith.constant 0 : index
            %swap3A_381 = tpu.vector_load %arg6[%swap3A, %swap3A_380] {strides = array<i32>} : memref<250x250xf32, #tpu.memory_space<vmem>>, vector<1x16xf32>,
            %swap3A_382 = vector.shape_cast %swap3A_381 : vector<1x16xf32> to vector<16xf32>
            %swap3A_383 = vector.shape_cast %mul3A_379 : vector<16xf32> to vector<1x16xf32>
            tpu.vector_store %arg6[%swap3A, %swap3A_380], %swap3A_383 {strides = array<i32>} : memref<250x250xf32, #tpu.memory_space<vmem>>, vector<1x16xf32>,
            %get3A_384 = arith.index_cast %while3A_369 : i32 to index
            %get3A_385 = arith.constant 16 : index
            %get3A_386 = tpu.vector_load %arg6[%get3A_384, %get3A_385] {strides = array<i32>} : memref<250x250xf32, #tpu.memory_space<vmem>>, vector<1x16xf32>,
            %get3A_387 = vector.shape_cast %get3A_386 : vector<1x16xf32> to vector<16xf32>
            %get3A_388 = arith.constant 2 : i32
            %get3A_389 = arith.index_cast %get3A_388 : i32 to index
            %get3A_390 = arith.constant 16 : index
            %get3A_391 = tpu.vector_load %arg8[%get3A_389, %get3A_390] {strides = array<i32>} : memref<4x250xf32, #tpu.memory_space<vmem>>, vector<1x16xf32>,
            %get3A_392 = vector.shape_cast %get3A_391 : vector<1x16xf32> to vector<16xf32>
            %mul3A_393 = arith.mulf %get3A_387, %get3A_392 : vector<16xf32>
            %swap3A_394 = arith.index_cast %while3A_369 : i32 to index
            %swap3A_395 = arith.constant 16 : index
            %swap3A_396 = tpu.vector_load %arg6[%swap3A_394, %swap3A_395] {strides = array<i32>} : memref<250x250xf32, #tpu.memory_space<vmem>>, vector<1x16xf32>,
            %swap3A_397 = vector.shape_cast %swap3A_396 : vector<1x16xf32> to vector<16xf32>
            %swap3A_398 = vector.shape_cast %mul3A_393 : vector<16xf32> to vector<1x16xf32>
            tpu.vector_store %arg6[%swap3A_394, %swap3A_395], %swap3A_398 {strides = array<i32>} : memref<250x250xf32, #tpu.memory_space<vmem>>, vector<1x16xf32>,
            %get3A_399 = arith.index_cast %while3A_369 : i32 to index
            %get3A_400 = arith.constant 32 : index
            %get3A_401 = tpu.vector_load %arg6[%get3A_399, %get3A_400] {strides = array<i32>} : memref<250x250xf32, #tpu.memory_space<vmem>>, vector<1x16xf32>,
            %get3A_402 = vector.shape_cast %get3A_401 : vector<1x16xf32> to vector<16xf32>
            %get3A_403 = arith.constant 2 : i32
            %get3A_404 = arith.index_cast %get3A_403 : i32 to index
            %get3A_405 = arith.constant 32 : index
            %get3A_406 = tpu.vector_load %arg8[%get3A_404, %get3A_405] {strides = array<i32>} : memref<4x250xf32, #tpu.memory_space<vmem>>, vector<1x16xf32>,
            %get3A_407 = vector.shape_cast %get3A_406 : vector<1x16xf32> to vector<16xf32>
            %mul3A_408 = arith.mulf %get3A_402, %get3A_407 : vector<16xf32>
            %swap3A_409 = arith.index_cast %while3A_369 : i32 to index
            %swap3A_410 = arith.constant 32 : index
            %swap3A_411 = tpu.vector_load %arg6[%swap3A_409, %swap3A_410] {strides = array<i32>} : memref<250x250xf32, #tpu.memory_space<vmem>>, vector<1x16xf32>,
            %swap3A_412 = vector.shape_cast %swap3A_411 : vector<1x16xf32> to vector<16xf32>
            %swap3A_413 = vector.shape_cast %mul3A_408 : vector<16xf32> to vector<1x16xf32>
            tpu.vector_store %arg6[%swap3A_409, %swap3A_410], %swap3A_413 {strides = array<i32>} : memref<250x250xf32, #tpu.memory_space<vmem>>, vector<1x16xf32>,
            %get3A_414 = arith.index_cast %while3A_369 : i32 to index
            %get3A_415 = arith.constant 48 : index
            %get3A_416 = tpu.vector_load %arg6[%get3A_414, %get3A_415] {strides = array<i32>} : memref<250x250xf32, #tpu.memory_space<vmem>>, vector<1x16xf32>,
            %get3A_417 = vector.shape_cast %get3A_416 : vector<1x16xf32> to vector<16xf32>
            %get3A_418 = arith.constant 2 : i32
            %get3A_419 = arith.index_cast %get3A_418 : i32 to index
            %get3A_420 = arith.constant 48 : index
            %get3A_421 = tpu.vector_load %arg8[%get3A_419, %get3A_420] {strides = array<i32>} : memref<4x250xf32, #tpu.memory_space<vmem>>, vector<1x16xf32>,
            %get3A_422 = vector.shape_cast %get3A_421 : vector<1x16xf32> to vector<16xf32>
            %mul3A_423 = arith.mulf %get3A_417, %get3A_422 : vector<16xf32>
            %swap3A_424 = arith.index_cast %while3A_369 : i32 to index
            %swap3A_425 = arith.constant 48 : index
            %swap3A_426 = tpu.vector_load %arg6[%swap3A_424, %swap3A_425] {strides = array<i32>} : memref<250x250xf32, #tpu.memory_space<vmem>>, vector<1x16xf32>,
            %swap3A_427 = vector.shape_cast %swap3A_426 : vector<1x16xf32> to vector<16xf32>
            %swap3A_428 = vector.shape_cast %mul3A_423 : vector<16xf32> to vector<1x16xf32>
            tpu.vector_store %arg6[%swap3A_424, %swap3A_425], %swap3A_428 {strides = array<i32>} : memref<250x250xf32, #tpu.memory_space<vmem>>, vector<1x16xf32>,
            %get3A_429 = arith.index_cast %while3A_369 : i32 to index
            %get3A_430 = arith.constant 64 : index
            %get3A_431 = tpu.vector_load %arg6[%get3A_429, %get3A_430] {strides = array<i32>} : memref<250x250xf32, #tpu.memory_space<vmem>>, vector<1x16xf32>,
            %get3A_432 = vector.shape_cast %get3A_431 : vector<1x16xf32> to vector<16xf32>
            %get3A_433 = arith.constant 2 : i32
            %get3A_434 = arith.index_cast %get3A_433 : i32 to index
            %get3A_435 = arith.constant 64 : index
            %get3A_436 = tpu.vector_load %arg8[%get3A_434, %get3A_435] {strides = array<i32>} : memref<4x250xf32, #tpu.memory_space<vmem>>, vector<1x16xf32>,
            %get3A_437 = vector.shape_cast %get3A_436 : vector<1x16xf32> to vector<16xf32>
            %mul3A_438 = arith.mulf %get3A_432, %get3A_437 : vector<16xf32>
            %swap3A_439 = arith.index_cast %while3A_369 : i32 to index
            %swap3A_440 = arith.constant 64 : index
            %swap3A_441 = tpu.vector_load %arg6[%swap3A_439, %swap3A_440] {strides = array<i32>} : memref<250x250xf32, #tpu.memory_space<vmem>>, vector<1x16xf32>,
            %swap3A_442 = vector.shape_cast %swap3A_441 : vector<1x16xf32> to vector<16xf32>
            %swap3A_443 = vector.shape_cast %mul3A_438 : vector<16xf32> to vector<1x16xf32>
            tpu.vector_store %arg6[%swap3A_439, %swap3A_440], %swap3A_443 {strides = array<i32>} : memref<250x250xf32, #tpu.memory_space<vmem>>, vector<1x16xf32>,
            %get3A_444 = arith.index_cast %while3A_369 : i32 to index
            %get3A_445 = arith.constant 80 : index
            %get3A_446 = tpu.vector_load %arg6[%get3A_444, %get3A_445] {strides = array<i32>} : memref<250x250xf32, #tpu.memory_space<vmem>>, vector<1x16xf32>,
            %get3A_447 = vector.shape_cast %get3A_446 : vector<1x16xf32> to vector<16xf32>
            %get3A_448 = arith.constant 2 : i32
            %get3A_449 = arith.index_cast %get3A_448 : i32 to index
            %get3A_450 = arith.constant 80 : index
            %get3A_451 = tpu.vector_load %arg8[%get3A_449, %get3A_450] {strides = array<i32>} : memref<4x250xf32, #tpu.memory_space<vmem>>, vector<1x16xf32>,
            %get3A_452 = vector.shape_cast %get3A_451 : vector<1x16xf32> to vector<16xf32>
            %mul3A_453 = arith.mulf %get3A_447, %get3A_452 : vector<16xf32>
            %swap3A_454 = arith.index_cast %while3A_369 : i32 to index
            %swap3A_455 = arith.constant 80 : index
            %swap3A_456 = tpu.vector_load %arg6[%swap3A_454, %swap3A_455] {strides = array<i32>} : memref<250x250xf32, #tpu.memory_space<vmem>>, vector<1x16xf32>,
            %swap3A_457 = vector.shape_cast %swap3A_456 : vector<1x16xf32> to vector<16xf32>
            %swap3A_458 = vector.shape_cast %mul3A_453 : vector<16xf32> to vector<1x16xf32>
            tpu.vector_store %arg6[%swap3A_454, %swap3A_455], %swap3A_458 {strides = array<i32>} : memref<250x250xf32, #tpu.memory_space<vmem>>, vector<1x16xf32>,
            %get3A_459 = arith.index_cast %while3A_369 : i32 to index
            %get3A_460 = arith.constant 96 : index
            %get3A_461 = tpu.vector_load %arg6[%get3A_459, %get3A_460] {strides = array<i32>} : memref<250x250xf32, #tpu.memory_space<vmem>>, vector<1x16xf32>,
            %get3A_462 = vector.shape_cast %get3A_461 : vector<1x16xf32> to vector<16xf32>
            %get3A_463 = arith.constant 2 : i32
            %get3A_464 = arith.index_cast %get3A_463 : i32 to index
            %get3A_465 = arith.constant 96 : index
            %get3A_466 = tpu.vector_load %arg8[%get3A_464, %get3A_465] {strides = array<i32>} : memref<4x250xf32, #tpu.memory_space<vmem>>, vector<1x16xf32>,
            %get3A_467 = vector.shape_cast %get3A_466 : vector<1x16xf32> to vector<16xf32>
            %mul3A_468 = arith.mulf %get3A_462, %get3A_467 : vector<16xf32>
            %swap3A_469 = arith.index_cast %while3A_369 : i32 to index
            %swap3A_470 = arith.constant 96 : index
            %swap3A_471 = tpu.vector_load %arg6[%swap3A_469, %swap3A_470] {strides = array<i32>} : memref<250x250xf32, #tpu.memory_space<vmem>>, vector<1x16xf32>,
            %swap3A_472 = vector.shape_cast %swap3A_471 : vector<1x16xf32> to vector<16xf32>
            %swap3A_473 = vector.shape_cast %mul3A_468 : vector<16xf32> to vector<1x16xf32>
            tpu.vector_store %arg6[%swap3A_469, %swap3A_470], %swap3A_473 {strides = array<i32>} : memref<250x250xf32, #tpu.memory_space<vmem>>, vector<1x16xf32>,
            %get3A_474 = arith.index_cast %while3A_369 : i32 to index
            %get3A_475 = arith.constant 112 : index
            %get3A_476 = tpu.vector_load %arg6[%get3A_474, %get3A_475] {strides = array<i32>} : memref<250x250xf32, #tpu.memory_space<vmem>>, vector<1x16xf32>,
            %get3A_477 = vector.shape_cast %get3A_476 : vector<1x16xf32> to vector<16xf32>
            %get3A_478 = arith.constant 2 : i32
            %get3A_479 = arith.index_cast %get3A_478 : i32 to index
            %get3A_480 = arith.constant 112 : index
            %get3A_481 = tpu.vector_load %arg8[%get3A_479, %get3A_480] {strides = array<i32>} : memref<4x250xf32, #tpu.memory_space<vmem>>, vector<1x16xf32>,
            %get3A_482 = vector.shape_cast %get3A_481 : vector<1x16xf32> to vector<16xf32>
            %mul3A_483 = arith.mulf %get3A_477, %get3A_482 : vector<16xf32>
            %swap3A_484 = arith.index_cast %while3A_369 : i32 to index
            %swap3A_485 = arith.constant 112 : index
            %swap3A_486 = tpu.vector_load %arg6[%swap3A_484, %swap3A_485] {strides = array<i32>} : memref<250x250xf32, #tpu.memory_space<vmem>>, vector<1x16xf32>,
            %swap3A_487 = vector.shape_cast %swap3A_486 : vector<1x16xf32> to vector<16xf32>
            %swap3A_488 = vector.shape_cast %mul3A_483 : vector<16xf32> to vector<1x16xf32>
            tpu.vector_store %arg6[%swap3A_484, %swap3A_485], %swap3A_488 {strides = array<i32>} : memref<250x250xf32, #tpu.memory_space<vmem>>, vector<1x16xf32>,
            %get3A_489 = arith.index_cast %while3A_369 : i32 to index
            %get3A_490 = arith.constant 128 : index
            %get3A_491 = tpu.vector_load %arg6[%get3A_489, %get3A_490] {strides = array<i32>} : memref<250x250xf32, #tpu.memory_space<vmem>>, vector<1x16xf32>,
            %get3A_492 = vector.shape_cast %get3A_491 : vector<1x16xf32> to vector<16xf32>
            %get3A_493 = arith.constant 2 : i32
            %get3A_494 = arith.index_cast %get3A_493 : i32 to index
            %get3A_495 = arith.constant 128 : index
            %get3A_496 = tpu.vector_load %arg8[%get3A_494, %get3A_495] {strides = array<i32>} : memref<4x250xf32, #tpu.memory_space<vmem>>, vector<1x16xf32>,
            %get3A_497 = vector.shape_cast %get3A_496 : vector<1x16xf32> to vector<16xf32>
            %mul3A_498 = arith.mulf %get3A_492, %get3A_497 : vector<16xf32>
            %swap3A_499 = arith.index_cast %while3A_369 : i32 to index
            %swap3A_500 = arith.constant 128 : index
            %swap3A_501 = tpu.vector_load %arg6[%swap3A_499, %swap3A_500] {strides = array<i32>} : memref<250x250xf32, #tpu.memory_space<vmem>>, vector<1x16xf32>,
            %swap3A_502 = vector.shape_cast %swap3A_501 : vector<1x16xf32> to vector<16xf32>
            %swap3A_503 = vector.shape_cast %mul3A_498 : vector<16xf32> to vector<1x16xf32>
            tpu.vector_store %arg6[%swap3A_499, %swap3A_500], %swap3A_503 {strides = array<i32>} : memref<250x250xf32, #tpu.memory_space<vmem>>, vector<1x16xf32>,
            %get3A_504 = arith.index_cast %while3A_369 : i32 to index
            %get3A_505 = arith.constant 144 : index
            %get3A_506 = tpu.vector_load %arg6[%get3A_504, %get3A_505] {strides = array<i32>} : memref<250x250xf32, #tpu.memory_space<vmem>>, vector<1x16xf32>,
            %get3A_507 = vector.shape_cast %get3A_506 : vector<1x16xf32> to vector<16xf32>
            %get3A_508 = arith.constant 2 : i32
            %get3A_509 = arith.index_cast %get3A_508 : i32 to index
            %get3A_510 = arith.constant 144 : index
            %get3A_511 = tpu.vector_load %arg8[%get3A_509, %get3A_510] {strides = array<i32>} : memref<4x250xf32, #tpu.memory_space<vmem>>, vector<1x16xf32>,
            %get3A_512 = vector.shape_cast %get3A_511 : vector<1x16xf32> to vector<16xf32>
            %mul3A_513 = arith.mulf %get3A_507, %get3A_512 : vector<16xf32>
            %swap3A_514 = arith.index_cast %while3A_369 : i32 to index
            %swap3A_515 = arith.constant 144 : index
            %swap3A_516 = tpu.vector_load %arg6[%swap3A_514, %swap3A_515] {strides = array<i32>} : memref<250x250xf32, #tpu.memory_space<vmem>>, vector<1x16xf32>,
            %swap3A_517 = vector.shape_cast %swap3A_516 : vector<1x16xf32> to vector<16xf32>
            %swap3A_518 = vector.shape_cast %mul3A_513 : vector<16xf32> to vector<1x16xf32>
            tpu.vector_store %arg6[%swap3A_514, %swap3A_515], %swap3A_518 {strides = array<i32>} : memref<250x250xf32, #tpu.memory_space<vmem>>, vector<1x16xf32>,
            %get3A_519 = arith.index_cast %while3A_369 : i32 to index
            %get3A_520 = arith.constant 160 : index
            %get3A_521 = tpu.vector_load %arg6[%get3A_519, %get3A_520] {strides = array<i32>} : memref<250x250xf32, #tpu.memory_space<vmem>>, vector<1x16xf32>,
            %get3A_522 = vector.shape_cast %get3A_521 : vector<1x16xf32> to vector<16xf32>
            %get3A_523 = arith.constant 2 : i32
            %get3A_524 = arith.index_cast %get3A_523 : i32 to index
            %get3A_525 = arith.constant 160 : index
            %get3A_526 = tpu.vector_load %arg8[%get3A_524, %get3A_525] {strides = array<i32>} : memref<4x250xf32, #tpu.memory_space<vmem>>, vector<1x16xf32>,
            %get3A_527 = vector.shape_cast %get3A_526 : vector<1x16xf32> to vector<16xf32>
            %mul3A_528 = arith.mulf %get3A_522, %get3A_527 : vector<16xf32>
            %swap3A_529 = arith.index_cast %while3A_369 : i32 to index
            %swap3A_530 = arith.constant 160 : index
            %swap3A_531 = tpu.vector_load %arg6[%swap3A_529, %swap3A_530] {strides = array<i32>} : memref<250x250xf32, #tpu.memory_space<vmem>>, vector<1x16xf32>,
            %swap3A_532 = vector.shape_cast %swap3A_531 : vector<1x16xf32> to vector<16xf32>
            %swap3A_533 = vector.shape_cast %mul3A_528 : vector<16xf32> to vector<1x16xf32>
            tpu.vector_store %arg6[%swap3A_529, %swap3A_530], %swap3A_533 {strides = array<i32>} : memref<250x250xf32, #tpu.memory_space<vmem>>, vector<1x16xf32>,
            %get3A_534 = arith.index_cast %while3A_369 : i32 to index
            %get3A_535 = arith.constant 176 : index
            %get3A_536 = tpu.vector_load %arg6[%get3A_534, %get3A_535] {strides = array<i32>} : memref<250x250xf32, #tpu.memory_space<vmem>>, vector<1x16xf32>,
            %get3A_537 = vector.shape_cast %get3A_536 : vector<1x16xf32> to vector<16xf32>
            %get3A_538 = arith.constant 2 : i32
            %get3A_539 = arith.index_cast %get3A_538 : i32 to index
            %get3A_540 = arith.constant 176 : index
            %get3A_541 = tpu.vector_load %arg8[%get3A_539, %get3A_540] {strides = array<i32>} : memref<4x250xf32, #tpu.memory_space<vmem>>, vector<1x16xf32>,
            %get3A_542 = vector.shape_cast %get3A_541 : vector<1x16xf32> to vector<16xf32>
            %mul3A_543 = arith.mulf %get3A_537, %get3A_542 : vector<16xf32>
            %swap3A_544 = arith.index_cast %while3A_369 : i32 to index
            %swap3A_545 = arith.constant 176 : index
            %swap3A_546 = tpu.vector_load %arg6[%swap3A_544, %swap3A_545] {strides = array<i32>} : memref<250x250xf32, #tpu.memory_space<vmem>>, vector<1x16xf32>,
            %swap3A_547 = vector.shape_cast %swap3A_546 : vector<1x16xf32> to vector<16xf32>
            %swap3A_548 = vector.shape_cast %mul3A_543 : vector<16xf32> to vector<1x16xf32>
            tpu.vector_store %arg6[%swap3A_544, %swap3A_545], %swap3A_548 {strides = array<i32>} : memref<250x250xf32, #tpu.memory_space<vmem>>, vector<1x16xf32>,
            %get3A_549 = arith.index_cast %while3A_369 : i32 to index
            %get3A_550 = arith.constant 192 : index
            %get3A_551 = tpu.vector_load %arg6[%get3A_549, %get3A_550] {strides = array<i32>} : memref<250x250xf32, #tpu.memory_space<vmem>>, vector<1x16xf32>,
            %get3A_552 = vector.shape_cast %get3A_551 : vector<1x16xf32> to vector<16xf32>
            %get3A_553 = arith.constant 2 : i32
            %get3A_554 = arith.index_cast %get3A_553 : i32 to index
            %get3A_555 = arith.constant 192 : index
            %get3A_556 = tpu.vector_load %arg8[%get3A_554, %get3A_555] {strides = array<i32>} : memref<4x250xf32, #tpu.memory_space<vmem>>, vector<1x16xf32>,
            %get3A_557 = vector.shape_cast %get3A_556 : vector<1x16xf32> to vector<16xf32>
            %mul3A_558 = arith.mulf %get3A_552, %get3A_557 : vector<16xf32>
            %swap3A_559 = arith.index_cast %while3A_369 : i32 to index
            %swap3A_560 = arith.constant 192 : index
            %swap3A_561 = tpu.vector_load %arg6[%swap3A_559, %swap3A_560] {strides = array<i32>} : memref<250x250xf32, #tpu.memory_space<vmem>>, vector<1x16xf32>,
            %swap3A_562 = vector.shape_cast %swap3A_561 : vector<1x16xf32> to vector<16xf32>
            %swap3A_563 = vector.shape_cast %mul3A_558 : vector<16xf32> to vector<1x16xf32>
            tpu.vector_store %arg6[%swap3A_559, %swap3A_560], %swap3A_563 {strides = array<i32>} : memref<250x250xf32, #tpu.memory_space<vmem>>, vector<1x16xf32>,
            %get3A_564 = arith.index_cast %while3A_369 : i32 to index
            %get3A_565 = arith.constant 208 : index
            %get3A_566 = tpu.vector_load %arg6[%get3A_564, %get3A_565] {strides = array<i32>} : memref<250x250xf32, #tpu.memory_space<vmem>>, vector<1x16xf32>,
            %get3A_567 = vector.shape_cast %get3A_566 : vector<1x16xf32> to vector<16xf32>
            %get3A_568 = arith.constant 2 : i32
            %get3A_569 = arith.index_cast %get3A_568 : i32 to index
            %get3A_570 = arith.constant 208 : index
            %get3A_571 = tpu.vector_load %arg8[%get3A_569, %get3A_570] {strides = array<i32>} : memref<4x250xf32, #tpu.memory_space<vmem>>, vector<1x16xf32>,
            %get3A_572 = vector.shape_cast %get3A_571 : vector<1x16xf32> to vector<16xf32>
            %mul3A_573 = arith.mulf %get3A_567, %get3A_572 : vector<16xf32>
            %swap3A_574 = arith.index_cast %while3A_369 : i32 to index
            %swap3A_575 = arith.constant 208 : index
            %swap3A_576 = tpu.vector_load %arg6[%swap3A_574, %swap3A_575] {strides = array<i32>} : memref<250x250xf32, #tpu.memory_space<vmem>>, vector<1x16xf32>,
            %swap3A_577 = vector.shape_cast %swap3A_576 : vector<1x16xf32> to vector<16xf32>
            %swap3A_578 = vector.shape_cast %mul3A_573 : vector<16xf32> to vector<1x16xf32>
            tpu.vector_store %arg6[%swap3A_574, %swap3A_575], %swap3A_578 {strides = array<i32>} : memref<250x250xf32, #tpu.memory_space<vmem>>, vector<1x16xf32>,
            %get3A_579 = arith.index_cast %while3A_369 : i32 to index
            %get3A_580 = arith.constant 224 : index
            %get3A_581 = tpu.vector_load %arg6[%get3A_579, %get3A_580] {strides = array<i32>} : memref<250x250xf32, #tpu.memory_space<vmem>>, vector<1x16xf32>,
            %get3A_582 = vector.shape_cast %get3A_581 : vector<1x16xf32> to vector<16xf32>
            %get3A_583 = arith.constant 2 : i32
            %get3A_584 = arith.index_cast %get3A_583 : i32 to index
            %get3A_585 = arith.constant 224 : index
            %get3A_586 = tpu.vector_load %arg8[%get3A_584, %get3A_585] {strides = array<i32>} : memref<4x250xf32, #tpu.memory_space<vmem>>, vector<1x16xf32>,
            %get3A_587 = vector.shape_cast %get3A_586 : vector<1x16xf32> to vector<16xf32>
            %mul3A_588 = arith.mulf %get3A_582, %get3A_587 : vector<16xf32>
            %swap3A_589 = arith.index_cast %while3A_369 : i32 to index
            %swap3A_590 = arith.constant 224 : index
            %swap3A_591 = tpu.vector_load %arg6[%swap3A_589, %swap3A_590] {strides = array<i32>} : memref<250x250xf32, #tpu.memory_space<vmem>>, vector<1x16xf32>,
            %swap3A_592 = vector.shape_cast %swap3A_591 : vector<1x16xf32> to vector<16xf32>
            %swap3A_593 = vector.shape_cast %mul3A_588 : vector<16xf32> to vector<1x16xf32>
            tpu.vector_store %arg6[%swap3A_589, %swap3A_590], %swap3A_593 {strides = array<i32>} : memref<250x250xf32, #tpu.memory_space<vmem>>, vector<1x16xf32>,
            %get3A_594 = arith.index_cast %while3A_369 : i32 to index
            %get3A_595 = arith.constant 234 : index
            %get3A_596 = tpu.vector_load %arg6[%get3A_594, %get3A_595] {strides = array<i32>} : memref<250x250xf32, #tpu.memory_space<vmem>>, vector<1x16xf32>,
            %get3A_597 = vector.shape_cast %get3A_596 : vector<1x16xf32> to vector<16xf32>
            %get3A_598 = arith.constant 2 : i32
            %get3A_599 = arith.index_cast %get3A_598 : i32 to index
            %get3A_600 = arith.constant 234 : index
            %get3A_601 = tpu.vector_load %arg8[%get3A_599, %get3A_600] {strides = array<i32>} : memref<4x250xf32, #tpu.memory_space<vmem>>, vector<1x16xf32>,
            %get3A_602 = vector.shape_cast %get3A_601 : vector<1x16xf32> to vector<16xf32>
            %mul3A_603 = arith.mulf %get3A_597, %get3A_602 : vector<16xf32>
            %swap3A_604 = arith.index_cast %while3A_369 : i32 to index
            %swap3A_605 = arith.constant 234 : index
            %swap3A_606 = tpu.vector_load %arg6[%swap3A_604, %swap3A_605] {strides = array<i32>} : memref<250x250xf32, #tpu.memory_space<vmem>>, vector<1x16xf32>,
            %swap3A_607 = vector.shape_cast %swap3A_606 : vector<1x16xf32> to vector<16xf32>
            %swap3A_608 = vector.shape_cast %mul3A_603 : vector<16xf32> to vector<1x16xf32>
            tpu.vector_store %arg6[%swap3A_604, %swap3A_605], %swap3A_608 {strides = array<i32>} : memref<250x250xf32, #tpu.memory_space<vmem>>, vector<1x16xf32>,
          }
          %while3A_368 = arith.constant 1 : i32
          scf.for %while3A_369 = %while3A_366 to %while3A_362 step %while3A_368  : i32 {
            %get3A_370 = arith.index_cast %while3A_369 : i32 to index
            %get3A_371 = arith.constant 0 : index
            %get3A_372 = tpu.vector_load %arg6[%get3A_370, %get3A_371] {strides = array<i32>} : memref<250x250xf32, #tpu.memory_space<vmem>>, vector<1x16xf32>,
            %get3A_373 = vector.shape_cast %get3A_372 : vector<1x16xf32> to vector<16xf32>
            %get3A_374 = arith.constant 2 : i32
            %get3A_375 = arith.index_cast %get3A_374 : i32 to index
            %get3A_376 = arith.constant 0 : index
            %get3A_377 = tpu.vector_load %arg8[%get3A_375, %get3A_376] {strides = array<i32>} : memref<4x250xf32, #tpu.memory_space<vmem>>, vector<1x16xf32>,
            %get3A_378 = vector.shape_cast %get3A_377 : vector<1x16xf32> to vector<16xf32>
            %mul3A_379 = arith.mulf %get3A_373, %get3A_378 : vector<16xf32>
            %swap3A = arith.index_cast %while3A_369 : i32 to index
            %swap3A_380 = arith.constant 0 : index
            %swap3A_381 = tpu.vector_load %arg6[%swap3A, %swap3A_380] {strides = array<i32>} : memref<250x250xf32, #tpu.memory_space<vmem>>, vector<1x16xf32>,
            %swap3A_382 = vector.shape_cast %swap3A_381 : vector<1x16xf32> to vector<16xf32>
            %swap3A_383 = vector.shape_cast %mul3A_379 : vector<16xf32> to vector<1x16xf32>
            tpu.vector_store %arg6[%swap3A, %swap3A_380], %swap3A_383 {strides = array<i32>} : memref<250x250xf32, #tpu.memory_space<vmem>>, vector<1x16xf32>,
            %get3A_384 = arith.index_cast %while3A_369 : i32 to index
            %get3A_385 = arith.constant 16 : index
            %get3A_386 = tpu.vector_load %arg6[%get3A_384, %get3A_385] {strides = array<i32>} : memref<250x250xf32, #tpu.memory_space<vmem>>, vector<1x16xf32>,
            %get3A_387 = vector.shape_cast %get3A_386 : vector<1x16xf32> to vector<16xf32>
            %get3A_388 = arith.constant 2 : i32
            %get3A_389 = arith.index_cast %get3A_388 : i32 to index
            %get3A_390 = arith.constant 16 : index
            %get3A_391 = tpu.vector_load %arg8[%get3A_389, %get3A_390] {strides = array<i32>} : memref<4x250xf32, #tpu.memory_space<vmem>>, vector<1x16xf32>,
            %get3A_392 = vector.shape_cast %get3A_391 : vector<1x16xf32> to vector<16xf32>
            %mul3A_393 = arith.mulf %get3A_387, %get3A_392 : vector<16xf32>
            %swap3A_394 = arith.index_cast %while3A_369 : i32 to index
            %swap3A_395 = arith.constant 16 : index
            %swap3A_396 = tpu.vector_load %arg6[%swap3A_394, %swap3A_395] {strides = array<i32>} : memref<250x250xf32, #tpu.memory_space<vmem>>, vector<1x16xf32>,
            %swap3A_397 = vector.shape_cast %swap3A_396 : vector<1x16xf32> to vector<16xf32>
            %swap3A_398 = vector.shape_cast %mul3A_393 : vector<16xf32> to vector<1x16xf32>
            tpu.vector_store %arg6[%swap3A_394, %swap3A_395], %swap3A_398 {strides = array<i32>} : memref<250x250xf32, #tpu.memory_space<vmem>>, vector<1x16xf32>,
            %get3A_399 = arith.index_cast %while3A_369 : i32 to index
            %get3A_400 = arith.constant 32 : index
            %get3A_401 = tpu.vector_load %arg6[%get3A_399, %get3A_400] {strides = array<i32>} : memref<250x250xf32, #tpu.memory_space<vmem>>, vector<1x16xf32>,
            %get3A_402 = vector.shape_cast %get3A_401 : vector<1x16xf32> to vector<16xf32>
            %get3A_403 = arith.constant 2 : i32
            %get3A_404 = arith.index_cast %get3A_403 : i32 to index
            %get3A_405 = arith.constant 32 : index
            %get3A_406 = tpu.vector_load %arg8[%get3A_404, %get3A_405] {strides = array<i32>} : memref<4x250xf32, #tpu.memory_space<vmem>>, vector<1x16xf32>,
            %get3A_407 = vector.shape_cast %get3A_406 : vector<1x16xf32> to vector<16xf32>
            %mul3A_408 = arith.mulf %get3A_402, %get3A_407 : vector<16xf32>
            %swap3A_409 = arith.index_cast %while3A_369 : i32 to index
            %swap3A_410 = arith.constant 32 : index
            %swap3A_411 = tpu.vector_load %arg6[%swap3A_409, %swap3A_410] {strides = array<i32>} : memref<250x250xf32, #tpu.memory_space<vmem>>, vector<1x16xf32>,
            %swap3A_412 = vector.shape_cast %swap3A_411 : vector<1x16xf32> to vector<16xf32>
            %swap3A_413 = vector.shape_cast %mul3A_408 : vector<16xf32> to vector<1x16xf32>
            tpu.vector_store %arg6[%swap3A_409, %swap3A_410], %swap3A_413 {strides = array<i32>} : memref<250x250xf32, #tpu.memory_space<vmem>>, vector<1x16xf32>,
            %get3A_414 = arith.index_cast %while3A_369 : i32 to index
            %get3A_415 = arith.constant 48 : index
            %get3A_416 = tpu.vector_load %arg6[%get3A_414, %get3A_415] {strides = array<i32>} : memref<250x250xf32, #tpu.memory_space<vmem>>, vector<1x16xf32>,
            %get3A_417 = vector.shape_cast %get3A_416 : vector<1x16xf32> to vector<16xf32>
            %get3A_418 = arith.constant 2 : i32
            %get3A_419 = arith.index_cast %get3A_418 : i32 to index
            %get3A_420 = arith.constant 48 : index
            %get3A_421 = tpu.vector_load %arg8[%get3A_419, %get3A_420] {strides = array<i32>} : memref<4x250xf32, #tpu.memory_space<vmem>>, vector<1x16xf32>,
            %get3A_422 = vector.shape_cast %get3A_421 : vector<1x16xf32> to vector<16xf32>
            %mul3A_423 = arith.mulf %get3A_417, %get3A_422 : vector<16xf32>
            %swap3A_424 = arith.index_cast %while3A_369 : i32 to index
            %swap3A_425 = arith.constant 48 : index
            %swap3A_426 = tpu.vector_load %arg6[%swap3A_424, %swap3A_425] {strides = array<i32>} : memref<250x250xf32, #tpu.memory_space<vmem>>, vector<1x16xf32>,
            %swap3A_427 = vector.shape_cast %swap3A_426 : vector<1x16xf32> to vector<16xf32>
            %swap3A_428 = vector.shape_cast %mul3A_423 : vector<16xf32> to vector<1x16xf32>
            tpu.vector_store %arg6[%swap3A_424, %swap3A_425], %swap3A_428 {strides = array<i32>} : memref<250x250xf32, #tpu.memory_space<vmem>>, vector<1x16xf32>,
            %get3A_429 = arith.index_cast %while3A_369 : i32 to index
            %get3A_430 = arith.constant 64 : index
            %get3A_431 = tpu.vector_load %arg6[%get3A_429, %get3A_430] {strides = array<i32>} : memref<250x250xf32, #tpu.memory_space<vmem>>, vector<1x16xf32>,
            %get3A_432 = vector.shape_cast %get3A_431 : vector<1x16xf32> to vector<16xf32>
            %get3A_433 = arith.constant 2 : i32
            %get3A_434 = arith.index_cast %get3A_433 : i32 to index
            %get3A_435 = arith.constant 64 : index
            %get3A_436 = tpu.vector_load %arg8[%get3A_434, %get3A_435] {strides = array<i32>} : memref<4x250xf32, #tpu.memory_space<vmem>>, vector<1x16xf32>,
            %get3A_437 = vector.shape_cast %get3A_436 : vector<1x16xf32> to vector<16xf32>
            %mul3A_438 = arith.mulf %get3A_432, %get3A_437 : vector<16xf32>
            %swap3A_439 = arith.index_cast %while3A_369 : i32 to index
            %swap3A_440 = arith.constant 64 : index
            %swap3A_441 = tpu.vector_load %arg6[%swap3A_439, %swap3A_440] {strides = array<i32>} : memref<250x250xf32, #tpu.memory_space<vmem>>, vector<1x16xf32>,
            %swap3A_442 = vector.shape_cast %swap3A_441 : vector<1x16xf32> to vector<16xf32>
            %swap3A_443 = vector.shape_cast %mul3A_438 : vector<16xf32> to vector<1x16xf32>
            tpu.vector_store %arg6[%swap3A_439, %swap3A_440], %swap3A_443 {strides = array<i32>} : memref<250x250xf32, #tpu.memory_space<vmem>>, vector<1x16xf32>,
            %get3A_444 = arith.index_cast %while3A_369 : i32 to index
            %get3A_445 = arith.constant 80 : index
            %get3A_446 = tpu.vector_load %arg6[%get3A_444, %get3A_445] {strides = array<i32>} : memref<250x250xf32, #tpu.memory_space<vmem>>, vector<1x16xf32>,
            %get3A_447 = vector.shape_cast %get3A_446 : vector<1x16xf32> to vector<16xf32>
            %get3A_448 = arith.constant 2 : i32
            %get3A_449 = arith.index_cast %get3A_448 : i32 to index
            %get3A_450 = arith.constant 80 : index
            %get3A_451 = tpu.vector_load %arg8[%get3A_449, %get3A_450] {strides = array<i32>} : memref<4x250xf32, #tpu.memory_space<vmem>>, vector<1x16xf32>,
            %get3A_452 = vector.shape_cast %get3A_451 : vector<1x16xf32> to vector<16xf32>
            %mul3A_453 = arith.mulf %get3A_447, %get3A_452 : vector<16xf32>
            %swap3A_454 = arith.index_cast %while3A_369 : i32 to index
            %swap3A_455 = arith.constant 80 : index
            %swap3A_456 = tpu.vector_load %arg6[%swap3A_454, %swap3A_455] {strides = array<i32>} : memref<250x250xf32, #tpu.memory_space<vmem>>, vector<1x16xf32>,
            %swap3A_457 = vector.shape_cast %swap3A_456 : vector<1x16xf32> to vector<16xf32>
            %swap3A_458 = vector.shape_cast %mul3A_453 : vector<16xf32> to vector<1x16xf32>
            tpu.vector_store %arg6[%swap3A_454, %swap3A_455], %swap3A_458 {strides = array<i32>} : memref<250x250xf32, #tpu.memory_space<vmem>>, vector<1x16xf32>,
            %get3A_459 = arith.index_cast %while3A_369 : i32 to index
            %get3A_460 = arith.constant 96 : index
            %get3A_461 = tpu.vector_load %arg6[%get3A_459, %get3A_460] {strides = array<i32>} : memref<250x250xf32, #tpu.memory_space<vmem>>, vector<1x16xf32>,
            %get3A_462 = vector.shape_cast %get3A_461 : vector<1x16xf32> to vector<16xf32>
            %get3A_463 = arith.constant 2 : i32
            %get3A_464 = arith.index_cast %get3A_463 : i32 to index
            %get3A_465 = arith.constant 96 : index
            %get3A_466 = tpu.vector_load %arg8[%get3A_464, %get3A_465] {strides = array<i32>} : memref<4x250xf32, #tpu.memory_space<vmem>>, vector<1x16xf32>,
            %get3A_467 = vector.shape_cast %get3A_466 : vector<1x16xf32> to vector<16xf32>
            %mul3A_468 = arith.mulf %get3A_462, %get3A_467 : vector<16xf32>
            %swap3A_469 = arith.index_cast %while3A_369 : i32 to index
            %swap3A_470 = arith.constant 96 : index
            %swap3A_471 = tpu.vector_load %arg6[%swap3A_469, %swap3A_470] {strides = array<i32>} : memref<250x250xf32, #tpu.memory_space<vmem>>, vector<1x16xf32>,
            %swap3A_472 = vector.shape_cast %swap3A_471 : vector<1x16xf32> to vector<16xf32>
            %swap3A_473 = vector.shape_cast %mul3A_468 : vector<16xf32> to vector<1x16xf32>
            tpu.vector_store %arg6[%swap3A_469, %swap3A_470], %swap3A_473 {strides = array<i32>} : memref<250x250xf32, #tpu.memory_space<vmem>>, vector<1x16xf32>,
            %get3A_474 = arith.index_cast %while3A_369 : i32 to index
            %get3A_475 = arith.constant 112 : index
            %get3A_476 = tpu.vector_load %arg6[%get3A_474, %get3A_475] {strides = array<i32>} : memref<250x250xf32, #tpu.memory_space<vmem>>, vector<1x16xf32>,
            %get3A_477 = vector.shape_cast %get3A_476 : vector<1x16xf32> to vector<16xf32>
            %get3A_478 = arith.constant 2 : i32
            %get3A_479 = arith.index_cast %get3A_478 : i32 to index
            %get3A_480 = arith.constant 112 : index
            %get3A_481 = tpu.vector_load %arg8[%get3A_479, %get3A_480] {strides = array<i32>} : memref<4x250xf32, #tpu.memory_space<vmem>>, vector<1x16xf32>,
            %get3A_482 = vector.shape_cast %get3A_481 : vector<1x16xf32> to vector<16xf32>
            %mul3A_483 = arith.mulf %get3A_477, %get3A_482 : vector<16xf32>
            %swap3A_484 = arith.index_cast %while3A_369 : i32 to index
            %swap3A_485 = arith.constant 112 : index
            %swap3A_486 = tpu.vector_load %arg6[%swap3A_484, %swap3A_485] {strides = array<i32>} : memref<250x250xf32, #tpu.memory_space<vmem>>, vector<1x16xf32>,
            %swap3A_487 = vector.shape_cast %swap3A_486 : vector<1x16xf32> to vector<16xf32>
            %swap3A_488 = vector.shape_cast %mul3A_483 : vector<16xf32> to vector<1x16xf32>
            tpu.vector_store %arg6[%swap3A_484, %swap3A_485], %swap3A_488 {strides = array<i32>} : memref<250x250xf32, #tpu.memory_space<vmem>>, vector<1x16xf32>,
            %get3A_489 = arith.index_cast %while3A_369 : i32 to index
            %get3A_490 = arith.constant 128 : index
            %get3A_491 = tpu.vector_load %arg6[%get3A_489, %get3A_490] {strides = array<i32>} : memref<250x250xf32, #tpu.memory_space<vmem>>, vector<1x16xf32>,
            %get3A_492 = vector.shape_cast %get3A_491 : vector<1x16xf32> to vector<16xf32>
            %get3A_493 = arith.constant 2 : i32
            %get3A_494 = arith.index_cast %get3A_493 : i32 to index
            %get3A_495 = arith.constant 128 : index
            %get3A_496 = tpu.vector_load %arg8[%get3A_494, %get3A_495] {strides = array<i32>} : memref<4x250xf32, #tpu.memory_space<vmem>>, vector<1x16xf32>,
            %get3A_497 = vector.shape_cast %get3A_496 : vector<1x16xf32> to vector<16xf32>
            %mul3A_498 = arith.mulf %get3A_492, %get3A_497 : vector<16xf32>
            %swap3A_499 = arith.index_cast %while3A_369 : i32 to index
            %swap3A_500 = arith.constant 128 : index
            %swap3A_501 = tpu.vector_load %arg6[%swap3A_499, %swap3A_500] {strides = array<i32>} : memref<250x250xf32, #tpu.memory_space<vmem>>, vector<1x16xf32>,
            %swap3A_502 = vector.shape_cast %swap3A_501 : vector<1x16xf32> to vector<16xf32>
            %swap3A_503 = vector.shape_cast %mul3A_498 : vector<16xf32> to vector<1x16xf32>
            tpu.vector_store %arg6[%swap3A_499, %swap3A_500], %swap3A_503 {strides = array<i32>} : memref<250x250xf32, #tpu.memory_space<vmem>>, vector<1x16xf32>,
            %get3A_504 = arith.index_cast %while3A_369 : i32 to index
            %get3A_505 = arith.constant 144 : index
            %get3A_506 = tpu.vector_load %arg6[%get3A_504, %get3A_505] {strides = array<i32>} : memref<250x250xf32, #tpu.memory_space<vmem>>, vector<1x16xf32>,
            %get3A_507 = vector.shape_cast %get3A_506 : vector<1x16xf32> to vector<16xf32>
            %get3A_508 = arith.constant 2 : i32
            %get3A_509 = arith.index_cast %get3A_508 : i32 to index
            %get3A_510 = arith.constant 144 : index
            %get3A_511 = tpu.vector_load %arg8[%get3A_509, %get3A_510] {strides = array<i32>} : memref<4x250xf32, #tpu.memory_space<vmem>>, vector<1x16xf32>,
            %get3A_512 = vector.shape_cast %get3A_511 : vector<1x16xf32> to vector<16xf32>
            %mul3A_513 = arith.mulf %get3A_507, %get3A_512 : vector<16xf32>
            %swap3A_514 = arith.index_cast %while3A_369 : i32 to index
            %swap3A_515 = arith.constant 144 : index
            %swap3A_516 = tpu.vector_load %arg6[%swap3A_514, %swap3A_515] {strides = array<i32>} : memref<250x250xf32, #tpu.memory_space<vmem>>, vector<1x16xf32>,
            %swap3A_517 = vector.shape_cast %swap3A_516 : vector<1x16xf32> to vector<16xf32>
            %swap3A_518 = vector.shape_cast %mul3A_513 : vector<16xf32> to vector<1x16xf32>
            tpu.vector_store %arg6[%swap3A_514, %swap3A_515], %swap3A_518 {strides = array<i32>} : memref<250x250xf32, #tpu.memory_space<vmem>>, vector<1x16xf32>,
            %get3A_519 = arith.index_cast %while3A_369 : i32 to index
            %get3A_520 = arith.constant 160 : index
            %get3A_521 = tpu.vector_load %arg6[%get3A_519, %get3A_520] {strides = array<i32>} : memref<250x250xf32, #tpu.memory_space<vmem>>, vector<1x16xf32>,
            %get3A_522 = vector.shape_cast %get3A_521 : vector<1x16xf32> to vector<16xf32>
            %get3A_523 = arith.constant 2 : i32
            %get3A_524 = arith.index_cast %get3A_523 : i32 to index
            %get3A_525 = arith.constant 160 : index
            %get3A_526 = tpu.vector_load %arg8[%get3A_524, %get3A_525] {strides = array<i32>} : memref<4x250xf32, #tpu.memory_space<vmem>>, vector<1x16xf32>,
            %get3A_527 = vector.shape_cast %get3A_526 : vector<1x16xf32> to vector<16xf32>
            %mul3A_528 = arith.mulf %get3A_522, %get3A_527 : vector<16xf32>
            %swap3A_529 = arith.index_cast %while3A_369 : i32 to index
            %swap3A_530 = arith.constant 160 : index
            %swap3A_531 = tpu.vector_load %arg6[%swap3A_529, %swap3A_530] {strides = array<i32>} : memref<250x250xf32, #tpu.memory_space<vmem>>, vector<1x16xf32>,
            %swap3A_532 = vector.shape_cast %swap3A_531 : vector<1x16xf32> to vector<16xf32>
            %swap3A_533 = vector.shape_cast %mul3A_528 : vector<16xf32> to vector<1x16xf32>
            tpu.vector_store %arg6[%swap3A_529, %swap3A_530], %swap3A_533 {strides = array<i32>} : memref<250x250xf32, #tpu.memory_space<vmem>>, vector<1x16xf32>,
            %get3A_534 = arith.index_cast %while3A_369 : i32 to index
            %get3A_535 = arith.constant 176 : index
            %get3A_536 = tpu.vector_load %arg6[%get3A_534, %get3A_535] {strides = array<i32>} : memref<250x250xf32, #tpu.memory_space<vmem>>, vector<1x16xf32>,
            %get3A_537 = vector.shape_cast %get3A_536 : vector<1x16xf32> to vector<16xf32>
            %get3A_538 = arith.constant 2 : i32
            %get3A_539 = arith.index_cast %get3A_538 : i32 to index
            %get3A_540 = arith.constant 176 : index
            %get3A_541 = tpu.vector_load %arg8[%get3A_539, %get3A_540] {strides = array<i32>} : memref<4x250xf32, #tpu.memory_space<vmem>>, vector<1x16xf32>,
            %get3A_542 = vector.shape_cast %get3A_541 : vector<1x16xf32> to vector<16xf32>
            %mul3A_543 = arith.mulf %get3A_537, %get3A_542 : vector<16xf32>
            %swap3A_544 = arith.index_cast %while3A_369 : i32 to index
            %swap3A_545 = arith.constant 176 : index
            %swap3A_546 = tpu.vector_load %arg6[%swap3A_544, %swap3A_545] {strides = array<i32>} : memref<250x250xf32, #tpu.memory_space<vmem>>, vector<1x16xf32>,
            %swap3A_547 = vector.shape_cast %swap3A_546 : vector<1x16xf32> to vector<16xf32>
            %swap3A_548 = vector.shape_cast %mul3A_543 : vector<16xf32> to vector<1x16xf32>
            tpu.vector_store %arg6[%swap3A_544, %swap3A_545], %swap3A_548 {strides = array<i32>} : memref<250x250xf32, #tpu.memory_space<vmem>>, vector<1x16xf32>,
            %get3A_549 = arith.index_cast %while3A_369 : i32 to index
            %get3A_550 = arith.constant 192 : index
            %get3A_551 = tpu.vector_load %arg6[%get3A_549, %get3A_550] {strides = array<i32>} : memref<250x250xf32, #tpu.memory_space<vmem>>, vector<1x16xf32>,
            %get3A_552 = vector.shape_cast %get3A_551 : vector<1x16xf32> to vector<16xf32>
            %get3A_553 = arith.constant 2 : i32
            %get3A_554 = arith.index_cast %get3A_553 : i32 to index
            %get3A_555 = arith.constant 192 : index
            %get3A_556 = tpu.vector_load %arg8[%get3A_554, %get3A_555] {strides = array<i32>} : memref<4x250xf32, #tpu.memory_space<vmem>>, vector<1x16xf32>,
            %get3A_557 = vector.shape_cast %get3A_556 : vector<1x16xf32> to vector<16xf32>
            %mul3A_558 = arith.mulf %get3A_552, %get3A_557 : vector<16xf32>
            %swap3A_559 = arith.index_cast %while3A_369 : i32 to index
            %swap3A_560 = arith.constant 192 : index
            %swap3A_561 = tpu.vector_load %arg6[%swap3A_559, %swap3A_560] {strides = array<i32>} : memref<250x250xf32, #tpu.memory_space<vmem>>, vector<1x16xf32>,
            %swap3A_562 = vector.shape_cast %swap3A_561 : vector<1x16xf32> to vector<16xf32>
            %swap3A_563 = vector.shape_cast %mul3A_558 : vector<16xf32> to vector<1x16xf32>
            tpu.vector_store %arg6[%swap3A_559, %swap3A_560], %swap3A_563 {strides = array<i32>} : memref<250x250xf32, #tpu.memory_space<vmem>>, vector<1x16xf32>,
            %get3A_564 = arith.index_cast %while3A_369 : i32 to index
            %get3A_565 = arith.constant 208 : index
            %get3A_566 = tpu.vector_load %arg6[%get3A_564, %get3A_565] {strides = array<i32>} : memref<250x250xf32, #tpu.memory_space<vmem>>, vector<1x16xf32>,
            %get3A_567 = vector.shape_cast %get3A_566 : vector<1x16xf32> to vector<16xf32>
            %get3A_568 = arith.constant 2 : i32
            %get3A_569 = arith.index_cast %get3A_568 : i32 to index
            %get3A_570 = arith.constant 208 : index
            %get3A_571 = tpu.vector_load %arg8[%get3A_569, %get3A_570] {strides = array<i32>} : memref<4x250xf32, #tpu.memory_space<vmem>>, vector<1x16xf32>,
            %get3A_572 = vector.shape_cast %get3A_571 : vector<1x16xf32> to vector<16xf32>
            %mul3A_573 = arith.mulf %get3A_567, %get3A_572 : vector<16xf32>
            %swap3A_574 = arith.index_cast %while3A_369 : i32 to index
            %swap3A_575 = arith.constant 208 : index
            %swap3A_576 = tpu.vector_load %arg6[%swap3A_574, %swap3A_575] {strides = array<i32>} : memref<250x250xf32, #tpu.memory_space<vmem>>, vector<1x16xf32>,
            %swap3A_577 = vector.shape_cast %swap3A_576 : vector<1x16xf32> to vector<16xf32>
            %swap3A_578 = vector.shape_cast %mul3A_573 : vector<16xf32> to vector<1x16xf32>
            tpu.vector_store %arg6[%swap3A_574, %swap3A_575], %swap3A_578 {strides = array<i32>} : memref<250x250xf32, #tpu.memory_space<vmem>>, vector<1x16xf32>,
            %get3A_579 = arith.index_cast %while3A_369 : i32 to index
            %get3A_580 = arith.constant 224 : index
            %get3A_581 = tpu.vector_load %arg6[%get3A_579, %get3A_580] {strides = array<i32>} : memref<250x250xf32, #tpu.memory_space<vmem>>, vector<1x16xf32>,
            %get3A_582 = vector.shape_cast %get3A_581 : vector<1x16xf32> to vector<16xf32>
            %get3A_583 = arith.constant 2 : i32
            %get3A_584 = arith.index_cast %get3A_583 : i32 to index
            %get3A_585 = arith.constant 224 : index
            %get3A_586 = tpu.vector_load %arg8[%get3A_584, %get3A_585] {strides = array<i32>} : memref<4x250xf32, #tpu.memory_space<vmem>>, vector<1x16xf32>,
            %get3A_587 = vector.shape_cast %get3A_586 : vector<1x16xf32> to vector<16xf32>
            %mul3A_588 = arith.mulf %get3A_582, %get3A_587 : vector<16xf32>
            %swap3A_589 = arith.index_cast %while3A_369 : i32 to index
            %swap3A_590 = arith.constant 224 : index
            %swap3A_591 = tpu.vector_load %arg6[%swap3A_589, %swap3A_590] {strides = array<i32>} : memref<250x250xf32, #tpu.memory_space<vmem>>, vector<1x16xf32>,
            %swap3A_592 = vector.shape_cast %swap3A_591 : vector<1x16xf32> to vector<16xf32>
            %swap3A_593 = vector.shape_cast %mul3A_588 : vector<16xf32> to vector<1x16xf32>
            tpu.vector_store %arg6[%swap3A_589, %swap3A_590], %swap3A_593 {strides = array<i32>} : memref<250x250xf32, #tpu.memory_space<vmem>>, vector<1x16xf32>,
            %get3A_594 = arith.index_cast %while3A_369 : i32 to index
            %get3A_595 = arith.constant 234 : index
            %get3A_596 = tpu.vector_load %arg6[%get3A_594, %get3A_595] {strides = array<i32>} : memref<250x250xf32, #tpu.memory_space<vmem>>, vector<1x16xf32>,
            %get3A_597 = vector.shape_cast %get3A_596 : vector<1x16xf32> to vector<16xf32>
            %get3A_598 = arith.constant 2 : i32
            %get3A_599 = arith.index_cast %get3A_598 : i32 to index
            %get3A_600 = arith.constant 234 : index
            %get3A_601 = tpu.vector_load %arg8[%get3A_599, %get3A_600] {strides = array<i32>} : memref<4x250xf32, #tpu.memory_space<vmem>>, vector<1x16xf32>,
            %get3A_602 = vector.shape_cast %get3A_601 : vector<1x16xf32> to vector<16xf32>
            %mul3A_603 = arith.mulf %get3A_597, %get3A_602 : vector<16xf32>
            %swap3A_604 = arith.index_cast %while3A_369 : i32 to index
            %swap3A_605 = arith.constant 234 : index
            %swap3A_606 = tpu.vector_load %arg6[%swap3A_604, %swap3A_605] {strides = array<i32>} : memref<250x250xf32, #tpu.memory_space<vmem>>, vector<1x16xf32>,
            %swap3A_607 = vector.shape_cast %swap3A_606 : vector<1x16xf32> to vector<16xf32>
            %swap3A_608 = vector.shape_cast %mul3A_603 : vector<16xf32> to vector<1x16xf32>
            tpu.vector_store %arg6[%swap3A_604, %swap3A_605], %swap3A_608 {strides = array<i32>} : memref<250x250xf32, #tpu.memory_space<vmem>>, vector<1x16xf32>,
          }
        } else {
        }
        %mul3A_342 = arith.constant 32 : i32
        %mul3A_343 = arith.muli %select_n3A_214, %mul3A_342 : i32
        %ge3A_344 = arith.cmpi sge, %select_n3A_306, %mul3A_343 : i32
        %mul3A_345 = arith.constant 32 : i32
        %mul3A_346 = arith.muli %select_n3A_214, %mul3A_345 : i32
        %add3A_347 = arith.constant 32 : i32
        %add3A_348 = arith.addi %mul3A_346, %add3A_347 : i32
        %lt3A_349 = arith.cmpi slt, %select_n3A_306, %add3A_348 : i32
        %and3A_350 = arith.andi %ge3A_344, %lt3A_349 : i1
        %convert_element_type3A_351 = arith.extui %and3A_350 : i1 to i32
        %cond3A_352 = arith.constant 0 : i32
        %cond3A_353 = arith.cmpi ne, %convert_element_type3A_351, %cond3A_352 : i32
        scf.if %cond3A_353 {
          %mul3A_354 = arith.constant 32 : i32
          %mul3A_355 = arith.muli %select_n3A_254, %mul3A_354 : i32
          %mul3A_356 = arith.constant 32 : i32
          %mul3A_357 = arith.muli %select_n3A_254, %mul3A_356 : i32
          %add3A_358 = arith.constant 32 : i32
          %add3A_359 = arith.addi %mul3A_357, %add3A_358 : i32
          %min3A = arith.constant 250 : i32
          %min3A_360 = arith.minsi %min3A, %add3A_359 : i32
          %while3A = arith.constant 0 : i32
          %while3A_361 = arith.subi %min3A_360, %mul3A_355 : i32
          %while3A_362 = arith.addi %mul3A_355, %while3A_361 : i32
          %while3A_363 = arith.constant 1 : i32
          %while3A_364 = arith.divsi %while3A_361, %while3A_363 : i32
          %while3A_365 = arith.muli %while3A_364, %while3A_363 : i32
          %while3A_366 = arith.addi %mul3A_355, %while3A_365 : i32
          %while3A_367 = arith.constant 1 : i32
          scf.for %while3A_369 = %mul3A_355 to %while3A_366 step %while3A_367  : i32 {
            %get3A_370 = arith.index_cast %while3A_369 : i32 to index
            %get3A_371 = arith.constant 0 : index
            %get3A_372 = tpu.vector_load %arg6[%get3A_370, %get3A_371] {strides = array<i32>} : memref<250x250xf32, #tpu.memory_space<vmem>>, vector<1x16xf32>,
            %get3A_373 = vector.shape_cast %get3A_372 : vector<1x16xf32> to vector<16xf32>
            %get3A_374 = arith.constant 3 : i32
            %get3A_375 = arith.index_cast %get3A_374 : i32 to index
            %get3A_376 = arith.constant 0 : index
            %get3A_377 = tpu.vector_load %arg8[%get3A_375, %get3A_376] {strides = array<i32>} : memref<4x250xf32, #tpu.memory_space<vmem>>, vector<1x16xf32>,
            %get3A_378 = vector.shape_cast %get3A_377 : vector<1x16xf32> to vector<16xf32>
            %mul3A_379 = arith.mulf %get3A_373, %get3A_378 : vector<16xf32>
            %swap3A = arith.index_cast %while3A_369 : i32 to index
            %swap3A_380 = arith.constant 0 : index
            %swap3A_381 = tpu.vector_load %arg6[%swap3A, %swap3A_380] {strides = array<i32>} : memref<250x250xf32, #tpu.memory_space<vmem>>, vector<1x16xf32>,
            %swap3A_382 = vector.shape_cast %swap3A_381 : vector<1x16xf32> to vector<16xf32>
            %swap3A_383 = vector.shape_cast %mul3A_379 : vector<16xf32> to vector<1x16xf32>
            tpu.vector_store %arg6[%swap3A, %swap3A_380], %swap3A_383 {strides = array<i32>} : memref<250x250xf32, #tpu.memory_space<vmem>>, vector<1x16xf32>,
            %get3A_384 = arith.index_cast %while3A_369 : i32 to index
            %get3A_385 = arith.constant 16 : index
            %get3A_386 = tpu.vector_load %arg6[%get3A_384, %get3A_385] {strides = array<i32>} : memref<250x250xf32, #tpu.memory_space<vmem>>, vector<1x16xf32>,
            %get3A_387 = vector.shape_cast %get3A_386 : vector<1x16xf32> to vector<16xf32>
            %get3A_388 = arith.constant 3 : i32
            %get3A_389 = arith.index_cast %get3A_388 : i32 to index
            %get3A_390 = arith.constant 16 : index
            %get3A_391 = tpu.vector_load %arg8[%get3A_389, %get3A_390] {strides = array<i32>} : memref<4x250xf32, #tpu.memory_space<vmem>>, vector<1x16xf32>,
            %get3A_392 = vector.shape_cast %get3A_391 : vector<1x16xf32> to vector<16xf32>
            %mul3A_393 = arith.mulf %get3A_387, %get3A_392 : vector<16xf32>
            %swap3A_394 = arith.index_cast %while3A_369 : i32 to index
            %swap3A_395 = arith.constant 16 : index
            %swap3A_396 = tpu.vector_load %arg6[%swap3A_394, %swap3A_395] {strides = array<i32>} : memref<250x250xf32, #tpu.memory_space<vmem>>, vector<1x16xf32>,
            %swap3A_397 = vector.shape_cast %swap3A_396 : vector<1x16xf32> to vector<16xf32>
            %swap3A_398 = vector.shape_cast %mul3A_393 : vector<16xf32> to vector<1x16xf32>
            tpu.vector_store %arg6[%swap3A_394, %swap3A_395], %swap3A_398 {strides = array<i32>} : memref<250x250xf32, #tpu.memory_space<vmem>>, vector<1x16xf32>,
            %get3A_399 = arith.index_cast %while3A_369 : i32 to index
            %get3A_400 = arith.constant 32 : index
            %get3A_401 = tpu.vector_load %arg6[%get3A_399, %get3A_400] {strides = array<i32>} : memref<250x250xf32, #tpu.memory_space<vmem>>, vector<1x16xf32>,
            %get3A_402 = vector.shape_cast %get3A_401 : vector<1x16xf32> to vector<16xf32>
            %get3A_403 = arith.constant 3 : i32
            %get3A_404 = arith.index_cast %get3A_403 : i32 to index
            %get3A_405 = arith.constant 32 : index
            %get3A_406 = tpu.vector_load %arg8[%get3A_404, %get3A_405] {strides = array<i32>} : memref<4x250xf32, #tpu.memory_space<vmem>>, vector<1x16xf32>,
            %get3A_407 = vector.shape_cast %get3A_406 : vector<1x16xf32> to vector<16xf32>
            %mul3A_408 = arith.mulf %get3A_402, %get3A_407 : vector<16xf32>
            %swap3A_409 = arith.index_cast %while3A_369 : i32 to index
            %swap3A_410 = arith.constant 32 : index
            %swap3A_411 = tpu.vector_load %arg6[%swap3A_409, %swap3A_410] {strides = array<i32>} : memref<250x250xf32, #tpu.memory_space<vmem>>, vector<1x16xf32>,
            %swap3A_412 = vector.shape_cast %swap3A_411 : vector<1x16xf32> to vector<16xf32>
            %swap3A_413 = vector.shape_cast %mul3A_408 : vector<16xf32> to vector<1x16xf32>
            tpu.vector_store %arg6[%swap3A_409, %swap3A_410], %swap3A_413 {strides = array<i32>} : memref<250x250xf32, #tpu.memory_space<vmem>>, vector<1x16xf32>,
            %get3A_414 = arith.index_cast %while3A_369 : i32 to index
            %get3A_415 = arith.constant 48 : index
            %get3A_416 = tpu.vector_load %arg6[%get3A_414, %get3A_415] {strides = array<i32>} : memref<250x250xf32, #tpu.memory_space<vmem>>, vector<1x16xf32>,
            %get3A_417 = vector.shape_cast %get3A_416 : vector<1x16xf32> to vector<16xf32>
            %get3A_418 = arith.constant 3 : i32
            %get3A_419 = arith.index_cast %get3A_418 : i32 to index
            %get3A_420 = arith.constant 48 : index
            %get3A_421 = tpu.vector_load %arg8[%get3A_419, %get3A_420] {strides = array<i32>} : memref<4x250xf32, #tpu.memory_space<vmem>>, vector<1x16xf32>,
            %get3A_422 = vector.shape_cast %get3A_421 : vector<1x16xf32> to vector<16xf32>
            %mul3A_423 = arith.mulf %get3A_417, %get3A_422 : vector<16xf32>
            %swap3A_424 = arith.index_cast %while3A_369 : i32 to index
            %swap3A_425 = arith.constant 48 : index
            %swap3A_426 = tpu.vector_load %arg6[%swap3A_424, %swap3A_425] {strides = array<i32>} : memref<250x250xf32, #tpu.memory_space<vmem>>, vector<1x16xf32>,
            %swap3A_427 = vector.shape_cast %swap3A_426 : vector<1x16xf32> to vector<16xf32>
            %swap3A_428 = vector.shape_cast %mul3A_423 : vector<16xf32> to vector<1x16xf32>
            tpu.vector_store %arg6[%swap3A_424, %swap3A_425], %swap3A_428 {strides = array<i32>} : memref<250x250xf32, #tpu.memory_space<vmem>>, vector<1x16xf32>,
            %get3A_429 = arith.index_cast %while3A_369 : i32 to index
            %get3A_430 = arith.constant 64 : index
            %get3A_431 = tpu.vector_load %arg6[%get3A_429, %get3A_430] {strides = array<i32>} : memref<250x250xf32, #tpu.memory_space<vmem>>, vector<1x16xf32>,
            %get3A_432 = vector.shape_cast %get3A_431 : vector<1x16xf32> to vector<16xf32>
            %get3A_433 = arith.constant 3 : i32
            %get3A_434 = arith.index_cast %get3A_433 : i32 to index
            %get3A_435 = arith.constant 64 : index
            %get3A_436 = tpu.vector_load %arg8[%get3A_434, %get3A_435] {strides = array<i32>} : memref<4x250xf32, #tpu.memory_space<vmem>>, vector<1x16xf32>,
            %get3A_437 = vector.shape_cast %get3A_436 : vector<1x16xf32> to vector<16xf32>
            %mul3A_438 = arith.mulf %get3A_432, %get3A_437 : vector<16xf32>
            %swap3A_439 = arith.index_cast %while3A_369 : i32 to index
            %swap3A_440 = arith.constant 64 : index
            %swap3A_441 = tpu.vector_load %arg6[%swap3A_439, %swap3A_440] {strides = array<i32>} : memref<250x250xf32, #tpu.memory_space<vmem>>, vector<1x16xf32>,
            %swap3A_442 = vector.shape_cast %swap3A_441 : vector<1x16xf32> to vector<16xf32>
            %swap3A_443 = vector.shape_cast %mul3A_438 : vector<16xf32> to vector<1x16xf32>
            tpu.vector_store %arg6[%swap3A_439, %swap3A_440], %swap3A_443 {strides = array<i32>} : memref<250x250xf32, #tpu.memory_space<vmem>>, vector<1x16xf32>,
            %get3A_444 = arith.index_cast %while3A_369 : i32 to index
            %get3A_445 = arith.constant 80 : index
            %get3A_446 = tpu.vector_load %arg6[%get3A_444, %get3A_445] {strides = array<i32>} : memref<250x250xf32, #tpu.memory_space<vmem>>, vector<1x16xf32>,
            %get3A_447 = vector.shape_cast %get3A_446 : vector<1x16xf32> to vector<16xf32>
            %get3A_448 = arith.constant 3 : i32
            %get3A_449 = arith.index_cast %get3A_448 : i32 to index
            %get3A_450 = arith.constant 80 : index
            %get3A_451 = tpu.vector_load %arg8[%get3A_449, %get3A_450] {strides = array<i32>} : memref<4x250xf32, #tpu.memory_space<vmem>>, vector<1x16xf32>,
            %get3A_452 = vector.shape_cast %get3A_451 : vector<1x16xf32> to vector<16xf32>
            %mul3A_453 = arith.mulf %get3A_447, %get3A_452 : vector<16xf32>
            %swap3A_454 = arith.index_cast %while3A_369 : i32 to index
            %swap3A_455 = arith.constant 80 : index
            %swap3A_456 = tpu.vector_load %arg6[%swap3A_454, %swap3A_455] {strides = array<i32>} : memref<250x250xf32, #tpu.memory_space<vmem>>, vector<1x16xf32>,
            %swap3A_457 = vector.shape_cast %swap3A_456 : vector<1x16xf32> to vector<16xf32>
            %swap3A_458 = vector.shape_cast %mul3A_453 : vector<16xf32> to vector<1x16xf32>
            tpu.vector_store %arg6[%swap3A_454, %swap3A_455], %swap3A_458 {strides = array<i32>} : memref<250x250xf32, #tpu.memory_space<vmem>>, vector<1x16xf32>,
            %get3A_459 = arith.index_cast %while3A_369 : i32 to index
            %get3A_460 = arith.constant 96 : index
            %get3A_461 = tpu.vector_load %arg6[%get3A_459, %get3A_460] {strides = array<i32>} : memref<250x250xf32, #tpu.memory_space<vmem>>, vector<1x16xf32>,
            %get3A_462 = vector.shape_cast %get3A_461 : vector<1x16xf32> to vector<16xf32>
            %get3A_463 = arith.constant 3 : i32
            %get3A_464 = arith.index_cast %get3A_463 : i32 to index
            %get3A_465 = arith.constant 96 : index
            %get3A_466 = tpu.vector_load %arg8[%get3A_464, %get3A_465] {strides = array<i32>} : memref<4x250xf32, #tpu.memory_space<vmem>>, vector<1x16xf32>,
            %get3A_467 = vector.shape_cast %get3A_466 : vector<1x16xf32> to vector<16xf32>
            %mul3A_468 = arith.mulf %get3A_462, %get3A_467 : vector<16xf32>
            %swap3A_469 = arith.index_cast %while3A_369 : i32 to index
            %swap3A_470 = arith.constant 96 : index
            %swap3A_471 = tpu.vector_load %arg6[%swap3A_469, %swap3A_470] {strides = array<i32>} : memref<250x250xf32, #tpu.memory_space<vmem>>, vector<1x16xf32>,
            %swap3A_472 = vector.shape_cast %swap3A_471 : vector<1x16xf32> to vector<16xf32>
            %swap3A_473 = vector.shape_cast %mul3A_468 : vector<16xf32> to vector<1x16xf32>
            tpu.vector_store %arg6[%swap3A_469, %swap3A_470], %swap3A_473 {strides = array<i32>} : memref<250x250xf32, #tpu.memory_space<vmem>>, vector<1x16xf32>,
            %get3A_474 = arith.index_cast %while3A_369 : i32 to index
            %get3A_475 = arith.constant 112 : index
            %get3A_476 = tpu.vector_load %arg6[%get3A_474, %get3A_475] {strides = array<i32>} : memref<250x250xf32, #tpu.memory_space<vmem>>, vector<1x16xf32>,
            %get3A_477 = vector.shape_cast %get3A_476 : vector<1x16xf32> to vector<16xf32>
            %get3A_478 = arith.constant 3 : i32
            %get3A_479 = arith.index_cast %get3A_478 : i32 to index
            %get3A_480 = arith.constant 112 : index
            %get3A_481 = tpu.vector_load %arg8[%get3A_479, %get3A_480] {strides = array<i32>} : memref<4x250xf32, #tpu.memory_space<vmem>>, vector<1x16xf32>,
            %get3A_482 = vector.shape_cast %get3A_481 : vector<1x16xf32> to vector<16xf32>
            %mul3A_483 = arith.mulf %get3A_477, %get3A_482 : vector<16xf32>
            %swap3A_484 = arith.index_cast %while3A_369 : i32 to index
            %swap3A_485 = arith.constant 112 : index
            %swap3A_486 = tpu.vector_load %arg6[%swap3A_484, %swap3A_485] {strides = array<i32>} : memref<250x250xf32, #tpu.memory_space<vmem>>, vector<1x16xf32>,
            %swap3A_487 = vector.shape_cast %swap3A_486 : vector<1x16xf32> to vector<16xf32>
            %swap3A_488 = vector.shape_cast %mul3A_483 : vector<16xf32> to vector<1x16xf32>
            tpu.vector_store %arg6[%swap3A_484, %swap3A_485], %swap3A_488 {strides = array<i32>} : memref<250x250xf32, #tpu.memory_space<vmem>>, vector<1x16xf32>,
            %get3A_489 = arith.index_cast %while3A_369 : i32 to index
            %get3A_490 = arith.constant 128 : index
            %get3A_491 = tpu.vector_load %arg6[%get3A_489, %get3A_490] {strides = array<i32>} : memref<250x250xf32, #tpu.memory_space<vmem>>, vector<1x16xf32>,
            %get3A_492 = vector.shape_cast %get3A_491 : vector<1x16xf32> to vector<16xf32>
            %get3A_493 = arith.constant 3 : i32
            %get3A_494 = arith.index_cast %get3A_493 : i32 to index
            %get3A_495 = arith.constant 128 : index
            %get3A_496 = tpu.vector_load %arg8[%get3A_494, %get3A_495] {strides = array<i32>} : memref<4x250xf32, #tpu.memory_space<vmem>>, vector<1x16xf32>,
            %get3A_497 = vector.shape_cast %get3A_496 : vector<1x16xf32> to vector<16xf32>
            %mul3A_498 = arith.mulf %get3A_492, %get3A_497 : vector<16xf32>
            %swap3A_499 = arith.index_cast %while3A_369 : i32 to index
            %swap3A_500 = arith.constant 128 : index
            %swap3A_501 = tpu.vector_load %arg6[%swap3A_499, %swap3A_500] {strides = array<i32>} : memref<250x250xf32, #tpu.memory_space<vmem>>, vector<1x16xf32>,
            %swap3A_502 = vector.shape_cast %swap3A_501 : vector<1x16xf32> to vector<16xf32>
            %swap3A_503 = vector.shape_cast %mul3A_498 : vector<16xf32> to vector<1x16xf32>
            tpu.vector_store %arg6[%swap3A_499, %swap3A_500], %swap3A_503 {strides = array<i32>} : memref<250x250xf32, #tpu.memory_space<vmem>>, vector<1x16xf32>,
            %get3A_504 = arith.index_cast %while3A_369 : i32 to index
            %get3A_505 = arith.constant 144 : index
            %get3A_506 = tpu.vector_load %arg6[%get3A_504, %get3A_505] {strides = array<i32>} : memref<250x250xf32, #tpu.memory_space<vmem>>, vector<1x16xf32>,
            %get3A_507 = vector.shape_cast %get3A_506 : vector<1x16xf32> to vector<16xf32>
            %get3A_508 = arith.constant 3 : i32
            %get3A_509 = arith.index_cast %get3A_508 : i32 to index
            %get3A_510 = arith.constant 144 : index
            %get3A_511 = tpu.vector_load %arg8[%get3A_509, %get3A_510] {strides = array<i32>} : memref<4x250xf32, #tpu.memory_space<vmem>>, vector<1x16xf32>,
            %get3A_512 = vector.shape_cast %get3A_511 : vector<1x16xf32> to vector<16xf32>
            %mul3A_513 = arith.mulf %get3A_507, %get3A_512 : vector<16xf32>
            %swap3A_514 = arith.index_cast %while3A_369 : i32 to index
            %swap3A_515 = arith.constant 144 : index
            %swap3A_516 = tpu.vector_load %arg6[%swap3A_514, %swap3A_515] {strides = array<i32>} : memref<250x250xf32, #tpu.memory_space<vmem>>, vector<1x16xf32>,
            %swap3A_517 = vector.shape_cast %swap3A_516 : vector<1x16xf32> to vector<16xf32>
            %swap3A_518 = vector.shape_cast %mul3A_513 : vector<16xf32> to vector<1x16xf32>
            tpu.vector_store %arg6[%swap3A_514, %swap3A_515], %swap3A_518 {strides = array<i32>} : memref<250x250xf32, #tpu.memory_space<vmem>>, vector<1x16xf32>,
            %get3A_519 = arith.index_cast %while3A_369 : i32 to index
            %get3A_520 = arith.constant 160 : index
            %get3A_521 = tpu.vector_load %arg6[%get3A_519, %get3A_520] {strides = array<i32>} : memref<250x250xf32, #tpu.memory_space<vmem>>, vector<1x16xf32>,
            %get3A_522 = vector.shape_cast %get3A_521 : vector<1x16xf32> to vector<16xf32>
            %get3A_523 = arith.constant 3 : i32
            %get3A_524 = arith.index_cast %get3A_523 : i32 to index
            %get3A_525 = arith.constant 160 : index
            %get3A_526 = tpu.vector_load %arg8[%get3A_524, %get3A_525] {strides = array<i32>} : memref<4x250xf32, #tpu.memory_space<vmem>>, vector<1x16xf32>,
            %get3A_527 = vector.shape_cast %get3A_526 : vector<1x16xf32> to vector<16xf32>
            %mul3A_528 = arith.mulf %get3A_522, %get3A_527 : vector<16xf32>
            %swap3A_529 = arith.index_cast %while3A_369 : i32 to index
            %swap3A_530 = arith.constant 160 : index
            %swap3A_531 = tpu.vector_load %arg6[%swap3A_529, %swap3A_530] {strides = array<i32>} : memref<250x250xf32, #tpu.memory_space<vmem>>, vector<1x16xf32>,
            %swap3A_532 = vector.shape_cast %swap3A_531 : vector<1x16xf32> to vector<16xf32>
            %swap3A_533 = vector.shape_cast %mul3A_528 : vector<16xf32> to vector<1x16xf32>
            tpu.vector_store %arg6[%swap3A_529, %swap3A_530], %swap3A_533 {strides = array<i32>} : memref<250x250xf32, #tpu.memory_space<vmem>>, vector<1x16xf32>,
            %get3A_534 = arith.index_cast %while3A_369 : i32 to index
            %get3A_535 = arith.constant 176 : index
            %get3A_536 = tpu.vector_load %arg6[%get3A_534, %get3A_535] {strides = array<i32>} : memref<250x250xf32, #tpu.memory_space<vmem>>, vector<1x16xf32>,
            %get3A_537 = vector.shape_cast %get3A_536 : vector<1x16xf32> to vector<16xf32>
            %get3A_538 = arith.constant 3 : i32
            %get3A_539 = arith.index_cast %get3A_538 : i32 to index
            %get3A_540 = arith.constant 176 : index
            %get3A_541 = tpu.vector_load %arg8[%get3A_539, %get3A_540] {strides = array<i32>} : memref<4x250xf32, #tpu.memory_space<vmem>>, vector<1x16xf32>,
            %get3A_542 = vector.shape_cast %get3A_541 : vector<1x16xf32> to vector<16xf32>
            %mul3A_543 = arith.mulf %get3A_537, %get3A_542 : vector<16xf32>
            %swap3A_544 = arith.index_cast %while3A_369 : i32 to index
            %swap3A_545 = arith.constant 176 : index
            %swap3A_546 = tpu.vector_load %arg6[%swap3A_544, %swap3A_545] {strides = array<i32>} : memref<250x250xf32, #tpu.memory_space<vmem>>, vector<1x16xf32>,
            %swap3A_547 = vector.shape_cast %swap3A_546 : vector<1x16xf32> to vector<16xf32>
            %swap3A_548 = vector.shape_cast %mul3A_543 : vector<16xf32> to vector<1x16xf32>
            tpu.vector_store %arg6[%swap3A_544, %swap3A_545], %swap3A_548 {strides = array<i32>} : memref<250x250xf32, #tpu.memory_space<vmem>>, vector<1x16xf32>,
            %get3A_549 = arith.index_cast %while3A_369 : i32 to index
            %get3A_550 = arith.constant 192 : index
            %get3A_551 = tpu.vector_load %arg6[%get3A_549, %get3A_550] {strides = array<i32>} : memref<250x250xf32, #tpu.memory_space<vmem>>, vector<1x16xf32>,
            %get3A_552 = vector.shape_cast %get3A_551 : vector<1x16xf32> to vector<16xf32>
            %get3A_553 = arith.constant 3 : i32
            %get3A_554 = arith.index_cast %get3A_553 : i32 to index
            %get3A_555 = arith.constant 192 : index
            %get3A_556 = tpu.vector_load %arg8[%get3A_554, %get3A_555] {strides = array<i32>} : memref<4x250xf32, #tpu.memory_space<vmem>>, vector<1x16xf32>,
            %get3A_557 = vector.shape_cast %get3A_556 : vector<1x16xf32> to vector<16xf32>
            %mul3A_558 = arith.mulf %get3A_552, %get3A_557 : vector<16xf32>
            %swap3A_559 = arith.index_cast %while3A_369 : i32 to index
            %swap3A_560 = arith.constant 192 : index
            %swap3A_561 = tpu.vector_load %arg6[%swap3A_559, %swap3A_560] {strides = array<i32>} : memref<250x250xf32, #tpu.memory_space<vmem>>, vector<1x16xf32>,
            %swap3A_562 = vector.shape_cast %swap3A_561 : vector<1x16xf32> to vector<16xf32>
            %swap3A_563 = vector.shape_cast %mul3A_558 : vector<16xf32> to vector<1x16xf32>
            tpu.vector_store %arg6[%swap3A_559, %swap3A_560], %swap3A_563 {strides = array<i32>} : memref<250x250xf32, #tpu.memory_space<vmem>>, vector<1x16xf32>,
            %get3A_564 = arith.index_cast %while3A_369 : i32 to index
            %get3A_565 = arith.constant 208 : index
            %get3A_566 = tpu.vector_load %arg6[%get3A_564, %get3A_565] {strides = array<i32>} : memref<250x250xf32, #tpu.memory_space<vmem>>, vector<1x16xf32>,
            %get3A_567 = vector.shape_cast %get3A_566 : vector<1x16xf32> to vector<16xf32>
            %get3A_568 = arith.constant 3 : i32
            %get3A_569 = arith.index_cast %get3A_568 : i32 to index
            %get3A_570 = arith.constant 208 : index
            %get3A_571 = tpu.vector_load %arg8[%get3A_569, %get3A_570] {strides = array<i32>} : memref<4x250xf32, #tpu.memory_space<vmem>>, vector<1x16xf32>,
            %get3A_572 = vector.shape_cast %get3A_571 : vector<1x16xf32> to vector<16xf32>
            %mul3A_573 = arith.mulf %get3A_567, %get3A_572 : vector<16xf32>
            %swap3A_574 = arith.index_cast %while3A_369 : i32 to index
            %swap3A_575 = arith.constant 208 : index
            %swap3A_576 = tpu.vector_load %arg6[%swap3A_574, %swap3A_575] {strides = array<i32>} : memref<250x250xf32, #tpu.memory_space<vmem>>, vector<1x16xf32>,
            %swap3A_577 = vector.shape_cast %swap3A_576 : vector<1x16xf32> to vector<16xf32>
            %swap3A_578 = vector.shape_cast %mul3A_573 : vector<16xf32> to vector<1x16xf32>
            tpu.vector_store %arg6[%swap3A_574, %swap3A_575], %swap3A_578 {strides = array<i32>} : memref<250x250xf32, #tpu.memory_space<vmem>>, vector<1x16xf32>,
            %get3A_579 = arith.index_cast %while3A_369 : i32 to index
            %get3A_580 = arith.constant 224 : index
            %get3A_581 = tpu.vector_load %arg6[%get3A_579, %get3A_580] {strides = array<i32>} : memref<250x250xf32, #tpu.memory_space<vmem>>, vector<1x16xf32>,
            %get3A_582 = vector.shape_cast %get3A_581 : vector<1x16xf32> to vector<16xf32>
            %get3A_583 = arith.constant 3 : i32
            %get3A_584 = arith.index_cast %get3A_583 : i32 to index
            %get3A_585 = arith.constant 224 : index
            %get3A_586 = tpu.vector_load %arg8[%get3A_584, %get3A_585] {strides = array<i32>} : memref<4x250xf32, #tpu.memory_space<vmem>>, vector<1x16xf32>,
            %get3A_587 = vector.shape_cast %get3A_586 : vector<1x16xf32> to vector<16xf32>
            %mul3A_588 = arith.mulf %get3A_582, %get3A_587 : vector<16xf32>
            %swap3A_589 = arith.index_cast %while3A_369 : i32 to index
            %swap3A_590 = arith.constant 224 : index
            %swap3A_591 = tpu.vector_load %arg6[%swap3A_589, %swap3A_590] {strides = array<i32>} : memref<250x250xf32, #tpu.memory_space<vmem>>, vector<1x16xf32>,
            %swap3A_592 = vector.shape_cast %swap3A_591 : vector<1x16xf32> to vector<16xf32>
            %swap3A_593 = vector.shape_cast %mul3A_588 : vector<16xf32> to vector<1x16xf32>
            tpu.vector_store %arg6[%swap3A_589, %swap3A_590], %swap3A_593 {strides = array<i32>} : memref<250x250xf32, #tpu.memory_space<vmem>>, vector<1x16xf32>,
            %get3A_594 = arith.index_cast %while3A_369 : i32 to index
            %get3A_595 = arith.constant 234 : index
            %get3A_596 = tpu.vector_load %arg6[%get3A_594, %get3A_595] {strides = array<i32>} : memref<250x250xf32, #tpu.memory_space<vmem>>, vector<1x16xf32>,
            %get3A_597 = vector.shape_cast %get3A_596 : vector<1x16xf32> to vector<16xf32>
            %get3A_598 = arith.constant 3 : i32
            %get3A_599 = arith.index_cast %get3A_598 : i32 to index
            %get3A_600 = arith.constant 234 : index
            %get3A_601 = tpu.vector_load %arg8[%get3A_599, %get3A_600] {strides = array<i32>} : memref<4x250xf32, #tpu.memory_space<vmem>>, vector<1x16xf32>,
            %get3A_602 = vector.shape_cast %get3A_601 : vector<1x16xf32> to vector<16xf32>
            %mul3A_603 = arith.mulf %get3A_597, %get3A_602 : vector<16xf32>
            %swap3A_604 = arith.index_cast %while3A_369 : i32 to index
            %swap3A_605 = arith.constant 234 : index
            %swap3A_606 = tpu.vector_load %arg6[%swap3A_604, %swap3A_605] {strides = array<i32>} : memref<250x250xf32, #tpu.memory_space<vmem>>, vector<1x16xf32>,
            %swap3A_607 = vector.shape_cast %swap3A_606 : vector<1x16xf32> to vector<16xf32>
            %swap3A_608 = vector.shape_cast %mul3A_603 : vector<16xf32> to vector<1x16xf32>
            tpu.vector_store %arg6[%swap3A_604, %swap3A_605], %swap3A_608 {strides = array<i32>} : memref<250x250xf32, #tpu.memory_space<vmem>>, vector<1x16xf32>,
          }
          %while3A_368 = arith.constant 1 : i32
          scf.for %while3A_369 = %while3A_366 to %while3A_362 step %while3A_368  : i32 {
            %get3A_370 = arith.index_cast %while3A_369 : i32 to index
            %get3A_371 = arith.constant 0 : index
            %get3A_372 = tpu.vector_load %arg6[%get3A_370, %get3A_371] {strides = array<i32>} : memref<250x250xf32, #tpu.memory_space<vmem>>, vector<1x16xf32>,
            %get3A_373 = vector.shape_cast %get3A_372 : vector<1x16xf32> to vector<16xf32>
            %get3A_374 = arith.constant 3 : i32
            %get3A_375 = arith.index_cast %get3A_374 : i32 to index
            %get3A_376 = arith.constant 0 : index
            %get3A_377 = tpu.vector_load %arg8[%get3A_375, %get3A_376] {strides = array<i32>} : memref<4x250xf32, #tpu.memory_space<vmem>>, vector<1x16xf32>,
            %get3A_378 = vector.shape_cast %get3A_377 : vector<1x16xf32> to vector<16xf32>
            %mul3A_379 = arith.mulf %get3A_373, %get3A_378 : vector<16xf32>
            %swap3A = arith.index_cast %while3A_369 : i32 to index
            %swap3A_380 = arith.constant 0 : index
            %swap3A_381 = tpu.vector_load %arg6[%swap3A, %swap3A_380] {strides = array<i32>} : memref<250x250xf32, #tpu.memory_space<vmem>>, vector<1x16xf32>,
            %swap3A_382 = vector.shape_cast %swap3A_381 : vector<1x16xf32> to vector<16xf32>
            %swap3A_383 = vector.shape_cast %mul3A_379 : vector<16xf32> to vector<1x16xf32>
            tpu.vector_store %arg6[%swap3A, %swap3A_380], %swap3A_383 {strides = array<i32>} : memref<250x250xf32, #tpu.memory_space<vmem>>, vector<1x16xf32>,
            %get3A_384 = arith.index_cast %while3A_369 : i32 to index
            %get3A_385 = arith.constant 16 : index
            %get3A_386 = tpu.vector_load %arg6[%get3A_384, %get3A_385] {strides = array<i32>} : memref<250x250xf32, #tpu.memory_space<vmem>>, vector<1x16xf32>,
            %get3A_387 = vector.shape_cast %get3A_386 : vector<1x16xf32> to vector<16xf32>
            %get3A_388 = arith.constant 3 : i32
            %get3A_389 = arith.index_cast %get3A_388 : i32 to index
            %get3A_390 = arith.constant 16 : index
            %get3A_391 = tpu.vector_load %arg8[%get3A_389, %get3A_390] {strides = array<i32>} : memref<4x250xf32, #tpu.memory_space<vmem>>, vector<1x16xf32>,
            %get3A_392 = vector.shape_cast %get3A_391 : vector<1x16xf32> to vector<16xf32>
            %mul3A_393 = arith.mulf %get3A_387, %get3A_392 : vector<16xf32>
            %swap3A_394 = arith.index_cast %while3A_369 : i32 to index
            %swap3A_395 = arith.constant 16 : index
            %swap3A_396 = tpu.vector_load %arg6[%swap3A_394, %swap3A_395] {strides = array<i32>} : memref<250x250xf32, #tpu.memory_space<vmem>>, vector<1x16xf32>,
            %swap3A_397 = vector.shape_cast %swap3A_396 : vector<1x16xf32> to vector<16xf32>
            %swap3A_398 = vector.shape_cast %mul3A_393 : vector<16xf32> to vector<1x16xf32>
            tpu.vector_store %arg6[%swap3A_394, %swap3A_395], %swap3A_398 {strides = array<i32>} : memref<250x250xf32, #tpu.memory_space<vmem>>, vector<1x16xf32>,
            %get3A_399 = arith.index_cast %while3A_369 : i32 to index
            %get3A_400 = arith.constant 32 : index
            %get3A_401 = tpu.vector_load %arg6[%get3A_399, %get3A_400] {strides = array<i32>} : memref<250x250xf32, #tpu.memory_space<vmem>>, vector<1x16xf32>,
            %get3A_402 = vector.shape_cast %get3A_401 : vector<1x16xf32> to vector<16xf32>
            %get3A_403 = arith.constant 3 : i32
            %get3A_404 = arith.index_cast %get3A_403 : i32 to index
            %get3A_405 = arith.constant 32 : index
            %get3A_406 = tpu.vector_load %arg8[%get3A_404, %get3A_405] {strides = array<i32>} : memref<4x250xf32, #tpu.memory_space<vmem>>, vector<1x16xf32>,
            %get3A_407 = vector.shape_cast %get3A_406 : vector<1x16xf32> to vector<16xf32>
            %mul3A_408 = arith.mulf %get3A_402, %get3A_407 : vector<16xf32>
            %swap3A_409 = arith.index_cast %while3A_369 : i32 to index
            %swap3A_410 = arith.constant 32 : index
            %swap3A_411 = tpu.vector_load %arg6[%swap3A_409, %swap3A_410] {strides = array<i32>} : memref<250x250xf32, #tpu.memory_space<vmem>>, vector<1x16xf32>,
            %swap3A_412 = vector.shape_cast %swap3A_411 : vector<1x16xf32> to vector<16xf32>
            %swap3A_413 = vector.shape_cast %mul3A_408 : vector<16xf32> to vector<1x16xf32>
            tpu.vector_store %arg6[%swap3A_409, %swap3A_410], %swap3A_413 {strides = array<i32>} : memref<250x250xf32, #tpu.memory_space<vmem>>, vector<1x16xf32>,
            %get3A_414 = arith.index_cast %while3A_369 : i32 to index
            %get3A_415 = arith.constant 48 : index
            %get3A_416 = tpu.vector_load %arg6[%get3A_414, %get3A_415] {strides = array<i32>} : memref<250x250xf32, #tpu.memory_space<vmem>>, vector<1x16xf32>,
            %get3A_417 = vector.shape_cast %get3A_416 : vector<1x16xf32> to vector<16xf32>
            %get3A_418 = arith.constant 3 : i32
            %get3A_419 = arith.index_cast %get3A_418 : i32 to index
            %get3A_420 = arith.constant 48 : index
            %get3A_421 = tpu.vector_load %arg8[%get3A_419, %get3A_420] {strides = array<i32>} : memref<4x250xf32, #tpu.memory_space<vmem>>, vector<1x16xf32>,
            %get3A_422 = vector.shape_cast %get3A_421 : vector<1x16xf32> to vector<16xf32>
            %mul3A_423 = arith.mulf %get3A_417, %get3A_422 : vector<16xf32>
            %swap3A_424 = arith.index_cast %while3A_369 : i32 to index
            %swap3A_425 = arith.constant 48 : index
            %swap3A_426 = tpu.vector_load %arg6[%swap3A_424, %swap3A_425] {strides = array<i32>} : memref<250x250xf32, #tpu.memory_space<vmem>>, vector<1x16xf32>,
            %swap3A_427 = vector.shape_cast %swap3A_426 : vector<1x16xf32> to vector<16xf32>
            %swap3A_428 = vector.shape_cast %mul3A_423 : vector<16xf32> to vector<1x16xf32>
            tpu.vector_store %arg6[%swap3A_424, %swap3A_425], %swap3A_428 {strides = array<i32>} : memref<250x250xf32, #tpu.memory_space<vmem>>, vector<1x16xf32>,
            %get3A_429 = arith.index_cast %while3A_369 : i32 to index
            %get3A_430 = arith.constant 64 : index
            %get3A_431 = tpu.vector_load %arg6[%get3A_429, %get3A_430] {strides = array<i32>} : memref<250x250xf32, #tpu.memory_space<vmem>>, vector<1x16xf32>,
            %get3A_432 = vector.shape_cast %get3A_431 : vector<1x16xf32> to vector<16xf32>
            %get3A_433 = arith.constant 3 : i32
            %get3A_434 = arith.index_cast %get3A_433 : i32 to index
            %get3A_435 = arith.constant 64 : index
            %get3A_436 = tpu.vector_load %arg8[%get3A_434, %get3A_435] {strides = array<i32>} : memref<4x250xf32, #tpu.memory_space<vmem>>, vector<1x16xf32>,
            %get3A_437 = vector.shape_cast %get3A_436 : vector<1x16xf32> to vector<16xf32>
            %mul3A_438 = arith.mulf %get3A_432, %get3A_437 : vector<16xf32>
            %swap3A_439 = arith.index_cast %while3A_369 : i32 to index
            %swap3A_440 = arith.constant 64 : index
            %swap3A_441 = tpu.vector_load %arg6[%swap3A_439, %swap3A_440] {strides = array<i32>} : memref<250x250xf32, #tpu.memory_space<vmem>>, vector<1x16xf32>,
            %swap3A_442 = vector.shape_cast %swap3A_441 : vector<1x16xf32> to vector<16xf32>
            %swap3A_443 = vector.shape_cast %mul3A_438 : vector<16xf32> to vector<1x16xf32>
            tpu.vector_store %arg6[%swap3A_439, %swap3A_440], %swap3A_443 {strides = array<i32>} : memref<250x250xf32, #tpu.memory_space<vmem>>, vector<1x16xf32>,
            %get3A_444 = arith.index_cast %while3A_369 : i32 to index
            %get3A_445 = arith.constant 80 : index
            %get3A_446 = tpu.vector_load %arg6[%get3A_444, %get3A_445] {strides = array<i32>} : memref<250x250xf32, #tpu.memory_space<vmem>>, vector<1x16xf32>,
            %get3A_447 = vector.shape_cast %get3A_446 : vector<1x16xf32> to vector<16xf32>
            %get3A_448 = arith.constant 3 : i32
            %get3A_449 = arith.index_cast %get3A_448 : i32 to index
            %get3A_450 = arith.constant 80 : index
            %get3A_451 = tpu.vector_load %arg8[%get3A_449, %get3A_450] {strides = array<i32>} : memref<4x250xf32, #tpu.memory_space<vmem>>, vector<1x16xf32>,
            %get3A_452 = vector.shape_cast %get3A_451 : vector<1x16xf32> to vector<16xf32>
            %mul3A_453 = arith.mulf %get3A_447, %get3A_452 : vector<16xf32>
            %swap3A_454 = arith.index_cast %while3A_369 : i32 to index
            %swap3A_455 = arith.constant 80 : index
            %swap3A_456 = tpu.vector_load %arg6[%swap3A_454, %swap3A_455] {strides = array<i32>} : memref<250x250xf32, #tpu.memory_space<vmem>>, vector<1x16xf32>,
            %swap3A_457 = vector.shape_cast %swap3A_456 : vector<1x16xf32> to vector<16xf32>
            %swap3A_458 = vector.shape_cast %mul3A_453 : vector<16xf32> to vector<1x16xf32>
            tpu.vector_store %arg6[%swap3A_454, %swap3A_455], %swap3A_458 {strides = array<i32>} : memref<250x250xf32, #tpu.memory_space<vmem>>, vector<1x16xf32>,
            %get3A_459 = arith.index_cast %while3A_369 : i32 to index
            %get3A_460 = arith.constant 96 : index
            %get3A_461 = tpu.vector_load %arg6[%get3A_459, %get3A_460] {strides = array<i32>} : memref<250x250xf32, #tpu.memory_space<vmem>>, vector<1x16xf32>,
            %get3A_462 = vector.shape_cast %get3A_461 : vector<1x16xf32> to vector<16xf32>
            %get3A_463 = arith.constant 3 : i32
            %get3A_464 = arith.index_cast %get3A_463 : i32 to index
            %get3A_465 = arith.constant 96 : index
            %get3A_466 = tpu.vector_load %arg8[%get3A_464, %get3A_465] {strides = array<i32>} : memref<4x250xf32, #tpu.memory_space<vmem>>, vector<1x16xf32>,
            %get3A_467 = vector.shape_cast %get3A_466 : vector<1x16xf32> to vector<16xf32>
            %mul3A_468 = arith.mulf %get3A_462, %get3A_467 : vector<16xf32>
            %swap3A_469 = arith.index_cast %while3A_369 : i32 to index
            %swap3A_470 = arith.constant 96 : index
            %swap3A_471 = tpu.vector_load %arg6[%swap3A_469, %swap3A_470] {strides = array<i32>} : memref<250x250xf32, #tpu.memory_space<vmem>>, vector<1x16xf32>,
            %swap3A_472 = vector.shape_cast %swap3A_471 : vector<1x16xf32> to vector<16xf32>
            %swap3A_473 = vector.shape_cast %mul3A_468 : vector<16xf32> to vector<1x16xf32>
            tpu.vector_store %arg6[%swap3A_469, %swap3A_470], %swap3A_473 {strides = array<i32>} : memref<250x250xf32, #tpu.memory_space<vmem>>, vector<1x16xf32>,
            %get3A_474 = arith.index_cast %while3A_369 : i32 to index
            %get3A_475 = arith.constant 112 : index
            %get3A_476 = tpu.vector_load %arg6[%get3A_474, %get3A_475] {strides = array<i32>} : memref<250x250xf32, #tpu.memory_space<vmem>>, vector<1x16xf32>,
            %get3A_477 = vector.shape_cast %get3A_476 : vector<1x16xf32> to vector<16xf32>
            %get3A_478 = arith.constant 3 : i32
            %get3A_479 = arith.index_cast %get3A_478 : i32 to index
            %get3A_480 = arith.constant 112 : index
            %get3A_481 = tpu.vector_load %arg8[%get3A_479, %get3A_480] {strides = array<i32>} : memref<4x250xf32, #tpu.memory_space<vmem>>, vector<1x16xf32>,
            %get3A_482 = vector.shape_cast %get3A_481 : vector<1x16xf32> to vector<16xf32>
            %mul3A_483 = arith.mulf %get3A_477, %get3A_482 : vector<16xf32>
            %swap3A_484 = arith.index_cast %while3A_369 : i32 to index
            %swap3A_485 = arith.constant 112 : index
            %swap3A_486 = tpu.vector_load %arg6[%swap3A_484, %swap3A_485] {strides = array<i32>} : memref<250x250xf32, #tpu.memory_space<vmem>>, vector<1x16xf32>,
            %swap3A_487 = vector.shape_cast %swap3A_486 : vector<1x16xf32> to vector<16xf32>
            %swap3A_488 = vector.shape_cast %mul3A_483 : vector<16xf32> to vector<1x16xf32>
            tpu.vector_store %arg6[%swap3A_484, %swap3A_485], %swap3A_488 {strides = array<i32>} : memref<250x250xf32, #tpu.memory_space<vmem>>, vector<1x16xf32>,
            %get3A_489 = arith.index_cast %while3A_369 : i32 to index
            %get3A_490 = arith.constant 128 : index
            %get3A_491 = tpu.vector_load %arg6[%get3A_489, %get3A_490] {strides = array<i32>} : memref<250x250xf32, #tpu.memory_space<vmem>>, vector<1x16xf32>,
            %get3A_492 = vector.shape_cast %get3A_491 : vector<1x16xf32> to vector<16xf32>
            %get3A_493 = arith.constant 3 : i32
            %get3A_494 = arith.index_cast %get3A_493 : i32 to index
            %get3A_495 = arith.constant 128 : index
            %get3A_496 = tpu.vector_load %arg8[%get3A_494, %get3A_495] {strides = array<i32>} : memref<4x250xf32, #tpu.memory_space<vmem>>, vector<1x16xf32>,
            %get3A_497 = vector.shape_cast %get3A_496 : vector<1x16xf32> to vector<16xf32>
            %mul3A_498 = arith.mulf %get3A_492, %get3A_497 : vector<16xf32>
            %swap3A_499 = arith.index_cast %while3A_369 : i32 to index
            %swap3A_500 = arith.constant 128 : index
            %swap3A_501 = tpu.vector_load %arg6[%swap3A_499, %swap3A_500] {strides = array<i32>} : memref<250x250xf32, #tpu.memory_space<vmem>>, vector<1x16xf32>,
            %swap3A_502 = vector.shape_cast %swap3A_501 : vector<1x16xf32> to vector<16xf32>
            %swap3A_503 = vector.shape_cast %mul3A_498 : vector<16xf32> to vector<1x16xf32>
            tpu.vector_store %arg6[%swap3A_499, %swap3A_500], %swap3A_503 {strides = array<i32>} : memref<250x250xf32, #tpu.memory_space<vmem>>, vector<1x16xf32>,
            %get3A_504 = arith.index_cast %while3A_369 : i32 to index
            %get3A_505 = arith.constant 144 : index
            %get3A_506 = tpu.vector_load %arg6[%get3A_504, %get3A_505] {strides = array<i32>} : memref<250x250xf32, #tpu.memory_space<vmem>>, vector<1x16xf32>,
            %get3A_507 = vector.shape_cast %get3A_506 : vector<1x16xf32> to vector<16xf32>
            %get3A_508 = arith.constant 3 : i32
            %get3A_509 = arith.index_cast %get3A_508 : i32 to index
            %get3A_510 = arith.constant 144 : index
            %get3A_511 = tpu.vector_load %arg8[%get3A_509, %get3A_510] {strides = array<i32>} : memref<4x250xf32, #tpu.memory_space<vmem>>, vector<1x16xf32>,
            %get3A_512 = vector.shape_cast %get3A_511 : vector<1x16xf32> to vector<16xf32>
            %mul3A_513 = arith.mulf %get3A_507, %get3A_512 : vector<16xf32>
            %swap3A_514 = arith.index_cast %while3A_369 : i32 to index
            %swap3A_515 = arith.constant 144 : index
            %swap3A_516 = tpu.vector_load %arg6[%swap3A_514, %swap3A_515] {strides = array<i32>} : memref<250x250xf32, #tpu.memory_space<vmem>>, vector<1x16xf32>,
            %swap3A_517 = vector.shape_cast %swap3A_516 : vector<1x16xf32> to vector<16xf32>
            %swap3A_518 = vector.shape_cast %mul3A_513 : vector<16xf32> to vector<1x16xf32>
            tpu.vector_store %arg6[%swap3A_514, %swap3A_515], %swap3A_518 {strides = array<i32>} : memref<250x250xf32, #tpu.memory_space<vmem>>, vector<1x16xf32>,
            %get3A_519 = arith.index_cast %while3A_369 : i32 to index
            %get3A_520 = arith.constant 160 : index
            %get3A_521 = tpu.vector_load %arg6[%get3A_519, %get3A_520] {strides = array<i32>} : memref<250x250xf32, #tpu.memory_space<vmem>>, vector<1x16xf32>,
            %get3A_522 = vector.shape_cast %get3A_521 : vector<1x16xf32> to vector<16xf32>
            %get3A_523 = arith.constant 3 : i32
            %get3A_524 = arith.index_cast %get3A_523 : i32 to index
            %get3A_525 = arith.constant 160 : index
            %get3A_526 = tpu.vector_load %arg8[%get3A_524, %get3A_525] {strides = array<i32>} : memref<4x250xf32, #tpu.memory_space<vmem>>, vector<1x16xf32>,
            %get3A_527 = vector.shape_cast %get3A_526 : vector<1x16xf32> to vector<16xf32>
            %mul3A_528 = arith.mulf %get3A_522, %get3A_527 : vector<16xf32>
            %swap3A_529 = arith.index_cast %while3A_369 : i32 to index
            %swap3A_530 = arith.constant 160 : index
            %swap3A_531 = tpu.vector_load %arg6[%swap3A_529, %swap3A_530] {strides = array<i32>} : memref<250x250xf32, #tpu.memory_space<vmem>>, vector<1x16xf32>,
            %swap3A_532 = vector.shape_cast %swap3A_531 : vector<1x16xf32> to vector<16xf32>
            %swap3A_533 = vector.shape_cast %mul3A_528 : vector<16xf32> to vector<1x16xf32>
            tpu.vector_store %arg6[%swap3A_529, %swap3A_530], %swap3A_533 {strides = array<i32>} : memref<250x250xf32, #tpu.memory_space<vmem>>, vector<1x16xf32>,
            %get3A_534 = arith.index_cast %while3A_369 : i32 to index
            %get3A_535 = arith.constant 176 : index
            %get3A_536 = tpu.vector_load %arg6[%get3A_534, %get3A_535] {strides = array<i32>} : memref<250x250xf32, #tpu.memory_space<vmem>>, vector<1x16xf32>,
            %get3A_537 = vector.shape_cast %get3A_536 : vector<1x16xf32> to vector<16xf32>
            %get3A_538 = arith.constant 3 : i32
            %get3A_539 = arith.index_cast %get3A_538 : i32 to index
            %get3A_540 = arith.constant 176 : index
            %get3A_541 = tpu.vector_load %arg8[%get3A_539, %get3A_540] {strides = array<i32>} : memref<4x250xf32, #tpu.memory_space<vmem>>, vector<1x16xf32>,
            %get3A_542 = vector.shape_cast %get3A_541 : vector<1x16xf32> to vector<16xf32>
            %mul3A_543 = arith.mulf %get3A_537, %get3A_542 : vector<16xf32>
            %swap3A_544 = arith.index_cast %while3A_369 : i32 to index
            %swap3A_545 = arith.constant 176 : index
            %swap3A_546 = tpu.vector_load %arg6[%swap3A_544, %swap3A_545] {strides = array<i32>} : memref<250x250xf32, #tpu.memory_space<vmem>>, vector<1x16xf32>,
            %swap3A_547 = vector.shape_cast %swap3A_546 : vector<1x16xf32> to vector<16xf32>
            %swap3A_548 = vector.shape_cast %mul3A_543 : vector<16xf32> to vector<1x16xf32>
            tpu.vector_store %arg6[%swap3A_544, %swap3A_545], %swap3A_548 {strides = array<i32>} : memref<250x250xf32, #tpu.memory_space<vmem>>, vector<1x16xf32>,
            %get3A_549 = arith.index_cast %while3A_369 : i32 to index
            %get3A_550 = arith.constant 192 : index
            %get3A_551 = tpu.vector_load %arg6[%get3A_549, %get3A_550] {strides = array<i32>} : memref<250x250xf32, #tpu.memory_space<vmem>>, vector<1x16xf32>,
            %get3A_552 = vector.shape_cast %get3A_551 : vector<1x16xf32> to vector<16xf32>
            %get3A_553 = arith.constant 3 : i32
            %get3A_554 = arith.index_cast %get3A_553 : i32 to index
            %get3A_555 = arith.constant 192 : index
            %get3A_556 = tpu.vector_load %arg8[%get3A_554, %get3A_555] {strides = array<i32>} : memref<4x250xf32, #tpu.memory_space<vmem>>, vector<1x16xf32>,
            %get3A_557 = vector.shape_cast %get3A_556 : vector<1x16xf32> to vector<16xf32>
            %mul3A_558 = arith.mulf %get3A_552, %get3A_557 : vector<16xf32>
            %swap3A_559 = arith.index_cast %while3A_369 : i32 to index
            %swap3A_560 = arith.constant 192 : index
            %swap3A_561 = tpu.vector_load %arg6[%swap3A_559, %swap3A_560] {strides = array<i32>} : memref<250x250xf32, #tpu.memory_space<vmem>>, vector<1x16xf32>,
            %swap3A_562 = vector.shape_cast %swap3A_561 : vector<1x16xf32> to vector<16xf32>
            %swap3A_563 = vector.shape_cast %mul3A_558 : vector<16xf32> to vector<1x16xf32>
            tpu.vector_store %arg6[%swap3A_559, %swap3A_560], %swap3A_563 {strides = array<i32>} : memref<250x250xf32, #tpu.memory_space<vmem>>, vector<1x16xf32>,
            %get3A_564 = arith.index_cast %while3A_369 : i32 to index
            %get3A_565 = arith.constant 208 : index
            %get3A_566 = tpu.vector_load %arg6[%get3A_564, %get3A_565] {strides = array<i32>} : memref<250x250xf32, #tpu.memory_space<vmem>>, vector<1x16xf32>,
            %get3A_567 = vector.shape_cast %get3A_566 : vector<1x16xf32> to vector<16xf32>
            %get3A_568 = arith.constant 3 : i32
            %get3A_569 = arith.index_cast %get3A_568 : i32 to index
            %get3A_570 = arith.constant 208 : index
            %get3A_571 = tpu.vector_load %arg8[%get3A_569, %get3A_570] {strides = array<i32>} : memref<4x250xf32, #tpu.memory_space<vmem>>, vector<1x16xf32>,
            %get3A_572 = vector.shape_cast %get3A_571 : vector<1x16xf32> to vector<16xf32>
            %mul3A_573 = arith.mulf %get3A_567, %get3A_572 : vector<16xf32>
            %swap3A_574 = arith.index_cast %while3A_369 : i32 to index
            %swap3A_575 = arith.constant 208 : index
            %swap3A_576 = tpu.vector_load %arg6[%swap3A_574, %swap3A_575] {strides = array<i32>} : memref<250x250xf32, #tpu.memory_space<vmem>>, vector<1x16xf32>,
            %swap3A_577 = vector.shape_cast %swap3A_576 : vector<1x16xf32> to vector<16xf32>
            %swap3A_578 = vector.shape_cast %mul3A_573 : vector<16xf32> to vector<1x16xf32>
            tpu.vector_store %arg6[%swap3A_574, %swap3A_575], %swap3A_578 {strides = array<i32>} : memref<250x250xf32, #tpu.memory_space<vmem>>, vector<1x16xf32>,
            %get3A_579 = arith.index_cast %while3A_369 : i32 to index
            %get3A_580 = arith.constant 224 : index
            %get3A_581 = tpu.vector_load %arg6[%get3A_579, %get3A_580] {strides = array<i32>} : memref<250x250xf32, #tpu.memory_space<vmem>>, vector<1x16xf32>,
            %get3A_582 = vector.shape_cast %get3A_581 : vector<1x16xf32> to vector<16xf32>
            %get3A_583 = arith.constant 3 : i32
            %get3A_584 = arith.index_cast %get3A_583 : i32 to index
            %get3A_585 = arith.constant 224 : index
            %get3A_586 = tpu.vector_load %arg8[%get3A_584, %get3A_585] {strides = array<i32>} : memref<4x250xf32, #tpu.memory_space<vmem>>, vector<1x16xf32>,
            %get3A_587 = vector.shape_cast %get3A_586 : vector<1x16xf32> to vector<16xf32>
            %mul3A_588 = arith.mulf %get3A_582, %get3A_587 : vector<16xf32>
            %swap3A_589 = arith.index_cast %while3A_369 : i32 to index
            %swap3A_590 = arith.constant 224 : index
            %swap3A_591 = tpu.vector_load %arg6[%swap3A_589, %swap3A_590] {strides = array<i32>} : memref<250x250xf32, #tpu.memory_space<vmem>>, vector<1x16xf32>,
            %swap3A_592 = vector.shape_cast %swap3A_591 : vector<1x16xf32> to vector<16xf32>
            %swap3A_593 = vector.shape_cast %mul3A_588 : vector<16xf32> to vector<1x16xf32>
            tpu.vector_store %arg6[%swap3A_589, %swap3A_590], %swap3A_593 {strides = array<i32>} : memref<250x250xf32, #tpu.memory_space<vmem>>, vector<1x16xf32>,
            %get3A_594 = arith.index_cast %while3A_369 : i32 to index
            %get3A_595 = arith.constant 234 : index
            %get3A_596 = tpu.vector_load %arg6[%get3A_594, %get3A_595] {strides = array<i32>} : memref<250x250xf32, #tpu.memory_space<vmem>>, vector<1x16xf32>,
            %get3A_597 = vector.shape_cast %get3A_596 : vector<1x16xf32> to vector<16xf32>
            %get3A_598 = arith.constant 3 : i32
            %get3A_599 = arith.index_cast %get3A_598 : i32 to index
            %get3A_600 = arith.constant 234 : index
            %get3A_601 = tpu.vector_load %arg8[%get3A_599, %get3A_600] {strides = array<i32>} : memref<4x250xf32, #tpu.memory_space<vmem>>, vector<1x16xf32>,
            %get3A_602 = vector.shape_cast %get3A_601 : vector<1x16xf32> to vector<16xf32>
            %mul3A_603 = arith.mulf %get3A_597, %get3A_602 : vector<16xf32>
            %swap3A_604 = arith.index_cast %while3A_369 : i32 to index
            %swap3A_605 = arith.constant 234 : index
            %swap3A_606 = tpu.vector_load %arg6[%swap3A_604, %swap3A_605] {strides = array<i32>} : memref<250x250xf32, #tpu.memory_space<vmem>>, vector<1x16xf32>,
            %swap3A_607 = vector.shape_cast %swap3A_606 : vector<1x16xf32> to vector<16xf32>
            %swap3A_608 = vector.shape_cast %mul3A_603 : vector<16xf32> to vector<1x16xf32>
            tpu.vector_store %arg6[%swap3A_604, %swap3A_605], %swap3A_608 {strides = array<i32>} : memref<250x250xf32, #tpu.memory_space<vmem>>, vector<1x16xf32>,
          }
        } else {
        }
        "tpu.region"() ({
          %run_scoped3A = tpu.sem_alloc : memref<!tpu.dma_semaphore, #tpu.memory_space<semaphore_mem>>
          %dma_start3A = arith.constant 0 : i32
          %dma_start3A_354 = arith.constant 0 : i32
          %dma_start3A_355 = tpu.memref_slice %arg5[%select_n3A_290, %select_n3A_306, %dma_start3A, %dma_start3A_354] : memref<2x250x250x250xf32, #tpu.memory_space<hbm>> -> memref<1x1x250x250xf32, #tpu.memory_space<hbm>>
          %dma_start3A_356 = tpu.memref_squeeze %dma_start3A_355 : memref<1x1x250x250xf32, #tpu.memory_space<hbm>> -> memref<250x250xf32, #tpu.memory_space<hbm>>
          %dma_start3A_357 = arith.constant 0 : i32
          %dma_start3A_358 = arith.constant 0 : i32
          %dma_start3A_359 = tpu.memref_slice %arg5[%select_n3A_290, %select_n3A_306, %dma_start3A_357, %dma_start3A_358] : memref<2x250x250x250xf32, #tpu.memory_space<hbm>> -> memref<1x1x250x250xf32, #tpu.memory_space<hbm>>
          %dma_start3A_360 = tpu.memref_squeeze %dma_start3A_359 : memref<1x1x250x250xf32, #tpu.memory_space<hbm>> -> memref<250x250xf32, #tpu.memory_space<hbm>>
          tpu.enqueue_dma source(%arg6 : memref<250x250xf32, #tpu.memory_space<vmem>>) target(%dma_start3A_360 : memref<250x250xf32, #tpu.memory_space<hbm>>) target_semaphore(%run_scoped3A : memref<!tpu.dma_semaphore, #tpu.memory_space<semaphore_mem>>)
          %dma_wait3A = arith.constant 0 : i32
          %dma_wait3A_361 = arith.constant 0 : i32
          %dma_wait3A_362 = tpu.memref_slice %arg5[%select_n3A_290, %select_n3A_306, %dma_wait3A, %dma_wait3A_361] : memref<2x250x250x250xf32, #tpu.memory_space<hbm>> -> memref<1x1x250x250xf32, #tpu.memory_space<hbm>>
          %dma_wait3A_363 = tpu.memref_squeeze %dma_wait3A_362 : memref<1x1x250x250xf32, #tpu.memory_space<hbm>> -> memref<250x250xf32, #tpu.memory_space<hbm>>
          %dma_wait3A_364 = arith.constant 0 : i32
          %dma_wait3A_365 = arith.constant 0 : i32
          %dma_wait3A_366 = tpu.memref_slice %arg5[%select_n3A_290, %select_n3A_306, %dma_wait3A_364, %dma_wait3A_365] : memref<2x250x250x250xf32, #tpu.memory_space<hbm>> -> memref<1x1x250x250xf32, #tpu.memory_space<hbm>>
          %dma_wait3A_367 = tpu.memref_squeeze %dma_wait3A_366 : memref<1x1x250x250xf32, #tpu.memory_space<hbm>> -> memref<250x250xf32, #tpu.memory_space<hbm>>
          tpu.wait_dma2 semaphore(%run_scoped3A : memref<!tpu.dma_semaphore, #tpu.memory_space<semaphore_mem>>) src(%arg6 : memref<250x250xf32, #tpu.memory_space<vmem>>) dst(%dma_wait3A_367 : memref<250x250xf32, #tpu.memory_space<hbm>>)
          tpu.yield
        }) : () -> ()
      } else {
      }
    }
    %scan3A_259 = arith.constant 16 : i32
    return
  }
}

</mosaic_0001>

<sc_bundles>
// kernel: kernel.3.cloned.1.call-start
scs
__scs_entry_jumppad:
0x0: {  	(pc) =	sbr.rel $0x88, $3  }
0x1: {  	(tag) =	ssettag $0x0;
	lr =	simm.s32 $0x1  }
0x2: {  	[smem:$0x3F9F] =	sst lr;
	_ =	strace $0xD0000000  }
0x3: {  	_ = 	snop  }
0x4: {  	_ = 	snop  }
0x5: {  	_ = 	snop  }
0x6: {  	_ = 	snop  }
0x7: {  	_ = 	snop  }
__scs_overlays_trampoline_lowered:
0x8: {  	[smem:$0x3FAE] =	sst s0  }
0x9: {  	[smem:$0x3FAF] =	sst s1  }
0xa: {  	[smem:$0x3FB0] =	sst s2  }
0xb: {  	[smem:$0x3FB1] =	sst s3  }
0xc: {  	[smem:$0x3FB2] =	sst s4  }
0xd: {  	[smem:$0x3FB3] =	sst s5  }
0xe: {  	[smem:$0x3FB4] =	sst s6  }
0xf: {  	[smem:$0x3FB5] =	sst s7  }
0x10: {  	[smem:$0x3FB6] =	sst s8  }
0x11: {  	[smem:$0x3FB7] =	sst s9;
	s0 =	simm.s32 @!p0 $0x0  }
0x12: {  	s1 =	sld [smem:$0x3F9D];
	s0 =	simm.s32 @p0 $0x1  }
0x13: {  	[smem:$0x3FB8] =	sst s0;
	s0 =	simm.s32 @!p1 $0x0  }
0x14: {  	s2 =	sld [smem:$0x3F9C];
	s0 =	simm.s32 @p1 $0x1  }
0x15: {  	[smem:$0x3FB9] =	sst s0;
	s0 =	simm.s32 @!p2 $0x0  }
0x16: {  	s3 =	sld [smem:$0x3FDB];
	s0 =	simm.s32 @p2 $0x1  }
0x17: {  	s4 =	simm.s32 $0x1BF5;
	[smem:$0x3FBB] =	sst s0  }
0x18: {  	s0 =	sld [smem:$0x3F9E];
	_ =	swait.ge [sflag:s4], $0x0  }
0x19: {  	s7 =	sld [smem:$0x3F9F]  }
0x1a: {  	s8 =	sadd.s32 $0xFFFFE003, lr  }
0x1b: {  	s9 =	sadd.s32 $0xFFFFFEF7, lr;
	s5 =	simm.s32 $0xFFFFFFFF;
	p2 =	slt.u32 s8, $0xFFFFF086  }
0x1c: {  	p1 =	slt.u32 s9, $0xF7A;
	s5 =	simm.s32 @!p2 $0x0  }
0x1d: {  	s5 =	simm.s32 @p1 $0x1;
	p0 =	seq.s32 s7, s2  }
0x1e: {  	s7 =	smul.u32 @!p0 $0xF7A, s2;
	p2 =	seq.s32 @!p0 s5, $0x0  }
0x1f: {  	s9 =	smul.u32 $0xF7A, s1;
	s8 =	simm.s32 @!p0 $0x1BF5;
	p2 =	por !p2, p0  }
0x20: {  	[sflag:s8] =	ssyncset.s32 @!p0 $0xFFFFF086;
	s6 =	sadd.s32 @!p0 s3, s7;
	s7 =	simm.s32 @!p0 $0x108  }
0x21: {  	s3 =	sadd.s32 s3, s9;
	s6 =	sadd.s32 @!p0 $0x88, s6;
	s7 =	simm.s32 @p2 $0x1082  }
0x22: {  	[simem:s7], [sflag:s8] =	dma.local @!p0 [hbm:s6], $0xF7A  }
0x23: {  	s9 =	sor.u32 $0xD0000000, s2;
	s6 =	simm.s32 $0x108;
	_ =	swait.ge @!p0 [sflag:s8], $0x0  }
0x24: {  	s3 =	sadd.s32 $0x88, s3;
	s6 =	simm.s32 @!p1 $0x1082;
	[sflag:s4] =	ssyncset.s32 $0xFFFFF086  }
0x25: {  	[simem:s6], [sflag:s4] =	dma.local [hbm:s3], $0xF7A  }
0x26: {  	[smem:$0x3F9F] =	sst s1;
	(tag) =	ssettag s2;
	_ =	strace s9  }
0x27: {  	s1 =	sld [smem:$0x3FAF]  }
0x28: {  	s2 =	sld [smem:$0x3FB0]  }
0x29: {  	s4 =	sld [smem:$0x3FB2]  }
0x2a: {  	p0 =	seq.s32 s5, $0x0;
	s5 =	sld [smem:$0x3FB3]  }
0x2b: {  	s6 =	sld [smem:$0x3FB4]  }
0x2c: {  	s7 =	sld [smem:$0x3FB5]  }
0x2d: {  	s3 =	simm.s32 $0x108;
	s8 =	sld [smem:$0x3FB6]  }
0x2e: {  	s3 =	simm.s32 @!p0 $0x1082;
	s9 =	sld [smem:$0x3FB7]  }
0x2f: {  	lr =	sadd.s32 s0, s3;
	s0 =	sld [smem:$0x3FAE]  }
0x30: {  	s3 =	sld [smem:$0x3FB1]  }
0x31: {  	[smem:$0x3FBA] =	sst s10  }
0x32: {  	s10 =	sld [smem:$0x3FB8];
	_ =	sdelay $0x3  }
0x33: {  	p0 =	seq.s32 s10, $0x1;
	s10 =	sld [smem:$0x3FBA];
	_ =	sdelay $0x3  }
0x34: {  	[smem:$0x3FBA] =	sst s10  }
0x35: {  	s10 =	sld [smem:$0x3FB9];
	_ =	sdelay $0x3  }
0x36: {  	p1 =	seq.s32 s10, $0x1;
	s10 =	sld [smem:$0x3FBA];
	_ =	sdelay $0x3  }
0x37: {  	[smem:$0x3FBA] =	sst s10  }
0x38: {  	s10 =	sld [smem:$0x3FBB]  }
0x39: {  	_ = 	snop;
	(pc) =	sbr.ind lr, $3  }
0x3a: {  	_ = 	snop  }
0x3b: {  	_ = 	snop  }
0x3c: {  	p2 =	seq.s32 s10, $0x1;
	s10 =	sld [smem:$0x3FBA]  }
0x3d: {  	_ =	shalt  }
0x3e: {  	_ =	shalt  }
0x3f: {  	_ =	shalt  }
0x40: {  	_ =	shalt  }
0x41: {  	_ =	shalt  }
0x42: {  	_ =	shalt  }
0x43: {  	_ =	shalt  }
0x44: {  	_ =	shalt  }
0x45: {  	_ =	shalt  }
0x46: {  	_ =	shalt  }
0x47: {  	_ =	shalt  }
0x48: {  	_ =	shalt  }
0x49: {  	_ =	shalt  }
0x4a: {  	_ =	shalt  }
0x4b: {  	_ =	shalt  }
0x4c: {  	_ =	shalt  }
0x4d: {  	_ =	shalt  }
0x4e: {  	_ =	shalt  }
0x4f: {  	_ =	shalt  }
0x50: {  	_ =	shalt  }
0x51: {  	_ =	shalt  }
0x52: {  	_ =	shalt  }
0x53: {  	_ =	shalt  }
0x54: {  	_ =	shalt  }
0x55: {  	_ =	shalt  }
0x56: {  	_ =	shalt  }
0x57: {  	_ =	shalt  }
0x58: {  	_ =	shalt  }
0x59: {  	_ =	shalt  }
0x5a: {  	_ =	shalt  }
0x5b: {  	_ =	shalt  }
0x5c: {  	_ =	shalt  }
0x5d: {  	_ =	shalt  }
0x5e: {  	_ =	shalt  }
0x5f: {  	_ =	shalt  }
0x60: {  	_ =	shalt  }
0x61: {  	_ =	shalt  }
0x62: {  	_ =	shalt  }
0x63: {  	_ =	shalt  }
0x64: {  	_ =	shalt  }
0x65: {  	_ =	shalt  }
0x66: {  	_ =	shalt  }
0x67: {  	_ =	shalt  }
0x68: {  	_ =	shalt  }
0x69: {  	_ =	shalt  }
0x6a: {  	_ =	shalt  }
0x6b: {  	_ =	shalt  }
0x6c: {  	_ =	shalt  }
0x6d: {  	_ =	shalt  }
0x6e: {  	_ =	shalt  }
0x6f: {  	_ =	shalt  }
0x70: {  	_ =	shalt  }
0x71: {  	_ =	shalt  }
0x72: {  	_ =	shalt  }
0x73: {  	_ =	shalt  }
0x74: {  	_ =	shalt  }
0x75: {  	_ =	shalt  }
0x76: {  	_ =	shalt  }
0x77: {  	_ =	shalt  }
0x78: {  	_ =	shalt  }
0x79: {  	_ =	shalt  }
0x7a: {  	_ =	shalt  }
0x7b: {  	_ =	shalt  }
0x7c: {  	_ =	shalt  }
0x7d: {  	_ =	shalt  }
0x7e: {  	_ =	shalt  }
0x7f: {  	_ =	shalt  }
0x80: {  	_ =	shalt  }
0x81: {  	_ =	shalt  }
0x82: {  	_ =	shalt  }
0x83: {  	_ =	shalt  }
0x84: {  	_ =	shalt  }
0x85: {  	_ =	shalt  }
0x86: {  	_ =	shalt  }
0x87: {  	_ =	shalt  }
.Lfunc_end0:
.L_simem_size_0:
called_computation.2_lowered:
.L_overlay_start_0:
0x88: {  	s2 =	sld [smem:$0x3FD9]  }
0x89: {  	s3 =	sld [smem:$0x3FFE];
	_ =	sdelay $0x1  }
0x8a: {  	s1 =	srdreg.scid  }
0x8b: {  	s0 =	sand.u32 $0x1, s1  }
0x8c: {  	s17 =	sshll.u32 s0, $0xA;
	s2 =	sadd.s32 s3, s2  }
0x8d: {  	s2 =	sadd.s32 s2, s17  }
0x8e: {  	[smem:$0x3FC6] =	sst s2  }
0x8f: {  	_ = 	snop  }
0x90: {  	s2 =	sld [smem:$0x3FD0];
	(tm) =	ssettm $0x1  }
0x91: {  	s18 =	sld [smem:$0x3FFB];
	_ =	sdelay $0x3  }
0x92: {  	_ =	strace s18  }
0x93: {  	s3 =	sld [smem:$0x3FFC];
	_ =	sdelay $0x3  }
0x94: {  	_ =	strace s3  }
0x95: {  	s3 =	sld [smem:$0x3FFD];
	_ =	sdelay $0x3  }
0x96: {  	_ =	strace s3  }
0x97: {  	_ =	strace $0x8FFFFFFF  }
0x98: {  	s19 =	sld [smem:$0x3FDB];
	_ =	sdelay $0x1  }
0x99: {  	s4 =	simm.s32 $_scs_section_size  }
0x9a: {  	s5 =	simm.s32 $_size__tile_overlayer_lowered;
	s6 =	simm.s32 $_tile_overlayer_lowered  }
0x9b: {  	s22 =	simm.s32 $0x1BFF;
	s21 =	sshll.u32 s6, $0x1;
	s3 =	sadd.s32 s4, s19  }
0x9c: {  	s7 =	simm.s32 $0x0;
	s20 =	sshll.u32 s5, $0x1;
	s5 =	sadd.s32 s21, s3  }
0x9d: {  	[timem:s7], [sflag:s22] =	dma.local [hbm:s5], s20  }
0x9e: {  	_ =	swait.ge [sflag:s22], s20  }
0x9f: {  	s4 =	ssub.s32 $0x0, s20;
	[sflag:s22] =	ssyncset.done $0x0  }
0xa0: {  	[sflag:s22] =	ssyncadd.s32 s4;
	_ =	sdelay $0x1  }
0xa1: {  	s23 =	simm.s32 $0x1B8B  }
0xa2: {  	_ =	swait.ge [sflag:s23], $0x1  }
0xa3: {  	[sflag:s23] =	ssyncset.done $0x0  }
0xa4: {  	s25 =	simm.s32 $0x1B8E;
	s24 =	sld [smem:$0x3FFE];
	[sflag:s23] =	ssyncadd.s32 $0xFFFFFFFF  }
0xa5: {  	s26 =	simm.s32 $execute0_lowered;
	[smem:$0x3FD2] =	sst s25  }
0xa6: {  	s5 =	sshll.u32 s26, $0x1;
	_ =	strace $0x80000049;
	[dreg:$0x1] =	wrdreg $0xFFFFFFFF  }
0xa7: {  	s28 =	simm.s32 $_size_execute0_lowered;
	s3 =	sadd.s32 s3, s5;
	[dreg:$0x0] =	wrdreg $0x0  }
0xa8: {  	s5 =	sshll.u32 s28, $0x1;
	[dreg:$0x2] =	wrdreg s3  }
0xa9: {  	[dreg:$0x3] =	wrdreg s5  }
0xaa: {  	[dreg:$0x4] =	wrdreg $0xC0  }
0xab: {  	_ =	task [dreg:s7], $0x5FFFF  }
0xac: {  	[dreg:$0x1] =	wrdreg $0xFFFFFFFF  }
0xad: {  	[dreg:$0x0] =	wrdreg $0x60  }
0xae: {  	[dreg:$0x2] =	wrdreg s24  }
0xaf: {  	[dreg:$0x3] =	wrdreg s2  }
0xb0: {  	[dreg:$0x4] =	wrdreg $0x9  }
0xb1: {  	_ =	task.clear_ibuf [dreg:s7], $0x5FFFF;
	_ =	strace $0x90000049  }
0xb2: {  	s29 =	simm.s32 $0x9;
	_ =	strace $0x8000004B  }
0xb3: {  	_ =	swait.ge [sflag:s29], $0x1  }
0xb4: {  	[sflag:s29] =	ssyncadd.s32 $0xFFFFFFFF  }
0xb5: {  	_ =	strace $0x9000004B  }
0xb6: {  	_ =	sfence  }
0xb7: {  	s30 =	sld [smem:$0x0];
	_ =	sdelay $0x2  }
0xb8: {  	s31 =	sshll.u32 s1, $0xD;
	s1 =	sshrl.u32 s1, $0x2  }
0xb9: {  	s3 =	sand.u32 $0x4000, s31;
	s1 =	sadd.s32 s1, s30  }
0xba: {  	s0 =	sor.u32 s3, s0;
	s1 =	sshll.u32 s1, $0x11  }
0xbb: {  	s0 =	sor.u32 s1, s0  }
0xbc: {  	s0 =	sadd.s32 $0x8F2B, s0  }
0xbd: {  	[sflag:s0] =	ssyncadd.remote.s32 $0x1  }
0xbe: {  	_ =	sfence.sel $0xFFFF  }
0xbf: {  	[dreg:$0x0] =	wrdreg $0xFFFFFFFF;
	(pc) =	sbr.abs _section_cstart, $3  }
0xc0: {  	[dreg:$0x1] =	wrdreg $0xFFFFFFFF  }
0xc1: {  	_ =	task.clear_ibuf [dreg:s7], $0x2FFFF;
	_ =	strace $0x9FFFFFFF  }
0xc2: {  	(tm) =	ssettm $0x7FFFFFFF  }
0xc3: {  	_ =	shalt  }
tec
execute0_lowered:
.L_overlay_start_1:
0x0: {  	(tag) =	ssettag $0x1  }
0x1: {  	s0 =	rddreg [dreg:$0x0];
	s2 =	simm.s32 $0x0;
	s1 =	srdreg.scid  }
0x2: {  	s3 =	stileid.u32;
	s11 =	simm.s32 $0x1;
	[smem:$0x7FF] =	sst s2  }
0x3: {  	s1 =	sand.u32 $0x1, s1;
	s28 =	sadd.s32 $0x1000, s0;
	_ =	strace $0x8000004A  }
.Ltmp0:
0x4: {  	[dreg:$0x3] =	wrdreg s1;
	s1 =	ssub.s32 $0x2, s1;
	(pc) =	sbr.rel .LBB2_1-.Ltmp0, $4  }
0x5: {  	s29 =	sadd.s32 $0x3E9000, s0;
	[dreg:$0x4] =	wrdreg s28;
	s30 =	sshrl.u32 s1, $0x1  }
0x6: {  	s0 =	sadd.s32 $0x3E9200, s0;
	[dreg:$0x5] =	wrdreg s29;
	s31 =	ssub.s32 s1, s30  }
0x7: {  	s13 =	simm.s32 $0x2;
	[dreg:$0x6] =	wrdreg s0;
	s0 =	smax.u32 s31, $0x1  }
0x8: {  	s8 =	sshll.u32 s3, $0x1;
	s1 =	simm.s32 $0x0;
	[dreg:$0x7] =	wrdreg s0  }
.LBB2_21:
0x9: {  	s1 =	rddreg [dreg:$0x8]  }
0xa: {  	s0 =	rddreg [dreg:$0x7];
	s1 =	sadd.s32 $0x1, s1  }
0xb: {  	p0 =	sne.s32 s1, s0  }
.Ltmp1:
0xc: {  	_ = 	snop;
	(pc) =	sbr.rel @!p0 .LBB2_22-.Ltmp1, $1  }
0xd: {  	_ =	sdelay $0x3  }
.LBB2_1:
0xe: {  	[dreg:$0x8] =	wrdreg s1  }
0xf: {  	s21 =	simm.s32 $0x0;
	s0 =	rddreg [dreg:$0x5];
	s2 =	simm.s32 $0x10000  }
0x10: {  	[tilespmem:s2], [sflag:$0x1] =	stream.linear.gather [hbm4b:s0+s21], $0x80, $0x38;
	[tilespmem:$0x10480] =	vst v63  }
0x11: {  	_ =	swait.ge [sflag:s11], $0x80  }
0x12: {  	[sflag:s11] =	ssyncset.done $0x0  }
0x13: {  	[sflag:s11] =	ssyncadd.s32 $0xFFFFFF80  }
0x14: {  	s23 =	simm.s32 $0x10080;
	s22 =	rddreg [dreg:$0x1]  }
0x15: {  	[tilespmem:s23], [sflag:$0x1] =	stream.linear.gather [hbm4b:s22+s21], $0x400, $0x38;
	[tilespmem:$0x10480] =	vst v63  }
0x16: {  	_ =	swait.ge [sflag:s11], $0x400  }
0x17: {  	[sflag:s11] =	ssyncset.done $0x0  }
0x18: {  	[sflag:s11] =	ssyncadd.s32 $0xFFFFFC00  }
0x19: {  	v0 =	vld [tilespmem:$0x10000];
	_ =	sdelay $0x4  }
0x1a: {  	(v2sf) =	vpush v0, $0x0  }
0x1b: {  	(v2sf) =	vpush v0, $0x1;
	_ =	sdelay $0x1  }
0x1c: {  	(v2sf) =	vpush v0, $0x2;
	_ =	sdelay $0xb  }
0x1d: {  	s5 =	simm.s32 $0x1;
	s6 =	simm.s32 $0x1;
	s24 =	spop (v2sf)  }
0x1e: {  	s10 =	simm.s32 $0x1;
	s12 =	simm.s32 $0x1;
	s25 =	spop (v2sf)  }
0x1f: {  	s3 =	sand.u32 $0x3F, s24;
	p0 =	slt.s32 s24, $0x1;
	s30 =	sshra.s32 s24, $0x1F  }
0x20: {  	s4 =	sand.u32 $0x7, s24;
	s26 =	spop (v2sf);
	p1 =	sne.s32 s3, $0x0  }
0x21: {  	p2 =	sne.s32 s4, $0x0;
	s14 =	sshrl.u32 s30, $0x1A;
	s7 =	sand.u32 $0x3F, s25  }
0x22: {  	p3 =	slt.s32 s25, $0x1;
	s15 =	sand.u32 $0x7, s25;
	s3 =	sshrl.u32 s30, $0x1D  }
0x23: {  	s17 =	sshra.s32 s25, $0x1F;
	p1 =	por !p0, !p1;
	p0 =	por !p0, !p2  }
0x24: {  	p4 =	sne.s32 s7, $0x0;
	p6 =	sne.s32 s15, $0x0;
	s7 =	simm.s32 $0x1  }
0x25: {  	s9 =	sand.u32 $0x3F, s26;
	s16 =	sand.u32 $0x7, s26;
	s4 =	sadd.s32 s14, s24  }
0x26: {  	s1 =	sadd.s32 s3, s24;
	s18 =	sshrl.u32 s17, $0x1A;
	s19 =	sshra.s32 s26, $0x1F  }
0x27: {  	p1 =	por !p1, !p1;
	p0 =	por !p0, !p0;
	p5 =	por !p3, !p4  }
0x28: {  	p4 =	sne.s32 s9, $0x0;
	s9 =	simm.s32 $0x1;
	s4 =	sshra.s32 s4, $0x6  }
0x29: {  	(v2sf) =	vpush v0, $0x3;
	s1 =	sshra.s32 s1, $0x3;
	s3 =	sadd.s32 s18, s25;
	s20 =	sshrl.u32 s19, $0x1A  }
0x2a: {  	s5 =	simm.s32 @!p1 $0x0;
	s6 =	simm.s32 @!p0 $0x0;
	p0 =	por !p5, !p5  }
0x2b: {  	p1 =	por !p3, !p6;
	p3 =	slt.s32 s26, $0x1;
	p6 =	sne.s32 s16, $0x0  }
0x2c: {  	s3 =	sshra.s32 s3, $0x6;
	s7 =	simm.s32 @!p0 $0x0;
	p0 =	por !p1, !p1  }
0x2d: {  	p5 =	por !p3, !p4;
	p3 =	por !p3, !p6;
	s4 =	ssub.s32 s4, s5  }
0x2e: {  	s5 =	sshrl.u32 s17, $0x1D;
	s1 =	ssub.s32 s1, s6;
	s6 =	sadd.s32 s20, s26  }
0x2f: {  	s10 =	simm.s32 @!p0 $0x0;
	p0 =	por !p5, !p5;
	s2 =	sadd.s32 s5, s25  }
0x30: {  	s3 =	ssub.s32 s3, s7;
	s5 =	sshrl.u32 s19, $0x1D;
	s6 =	sshra.s32 s6, $0x6  }
0x31: {  	s23 =	sshll.u32 s1, $0x5;
	s24 =	sshll.u32 s4, $0x5;
	s1 =	sand.u32 $0x7, s1  }
0x32: {  	s12 =	simm.s32 @!p0 $0x0;
	p0 =	por !p3, !p3;
	s2 =	sshra.s32 s2, $0x3  }
0x33: {  	s0 =	sadd.s32 s5, s26;
	[dreg:$0x9] =	wrdreg s24;
	s26 =	sadd.s32 $0x20, s24  }
0x34: {  	s20 =	sshll.u32 s3, $0x5;
	s9 =	simm.s32 @!p0 $0x0;
	s2 =	ssub.s32 s2, s10  }
0x35: {  	s0 =	sshra.s32 s0, $0x3;
	s6 =	ssub.s32 s6, s12;
	s10 =	simm.s32 $0x1  }
0x36: {  	[dreg:$0xa] =	wrdreg s26;
	s12 =	sadd.s32 $0x20, s20;
	s0 =	ssub.s32 s0, s9  }
0x37: {  	s9 =	simm.s32 $0x1;
	s25 =	sshll.u32 s2, $0x5;
	[dreg:$0xb] =	wrdreg s12  }
0x38: {  	s2 =	sand.u32 $0x7, s2;
	s18 =	sand.u32 $0xE0, s25;
	s14 =	spop (v2sf)  }
0x39: {  	s15 =	sand.u32 $0x3F, s14;
	s16 =	sand.u32 $0x7, s14;
	p4 =	slt.s32 s14, $0x1  }
0x3a: {  	s21 =	sshra.s32 s14, $0x1F;
	p5 =	sne.s32 s15, $0x0;
	p6 =	sne.s32 s16, $0x0  }
0x3b: {  	s22 =	sshrl.u32 s21, $0x1A;
	s7 =	sshrl.u32 s21, $0x1D;
	s16 =	sand.u32 $0xE0, s23  }
0x3c: {  	s23 =	sshll.u32 s6, $0x5;
	p1 =	por !p4, !p5;
	p0 =	por !p4, !p6  }
0x3d: {  	s5 =	sadd.s32 s22, s14;
	s7 =	sadd.s32 s7, s14;
	s30 =	smin.u32 s16, $0xDA  }
0x3e: {  	s14 =	sshll.u32 s0, $0x5;
	s17 =	sadd.s32 $0x20, s23;
	s0 =	sand.u32 $0x7, s0  }
0x3f: {  	s5 =	sshra.s32 s5, $0x6;
	p1 =	por !p1, !p1;
	p0 =	por !p0, !p0  }
0x40: {  	s7 =	sshra.s32 s7, $0x3;
	s19 =	sadd.s32 $0x20, s30;
	s24 =	sand.u32 $0xE0, s14  }
0x41: {  	[dreg:$0xc] =	wrdreg s17;
	s12 =	sshll.u32 s0, $0xC;
	s6 =	sshll.u32 s0, $0xD  }
0x42: {  	s9 =	simm.s32 @!p1 $0x0;
	s10 =	simm.s32 @!p0 $0x0;
	s21 =	smin.u32 s24, $0xDA  }
0x43: {  	s5 =	ssub.s32 s5, s9;
	s7 =	ssub.s32 s7, s10;
	s10 =	smin.u32 s18, $0xDA  }
0x44: {  	s28 =	sadd.s32 $0x20, s21;
	s21 =	sshll.u32 s1, $0xC;
	s22 =	sadd.s32 $0x20, s10  }
.Ltmp2:
0x45: {  	s15 =	sshll.u32 s7, $0x5;
	s29 =	sshll.u32 s5, $0x5;
	(pc) =	sbr.rel .LBB2_2-.Ltmp2, $4  }
0x46: {  	s10 =	sshll.u32 s2, $0xD;
	s30 =	sand.u32 $0x7, s7;
	s5 =	simm.s32 $0x0  }
0x47: {  	s26 =	sand.u32 $0xE0, s15;
	s25 =	sadd.s32 $0x20, s29;
	s9 =	sshll.u32 s30, $0xC  }
0x48: {  	s14 =	sshll.u32 s30, $0xD;
	s3 =	smin.u32 s26, $0xDA;
	[dreg:$0xd] =	wrdreg s25  }
0x49: {  	s25 =	sshll.u32 s1, $0xD;
	s1 =	sshll.u32 s2, $0xC;
	s31 =	sadd.s32 $0x20, s3  }
.LBB2_18:
0x4a: {  	[tilespmem:s2+$0x460] =	vst v1  }
0x4b: {  	[tilespmem:s17+$0x0] =	vst.msk $0x3ff, v0  }
.LBB2_19:
0x4c: {  	s0 =	rddreg [dreg:$0x6]  }
0x4d: {  	s2 =	simm.s32 $0x0;
	s0 =	sadd.s32 s0, s3  }
0x4e: {  	[hbm4b:s0+s2] =	stream.linear.scatter [tilespmem:s2], [sflag:$0x1], $0x10000, $0x38;
	[tilespmem:$0x10480] =	vst v63  }
0x4f: {  	_ =	swait.ge [sflag:s11], $0x10000  }
0x50: {  	[sflag:s11] =	ssyncset.done $0x0  }
0x51: {  	[sflag:s11] =	ssyncadd.s32 $0xFFFF0000  }
.LBB2_20:
0x52: {  	s5 =	sadd.s32 $0x1, s5  }
0x53: {  	p0 =	sne.s32 s5, $0x10  }
.Ltmp3:
0x54: {  	_ = 	snop;
	(pc) =	sbr.rel @!p0 .LBB2_21-.Ltmp3, $1  }
0x55: {  	_ =	sdelay $0x3  }
.LBB2_2:
0x56: {  	s0 =	sshll.u32 s5, $0x5  }
0x57: {  	s0 =	sor.u32 s8, s0  }
0x58: {  	p0 =	sgt.u32 s0, $0x1F3  }
.Ltmp4:
0x59: {  	_ = 	snop;
	(pc) =	sbr.rel @p0 .LBB2_20-.Ltmp4, $1  }
0x5a: {  	_ =	sdelay $0x3  }
0x5b: {  	s2 =	rddreg [dreg:$0x3]  }
0x5c: {  	s2 =	sor.u32 s2, s0  }
0x5d: {  	s3 =	smulhi.u32 $0x10624DD3, s2;
	_ =	sdelay $0x1  }
0x5e: {  	s3 =	sshrl.u32 s3, $0x4  }
0x5f: {  	s3 =	smul.u32 $0xFA, s3;
	_ =	sdelay $0x1  }
0x60: {  	p0 =	sgt.u32 s0, $0xF9;
	s0 =	simm.s32 $0x1F4000;
	s7 =	ssub.s32 s2, s3  }
0x61: {  	s0 =	simm.s32 @!p0 $0x0;
	s2 =	sshll.u32 s7, $0xD  }
0x62: {  	s15 =	rddreg [dreg:$0x4];
	s3 =	sadd.s32 s0, s2  }
0x63: {  	s17 =	simm.s32 $0x0;
	s30 =	rddreg [dreg:$0x9];
	s0 =	sadd.s32 s15, s3  }
0x64: {  	[tilespmem:s17], [sflag:$0x2] =	stream.linear.gather [hbm4b:s0+s17], $0x10000, $0x38;
	[tilespmem:$0x10480] =	vst v63  }
0x65: {  	p0 =	slt.s32 s7, s30;
	s0 =	rddreg [dreg:$0xa]  }
0x66: {  	p1 =	sge.s32 @!p0 s7, s0  }
0x67: {  	p0 =	por p0, p1  }
0x68: {  	p1 =	sge.u32 @!p0 s16, s19  }
0x69: {  	p0 =	por p0, p1  }
.Ltmp5:
0x6a: {  	_ = 	snop;
	(pc) =	sbr.rel @p0 .LBB2_7-.Ltmp5, $4  }
0x6b: {  	_ = 	snop  }
0x6c: {  	_ =	swait.ge [sflag:s13], $0x10000  }
0x6d: {  	[sflag:s13] =	ssyncset.done $0x0  }
0x6e: {  	[sflag:s13] =	ssyncadd.s32 $0xFFFF0000  }
0x6f: {  	s0 =	sand.u32 $0xFFFFF800, s25;
	s2 =	sand.u32 $0x380, s21  }
0x70: {  	v0 =	vld [tilespmem:$0x10080];
	s2 =	sor.u32 s2, s0  }
0x71: {  	v1 =	vld [tilespmem:s2+$0x0];
	_ =	sdelay $0x4  }
0x72: {  	v0 =	vmul.f32 v0, v1;
	_ =	sdelay $0x1  }
0x73: {  	[tilespmem:s2+$0x0] =	vst v0;
	v0 =	vld [tilespmem:s2+$0x10]  }
0x74: {  	v1 =	vld [tilespmem:$0x10090];
	_ =	sdelay $0x4  }
0x75: {  	v0 =	vmul.f32 v1, v0;
	_ =	sdelay $0x1  }
0x76: {  	[tilespmem:s2+$0x10] =	vst v0;
	v0 =	vld [tilespmem:s2+$0x20]  }
0x77: {  	v1 =	vld [tilespmem:$0x100A0];
	_ =	sdelay $0x4  }
0x78: {  	v0 =	vmul.f32 v1, v0;
	_ =	sdelay $0x1  }
0x79: {  	[tilespmem:s2+$0x20] =	vst v0;
	v0 =	vld [tilespmem:s2+$0x30]  }
0x7a: {  	v1 =	vld [tilespmem:$0x100B0];
	_ =	sdelay $0x4  }
0x7b: {  	v0 =	vmul.f32 v1, v0;
	_ =	sdelay $0x1  }
0x7c: {  	[tilespmem:s2+$0x30] =	vst v0;
	v0 =	vld [tilespmem:s2+$0x40]  }
0x7d: {  	v1 =	vld [tilespmem:$0x100C0];
	_ =	sdelay $0x4  }
0x7e: {  	v0 =	vmul.f32 v1, v0;
	_ =	sdelay $0x1  }
0x7f: {  	[tilespmem:s2+$0x40] =	vst v0;
	v0 =	vld [tilespmem:s2+$0x50]  }
0x80: {  	v1 =	vld [tilespmem:$0x100D0];
	_ =	sdelay $0x4  }
0x81: {  	v0 =	vmul.f32 v1, v0;
	_ =	sdelay $0x1  }
0x82: {  	[tilespmem:s2+$0x50] =	vst v0;
	v0 =	vld [tilespmem:s2+$0x60]  }
0x83: {  	v1 =	vld [tilespmem:$0x100E0];
	_ =	sdelay $0x4  }
0x84: {  	v0 =	vmul.f32 v1, v0;
	_ =	sdelay $0x1  }
0x85: {  	[tilespmem:s2+$0x60] =	vst v0;
	v0 =	vld [tilespmem:s2+$0x70]  }
0x86: {  	v1 =	vld [tilespmem:$0x100F0];
	_ =	sdelay $0x4  }
0x87: {  	v0 =	vmul.f32 v1, v0;
	_ =	sdelay $0x1  }
0x88: {  	[tilespmem:s2+$0x70] =	vst v0;
	v0 =	vld [tilespmem:s2+$0x400]  }
0x89: {  	v1 =	vld [tilespmem:$0x10280];
	_ =	sdelay $0x4  }
0x8a: {  	v0 =	vmul.f32 v1, v0;
	_ =	sdelay $0x1  }
0x8b: {  	[tilespmem:s2+$0x400] =	vst v0;
	v0 =	vld [tilespmem:s2+$0x410]  }
0x8c: {  	v1 =	vld [tilespmem:$0x10290];
	_ =	sdelay $0x4  }
0x8d: {  	v0 =	vmul.f32 v1, v0;
	_ =	sdelay $0x1  }
0x8e: {  	[tilespmem:s2+$0x410] =	vst v0;
	v0 =	vld [tilespmem:s2+$0x420]  }
0x8f: {  	v1 =	vld [tilespmem:$0x102A0];
	_ =	sdelay $0x4  }
0x90: {  	v0 =	vmul.f32 v1, v0;
	_ =	sdelay $0x1  }
0x91: {  	[tilespmem:s2+$0x420] =	vst v0;
	v0 =	vld [tilespmem:s2+$0x430]  }
0x92: {  	v1 =	vld [tilespmem:$0x102B0];
	_ =	sdelay $0x4  }
0x93: {  	v0 =	vmul.f32 v1, v0;
	_ =	sdelay $0x1  }
0x94: {  	[tilespmem:s2+$0x430] =	vst v0;
	v0 =	vld [tilespmem:s2+$0x440]  }
0x95: {  	v1 =	vld [tilespmem:$0x102C0];
	_ =	sdelay $0x4  }
0x96: {  	v0 =	vmul.f32 v1, v0;
	_ =	sdelay $0x1  }
0x97: {  	[tilespmem:s2+$0x440] =	vst v0;
	v0 =	vld [tilespmem:s2+$0x450]  }
0x98: {  	v1 =	vld [tilespmem:$0x102D0];
	_ =	sdelay $0x4  }
0x99: {  	v0 =	vmul.f32 v1, v0;
	_ =	sdelay $0x1  }
0x9a: {  	[tilespmem:s2+$0x450] =	vst v0;
	v0 =	vld [tilespmem:s2+$0x460]  }
0x9b: {  	v1 =	vld [tilespmem:$0x102E0];
	_ =	sdelay $0x4  }
0x9c: {  	v0 =	vmul.f32 v1, v0;
	_ =	sdelay $0x1  }
0x9d: {  	s30 =	sor.u32 $0x470, s2;
	[tilespmem:s2+$0x460] =	vst v0  }
0x9e: {  	v2 =	vld.msk [tilespmem:s30+$0x0], $0x3ff  }
0x9f: {  	s17 =	sadd.s32 $0x1, s16;
	v1 =	vld [tilespmem:$0x102E0]  }
0xa0: {  	p0 =	slt.u32 s17, s19;
	v3 =	vld.msk [tilespmem:$0x102F0], $0x3ff  }
.Ltmp6:
0xa1: {  	_ = 	snop;
	(pc) =	sbr.rel @!p0 .LBB2_6-.Ltmp6, $3  }
0xa2: {  	_ =	sdelay $0x1  }
0xa3: {  	v1 =	vmul.f32 v1, v0  }
0xa4: {  	s4 =	smov.u32 s25;
	s0 =	smov.u32 s21;
	v0 =	vmul.f32 v3, v2  }
.LBB2_5:
0xa5: {  	s17 =	sadd.s32 $0x1, s17;
	[tilespmem:s2+$0x460] =	vst v1;
	s0 =	sadd.s32 $0x80, s0;
	s4 =	sadd.s32 $0x100, s4  }
0xa6: {  	s2 =	sand.u32 $0xFFFFF800, s4;
	s15 =	sand.u32 $0x380, s0;
	p0 =	slt.u32 s17, s19;
	[tilespmem:s30+$0x0] =	vst.msk $0x3ff, v0  }
0xa7: {  	s2 =	sor.u32 s15, s2;
	v0 =	vld [tilespmem:$0x10080]  }
0xa8: {  	v1 =	vld [tilespmem:s2+$0x0];
	_ =	sdelay $0x4  }
0xa9: {  	v0 =	vmul.f32 v0, v1;
	_ =	sdelay $0x1  }
0xaa: {  	[tilespmem:s2+$0x0] =	vst v0;
	v0 =	vld [tilespmem:s2+$0x10]  }
0xab: {  	v1 =	vld [tilespmem:$0x10090];
	_ =	sdelay $0x4  }
0xac: {  	v0 =	vmul.f32 v1, v0;
	_ =	sdelay $0x1  }
0xad: {  	[tilespmem:s2+$0x10] =	vst v0;
	v0 =	vld [tilespmem:s2+$0x20]  }
0xae: {  	v1 =	vld [tilespmem:$0x100A0];
	_ =	sdelay $0x4  }
0xaf: {  	v0 =	vmul.f32 v1, v0;
	_ =	sdelay $0x1  }
0xb0: {  	[tilespmem:s2+$0x20] =	vst v0;
	v0 =	vld [tilespmem:s2+$0x30]  }
0xb1: {  	v1 =	vld [tilespmem:$0x100B0];
	_ =	sdelay $0x4  }
0xb2: {  	v0 =	vmul.f32 v1, v0;
	_ =	sdelay $0x1  }
0xb3: {  	[tilespmem:s2+$0x30] =	vst v0;
	v0 =	vld [tilespmem:s2+$0x40]  }
0xb4: {  	v1 =	vld [tilespmem:$0x100C0];
	_ =	sdelay $0x4  }
0xb5: {  	v0 =	vmul.f32 v1, v0;
	_ =	sdelay $0x1  }
0xb6: {  	[tilespmem:s2+$0x40] =	vst v0;
	v0 =	vld [tilespmem:s2+$0x50]  }
0xb7: {  	v1 =	vld [tilespmem:$0x100D0];
	_ =	sdelay $0x4  }
0xb8: {  	v0 =	vmul.f32 v1, v0;
	_ =	sdelay $0x1  }
0xb9: {  	[tilespmem:s2+$0x50] =	vst v0;
	v0 =	vld [tilespmem:s2+$0x60]  }
0xba: {  	v1 =	vld [tilespmem:$0x100E0];
	_ =	sdelay $0x4  }
0xbb: {  	v0 =	vmul.f32 v1, v0;
	_ =	sdelay $0x1  }
0xbc: {  	[tilespmem:s2+$0x60] =	vst v0;
	v0 =	vld [tilespmem:s2+$0x70]  }
0xbd: {  	v1 =	vld [tilespmem:$0x100F0];
	_ =	sdelay $0x4  }
0xbe: {  	v0 =	vmul.f32 v1, v0;
	_ =	sdelay $0x1  }
0xbf: {  	[tilespmem:s2+$0x70] =	vst v0;
	v0 =	vld [tilespmem:s2+$0x400]  }
0xc0: {  	v1 =	vld [tilespmem:$0x10280];
	_ =	sdelay $0x4  }
0xc1: {  	v0 =	vmul.f32 v1, v0;
	_ =	sdelay $0x1  }
0xc2: {  	[tilespmem:s2+$0x400] =	vst v0;
	v0 =	vld [tilespmem:s2+$0x410]  }
0xc3: {  	v1 =	vld [tilespmem:$0x10290];
	_ =	sdelay $0x4  }
0xc4: {  	v0 =	vmul.f32 v1, v0;
	_ =	sdelay $0x1  }
0xc5: {  	[tilespmem:s2+$0x410] =	vst v0;
	v0 =	vld [tilespmem:s2+$0x420]  }
0xc6: {  	v1 =	vld [tilespmem:$0x102A0];
	_ =	sdelay $0x4  }
0xc7: {  	v0 =	vmul.f32 v1, v0;
	_ =	sdelay $0x1  }
0xc8: {  	[tilespmem:s2+$0x420] =	vst v0;
	v0 =	vld [tilespmem:s2+$0x430]  }
0xc9: {  	v1 =	vld [tilespmem:$0x102B0];
	_ =	sdelay $0x4  }
0xca: {  	v0 =	vmul.f32 v1, v0;
	_ =	sdelay $0x1  }
0xcb: {  	[tilespmem:s2+$0x430] =	vst v0;
	v0 =	vld [tilespmem:s2+$0x440]  }
0xcc: {  	v1 =	vld [tilespmem:$0x102C0];
	_ =	sdelay $0x4  }
0xcd: {  	v0 =	vmul.f32 v1, v0;
	_ =	sdelay $0x1  }
0xce: {  	[tilespmem:s2+$0x440] =	vst v0;
	v0 =	vld [tilespmem:s2+$0x450]  }
0xcf: {  	v1 =	vld [tilespmem:$0x102D0];
	_ =	sdelay $0x4  }
0xd0: {  	v0 =	vmul.f32 v1, v0;
	_ =	sdelay $0x1  }
0xd1: {  	[tilespmem:s2+$0x450] =	vst v0;
	v0 =	vld [tilespmem:s2+$0x460]  }
0xd2: {  	v1 =	vld [tilespmem:$0x102E0];
	_ =	sdelay $0x4  }
0xd3: {  	v0 =	vmul.f32 v1, v0;
	_ =	sdelay $0x1  }
0xd4: {  	s30 =	sor.u32 $0x470, s2;
	[tilespmem:s2+$0x460] =	vst v0  }
0xd5: {  	v2 =	vld.msk [tilespmem:s30+$0x0], $0x3ff  }
0xd6: {  	v1 =	vld [tilespmem:$0x102E0]  }
0xd7: {  	v3 =	vld.msk [tilespmem:$0x102F0], $0x3ff  }
.Ltmp7:
0xd8: {  	(pc) =	sbr.rel @p0 .LBB2_5-.Ltmp7, $3  }
0xd9: {  	_ =	sdelay $0x1  }
0xda: {  	v1 =	vmul.f32 v1, v0  }
0xdb: {  	v0 =	vmul.f32 v3, v2  }
.LBB2_6:
0xdc: {  	[tilespmem:s2+$0x460] =	vst v1  }
0xdd: {  	[tilespmem:s30+$0x0] =	vst.msk $0x3ff, v0  }
.LBB2_7:
0xde: {  	p0 =	slt.s32 s7, s20;
	s0 =	rddreg [dreg:$0xb]  }
0xdf: {  	p1 =	sge.s32 @!p0 s7, s0  }
0xe0: {  	p0 =	por p0, p1  }
0xe1: {  	p1 =	sge.u32 @!p0 s18, s22  }
0xe2: {  	p0 =	por p0, p1  }
.Ltmp8:
0xe3: {  	_ = 	snop;
	(pc) =	sbr.rel @p0 .LBB2_11-.Ltmp8, $1  }
0xe4: {  	_ =	sdelay $0x3  }
0xe5: {  	s0 =	sand.u32 $0xFFFFF800, s10;
	s2 =	sand.u32 $0x380, s1  }
0xe6: {  	v0 =	vld [tilespmem:$0x10100];
	s2 =	sor.u32 s2, s0  }
0xe7: {  	v1 =	vld [tilespmem:s2+$0x0];
	_ =	sdelay $0x4  }
0xe8: {  	v0 =	vmul.f32 v0, v1;
	_ =	sdelay $0x1  }
0xe9: {  	[tilespmem:s2+$0x0] =	vst v0;
	v0 =	vld [tilespmem:s2+$0x10]  }
0xea: {  	v1 =	vld [tilespmem:$0x10110];
	_ =	sdelay $0x4  }
0xeb: {  	v0 =	vmul.f32 v1, v0;
	_ =	sdelay $0x1  }
0xec: {  	[tilespmem:s2+$0x10] =	vst v0;
	v0 =	vld [tilespmem:s2+$0x20]  }
0xed: {  	v1 =	vld [tilespmem:$0x10120];
	_ =	sdelay $0x4  }
0xee: {  	v0 =	vmul.f32 v1, v0;
	_ =	sdelay $0x1  }
0xef: {  	[tilespmem:s2+$0x20] =	vst v0;
	v0 =	vld [tilespmem:s2+$0x30]  }
0xf0: {  	v1 =	vld [tilespmem:$0x10130];
	_ =	sdelay $0x4  }
0xf1: {  	v0 =	vmul.f32 v1, v0;
	_ =	sdelay $0x1  }
0xf2: {  	[tilespmem:s2+$0x30] =	vst v0;
	v0 =	vld [tilespmem:s2+$0x40]  }
0xf3: {  	v1 =	vld [tilespmem:$0x10140];
	_ =	sdelay $0x4  }
0xf4: {  	v0 =	vmul.f32 v1, v0;
	_ =	sdelay $0x1  }
0xf5: {  	[tilespmem:s2+$0x40] =	vst v0;
	v0 =	vld [tilespmem:s2+$0x50]  }
0xf6: {  	v1 =	vld [tilespmem:$0x10150];
	_ =	sdelay $0x4  }
0xf7: {  	v0 =	vmul.f32 v1, v0;
	_ =	sdelay $0x1  }
0xf8: {  	[tilespmem:s2+$0x50] =	vst v0;
	v0 =	vld [tilespmem:s2+$0x60]  }
0xf9: {  	v1 =	vld [tilespmem:$0x10160];
	_ =	sdelay $0x4  }
0xfa: {  	v0 =	vmul.f32 v1, v0;
	_ =	sdelay $0x1  }
0xfb: {  	[tilespmem:s2+$0x60] =	vst v0;
	v0 =	vld [tilespmem:s2+$0x70]  }
0xfc: {  	v1 =	vld [tilespmem:$0x10170];
	_ =	sdelay $0x4  }
0xfd: {  	v0 =	vmul.f32 v1, v0;
	_ =	sdelay $0x1  }
0xfe: {  	[tilespmem:s2+$0x70] =	vst v0;
	v0 =	vld [tilespmem:s2+$0x400]  }
0xff: {  	v1 =	vld [tilespmem:$0x10300];
	_ =	sdelay $0x4  }
0x100: {  	v0 =	vmul.f32 v1, v0;
	_ =	sdelay $0x1  }
0x101: {  	[tilespmem:s2+$0x400] =	vst v0;
	v0 =	vld [tilespmem:s2+$0x410]  }
0x102: {  	v1 =	vld [tilespmem:$0x10310];
	_ =	sdelay $0x4  }
0x103: {  	v0 =	vmul.f32 v1, v0;
	_ =	sdelay $0x1  }
0x104: {  	[tilespmem:s2+$0x410] =	vst v0;
	v0 =	vld [tilespmem:s2+$0x420]  }
0x105: {  	v1 =	vld [tilespmem:$0x10320];
	_ =	sdelay $0x4  }
0x106: {  	v0 =	vmul.f32 v1, v0;
	_ =	sdelay $0x1  }
0x107: {  	[tilespmem:s2+$0x420] =	vst v0;
	v0 =	vld [tilespmem:s2+$0x430]  }
0x108: {  	v1 =	vld [tilespmem:$0x10330];
	_ =	sdelay $0x4  }
0x109: {  	v0 =	vmul.f32 v1, v0;
	_ =	sdelay $0x1  }
0x10a: {  	[tilespmem:s2+$0x430] =	vst v0;
	v0 =	vld [tilespmem:s2+$0x440]  }
0x10b: {  	v1 =	vld [tilespmem:$0x10340];
	_ =	sdelay $0x4  }
0x10c: {  	v0 =	vmul.f32 v1, v0;
	_ =	sdelay $0x1  }
0x10d: {  	[tilespmem:s2+$0x440] =	vst v0;
	v0 =	vld [tilespmem:s2+$0x450]  }
0x10e: {  	v1 =	vld [tilespmem:$0x10350];
	_ =	sdelay $0x4  }
0x10f: {  	v0 =	vmul.f32 v1, v0;
	_ =	sdelay $0x1  }
0x110: {  	[tilespmem:s2+$0x450] =	vst v0;
	v0 =	vld [tilespmem:s2+$0x460]  }
0x111: {  	v1 =	vld [tilespmem:$0x10360];
	_ =	sdelay $0x4  }
0x112: {  	v0 =	vmul.f32 v1, v0;
	_ =	sdelay $0x1  }
0x113: {  	s30 =	sor.u32 $0x470, s2;
	[tilespmem:s2+$0x460] =	vst v0  }
0x114: {  	v2 =	vld.msk [tilespmem:s30+$0x0], $0x3ff  }
0x115: {  	s17 =	sadd.s32 $0x1, s18;
	v1 =	vld [tilespmem:$0x10360]  }
0x116: {  	p0 =	slt.u32 s17, s22;
	v3 =	vld.msk [tilespmem:$0x10370], $0x3ff  }
.Ltmp9:
0x117: {  	_ = 	snop;
	(pc) =	sbr.rel @!p0 .LBB2_10-.Ltmp9, $3  }
0x118: {  	_ =	sdelay $0x1  }
0x119: {  	v1 =	vmul.f32 v1, v0  }
0x11a: {  	s4 =	smov.u32 s10;
	s0 =	smov.u32 s1;
	v0 =	vmul.f32 v3, v2  }
.LBB2_9:
0x11b: {  	s17 =	sadd.s32 $0x1, s17;
	[tilespmem:s2+$0x460] =	vst v1;
	s0 =	sadd.s32 $0x80, s0;
	s4 =	sadd.s32 $0x100, s4  }
0x11c: {  	s2 =	sand.u32 $0xFFFFF800, s4;
	s15 =	sand.u32 $0x380, s0;
	p0 =	slt.u32 s17, s22;
	[tilespmem:s30+$0x0] =	vst.msk $0x3ff, v0  }
0x11d: {  	s2 =	sor.u32 s15, s2;
	v0 =	vld [tilespmem:$0x10100]  }
0x11e: {  	v1 =	vld [tilespmem:s2+$0x0];
	_ =	sdelay $0x4  }
0x11f: {  	v0 =	vmul.f32 v0, v1;
	_ =	sdelay $0x1  }
0x120: {  	[tilespmem:s2+$0x0] =	vst v0;
	v0 =	vld [tilespmem:s2+$0x10]  }
0x121: {  	v1 =	vld [tilespmem:$0x10110];
	_ =	sdelay $0x4  }
0x122: {  	v0 =	vmul.f32 v1, v0;
	_ =	sdelay $0x1  }
0x123: {  	[tilespmem:s2+$0x10] =	vst v0;
	v0 =	vld [tilespmem:s2+$0x20]  }
0x124: {  	v1 =	vld [tilespmem:$0x10120];
	_ =	sdelay $0x4  }
0x125: {  	v0 =	vmul.f32 v1, v0;
	_ =	sdelay $0x1  }
0x126: {  	[tilespmem:s2+$0x20] =	vst v0;
	v0 =	vld [tilespmem:s2+$0x30]  }
0x127: {  	v1 =	vld [tilespmem:$0x10130];
	_ =	sdelay $0x4  }
0x128: {  	v0 =	vmul.f32 v1, v0;
	_ =	sdelay $0x1  }
0x129: {  	[tilespmem:s2+$0x30] =	vst v0;
	v0 =	vld [tilespmem:s2+$0x40]  }
0x12a: {  	v1 =	vld [tilespmem:$0x10140];
	_ =	sdelay $0x4  }
0x12b: {  	v0 =	vmul.f32 v1, v0;
	_ =	sdelay $0x1  }
0x12c: {  	[tilespmem:s2+$0x40] =	vst v0;
	v0 =	vld [tilespmem:s2+$0x50]  }
0x12d: {  	v1 =	vld [tilespmem:$0x10150];
	_ =	sdelay $0x4  }
0x12e: {  	v0 =	vmul.f32 v1, v0;
	_ =	sdelay $0x1  }
0x12f: {  	[tilespmem:s2+$0x50] =	vst v0;
	v0 =	vld [tilespmem:s2+$0x60]  }
0x130: {  	v1 =	vld [tilespmem:$0x10160];
	_ =	sdelay $0x4  }
0x131: {  	v0 =	vmul.f32 v1, v0;
	_ =	sdelay $0x1  }
0x132: {  	[tilespmem:s2+$0x60] =	vst v0;
	v0 =	vld [tilespmem:s2+$0x70]  }
0x133: {  	v1 =	vld [tilespmem:$0x10170];
	_ =	sdelay $0x4  }
0x134: {  	v0 =	vmul.f32 v1, v0;
	_ =	sdelay $0x1  }
0x135: {  	[tilespmem:s2+$0x70] =	vst v0;
	v0 =	vld [tilespmem:s2+$0x400]  }
0x136: {  	v1 =	vld [tilespmem:$0x10300];
	_ =	sdelay $0x4  }
0x137: {  	v0 =	vmul.f32 v1, v0;
	_ =	sdelay $0x1  }
0x138: {  	[tilespmem:s2+$0x400] =	vst v0;
	v0 =	vld [tilespmem:s2+$0x410]  }
0x139: {  	v1 =	vld [tilespmem:$0x10310];
	_ =	sdelay $0x4  }
0x13a: {  	v0 =	vmul.f32 v1, v0;
	_ =	sdelay $0x1  }
0x13b: {  	[tilespmem:s2+$0x410] =	vst v0;
	v0 =	vld [tilespmem:s2+$0x420]  }
0x13c: {  	v1 =	vld [tilespmem:$0x10320];
	_ =	sdelay $0x4  }
0x13d: {  	v0 =	vmul.f32 v1, v0;
	_ =	sdelay $0x1  }
0x13e: {  	[tilespmem:s2+$0x420] =	vst v0;
	v0 =	vld [tilespmem:s2+$0x430]  }
0x13f: {  	v1 =	vld [tilespmem:$0x10330];
	_ =	sdelay $0x4  }
0x140: {  	v0 =	vmul.f32 v1, v0;
	_ =	sdelay $0x1  }
0x141: {  	[tilespmem:s2+$0x430] =	vst v0;
	v0 =	vld [tilespmem:s2+$0x440]  }
0x142: {  	v1 =	vld [tilespmem:$0x10340];
	_ =	sdelay $0x4  }
0x143: {  	v0 =	vmul.f32 v1, v0;
	_ =	sdelay $0x1  }
0x144: {  	[tilespmem:s2+$0x440] =	vst v0;
	v0 =	vld [tilespmem:s2+$0x450]  }
0x145: {  	v1 =	vld [tilespmem:$0x10350];
	_ =	sdelay $0x4  }
0x146: {  	v0 =	vmul.f32 v1, v0;
	_ =	sdelay $0x1  }
0x147: {  	[tilespmem:s2+$0x450] =	vst v0;
	v0 =	vld [tilespmem:s2+$0x460]  }
0x148: {  	v1 =	vld [tilespmem:$0x10360];
	_ =	sdelay $0x4  }
0x149: {  	v0 =	vmul.f32 v1, v0;
	_ =	sdelay $0x1  }
0x14a: {  	s30 =	sor.u32 $0x470, s2;
	[tilespmem:s2+$0x460] =	vst v0  }
0x14b: {  	v2 =	vld.msk [tilespmem:s30+$0x0], $0x3ff  }
0x14c: {  	v1 =	vld [tilespmem:$0x10360]  }
0x14d: {  	v3 =	vld.msk [tilespmem:$0x10370], $0x3ff  }
.Ltmp10:
0x14e: {  	(pc) =	sbr.rel @p0 .LBB2_9-.Ltmp10, $3  }
0x14f: {  	_ =	sdelay $0x1  }
0x150: {  	v1 =	vmul.f32 v1, v0  }
0x151: {  	v0 =	vmul.f32 v3, v2  }
.LBB2_10:
0x152: {  	[tilespmem:s2+$0x460] =	vst v1  }
0x153: {  	[tilespmem:s30+$0x0] =	vst.msk $0x3ff, v0  }
.LBB2_11:
0x154: {  	p0 =	slt.s32 s7, s23;
	s0 =	rddreg [dreg:$0xc]  }
0x155: {  	p1 =	sge.s32 @!p0 s7, s0  }
0x156: {  	p0 =	por p0, p1  }
0x157: {  	p1 =	sge.u32 @!p0 s24, s28  }
0x158: {  	p0 =	por p0, p1  }
.Ltmp11:
0x159: {  	_ = 	snop;
	(pc) =	sbr.rel @p0 .LBB2_15-.Ltmp11, $1  }
0x15a: {  	_ =	sdelay $0x3  }
0x15b: {  	s0 =	sand.u32 $0xFFFFF800, s6;
	s2 =	sand.u32 $0x380, s12  }
0x15c: {  	v0 =	vld [tilespmem:$0x10180];
	s2 =	sor.u32 s2, s0  }
0x15d: {  	v1 =	vld [tilespmem:s2+$0x0];
	_ =	sdelay $0x4  }
0x15e: {  	v0 =	vmul.f32 v0, v1;
	_ =	sdelay $0x1  }
0x15f: {  	[tilespmem:s2+$0x0] =	vst v0;
	v0 =	vld [tilespmem:s2+$0x10]  }
0x160: {  	v1 =	vld [tilespmem:$0x10190];
	_ =	sdelay $0x4  }
0x161: {  	v0 =	vmul.f32 v1, v0;
	_ =	sdelay $0x1  }
0x162: {  	[tilespmem:s2+$0x10] =	vst v0;
	v0 =	vld [tilespmem:s2+$0x20]  }
0x163: {  	v1 =	vld [tilespmem:$0x101A0];
	_ =	sdelay $0x4  }
0x164: {  	v0 =	vmul.f32 v1, v0;
	_ =	sdelay $0x1  }
0x165: {  	[tilespmem:s2+$0x20] =	vst v0;
	v0 =	vld [tilespmem:s2+$0x30]  }
0x166: {  	v1 =	vld [tilespmem:$0x101B0];
	_ =	sdelay $0x4  }
0x167: {  	v0 =	vmul.f32 v1, v0;
	_ =	sdelay $0x1  }
0x168: {  	[tilespmem:s2+$0x30] =	vst v0;
	v0 =	vld [tilespmem:s2+$0x40]  }
0x169: {  	v1 =	vld [tilespmem:$0x101C0];
	_ =	sdelay $0x4  }
0x16a: {  	v0 =	vmul.f32 v1, v0;
	_ =	sdelay $0x1  }
0x16b: {  	[tilespmem:s2+$0x40] =	vst v0;
	v0 =	vld [tilespmem:s2+$0x50]  }
0x16c: {  	v1 =	vld [tilespmem:$0x101D0];
	_ =	sdelay $0x4  }
0x16d: {  	v0 =	vmul.f32 v1, v0;
	_ =	sdelay $0x1  }
0x16e: {  	[tilespmem:s2+$0x50] =	vst v0;
	v0 =	vld [tilespmem:s2+$0x60]  }
0x16f: {  	v1 =	vld [tilespmem:$0x101E0];
	_ =	sdelay $0x4  }
0x170: {  	v0 =	vmul.f32 v1, v0;
	_ =	sdelay $0x1  }
0x171: {  	[tilespmem:s2+$0x60] =	vst v0;
	v0 =	vld [tilespmem:s2+$0x70]  }
0x172: {  	v1 =	vld [tilespmem:$0x101F0];
	_ =	sdelay $0x4  }
0x173: {  	v0 =	vmul.f32 v1, v0;
	_ =	sdelay $0x1  }
0x174: {  	[tilespmem:s2+$0x70] =	vst v0;
	v0 =	vld [tilespmem:s2+$0x400]  }
0x175: {  	v1 =	vld [tilespmem:$0x10380];
	_ =	sdelay $0x4  }
0x176: {  	v0 =	vmul.f32 v1, v0;
	_ =	sdelay $0x1  }
0x177: {  	[tilespmem:s2+$0x400] =	vst v0;
	v0 =	vld [tilespmem:s2+$0x410]  }
0x178: {  	v1 =	vld [tilespmem:$0x10390];
	_ =	sdelay $0x4  }
0x179: {  	v0 =	vmul.f32 v1, v0;
	_ =	sdelay $0x1  }
0x17a: {  	[tilespmem:s2+$0x410] =	vst v0;
	v0 =	vld [tilespmem:s2+$0x420]  }
0x17b: {  	v1 =	vld [tilespmem:$0x103A0];
	_ =	sdelay $0x4  }
0x17c: {  	v0 =	vmul.f32 v1, v0;
	_ =	sdelay $0x1  }
0x17d: {  	[tilespmem:s2+$0x420] =	vst v0;
	v0 =	vld [tilespmem:s2+$0x430]  }
0x17e: {  	v1 =	vld [tilespmem:$0x103B0];
	_ =	sdelay $0x4  }
0x17f: {  	v0 =	vmul.f32 v1, v0;
	_ =	sdelay $0x1  }
0x180: {  	[tilespmem:s2+$0x430] =	vst v0;
	v0 =	vld [tilespmem:s2+$0x440]  }
0x181: {  	v1 =	vld [tilespmem:$0x103C0];
	_ =	sdelay $0x4  }
0x182: {  	v0 =	vmul.f32 v1, v0;
	_ =	sdelay $0x1  }
0x183: {  	[tilespmem:s2+$0x440] =	vst v0;
	v0 =	vld [tilespmem:s2+$0x450]  }
0x184: {  	v1 =	vld [tilespmem:$0x103D0];
	_ =	sdelay $0x4  }
0x185: {  	v0 =	vmul.f32 v1, v0;
	_ =	sdelay $0x1  }
0x186: {  	[tilespmem:s2+$0x450] =	vst v0;
	v0 =	vld [tilespmem:s2+$0x460]  }
0x187: {  	v1 =	vld [tilespmem:$0x103E0];
	_ =	sdelay $0x4  }
0x188: {  	v0 =	vmul.f32 v1, v0;
	_ =	sdelay $0x1  }
0x189: {  	s30 =	sor.u32 $0x470, s2;
	[tilespmem:s2+$0x460] =	vst v0  }
0x18a: {  	v2 =	vld.msk [tilespmem:s30+$0x0], $0x3ff  }
0x18b: {  	s17 =	sadd.s32 $0x1, s24;
	v1 =	vld [tilespmem:$0x103E0]  }
0x18c: {  	p0 =	slt.u32 s17, s28;
	v3 =	vld.msk [tilespmem:$0x103F0], $0x3ff  }
.Ltmp12:
0x18d: {  	_ = 	snop;
	(pc) =	sbr.rel @!p0 .LBB2_14-.Ltmp12, $3  }
0x18e: {  	_ =	sdelay $0x1  }
0x18f: {  	v1 =	vmul.f32 v1, v0  }
0x190: {  	s4 =	smov.u32 s6;
	s0 =	smov.u32 s12;
	v0 =	vmul.f32 v3, v2  }
.LBB2_13:
0x191: {  	s17 =	sadd.s32 $0x1, s17;
	[tilespmem:s2+$0x460] =	vst v1;
	s0 =	sadd.s32 $0x80, s0;
	s4 =	sadd.s32 $0x100, s4  }
0x192: {  	s2 =	sand.u32 $0xFFFFF800, s4;
	s15 =	sand.u32 $0x380, s0;
	p0 =	slt.u32 s17, s28;
	[tilespmem:s30+$0x0] =	vst.msk $0x3ff, v0  }
0x193: {  	s2 =	sor.u32 s15, s2;
	v0 =	vld [tilespmem:$0x10180]  }
0x194: {  	v1 =	vld [tilespmem:s2+$0x0];
	_ =	sdelay $0x4  }
0x195: {  	v0 =	vmul.f32 v0, v1;
	_ =	sdelay $0x1  }
0x196: {  	[tilespmem:s2+$0x0] =	vst v0;
	v0 =	vld [tilespmem:s2+$0x10]  }
0x197: {  	v1 =	vld [tilespmem:$0x10190];
	_ =	sdelay $0x4  }
0x198: {  	v0 =	vmul.f32 v1, v0;
	_ =	sdelay $0x1  }
0x199: {  	[tilespmem:s2+$0x10] =	vst v0;
	v0 =	vld [tilespmem:s2+$0x20]  }
0x19a: {  	v1 =	vld [tilespmem:$0x101A0];
	_ =	sdelay $0x4  }
0x19b: {  	v0 =	vmul.f32 v1, v0;
	_ =	sdelay $0x1  }
0x19c: {  	[tilespmem:s2+$0x20] =	vst v0;
	v0 =	vld [tilespmem:s2+$0x30]  }
0x19d: {  	v1 =	vld [tilespmem:$0x101B0];
	_ =	sdelay $0x4  }
0x19e: {  	v0 =	vmul.f32 v1, v0;
	_ =	sdelay $0x1  }
0x19f: {  	[tilespmem:s2+$0x30] =	vst v0;
	v0 =	vld [tilespmem:s2+$0x40]  }
0x1a0: {  	v1 =	vld [tilespmem:$0x101C0];
	_ =	sdelay $0x4  }
0x1a1: {  	v0 =	vmul.f32 v1, v0;
	_ =	sdelay $0x1  }
0x1a2: {  	[tilespmem:s2+$0x40] =	vst v0;
	v0 =	vld [tilespmem:s2+$0x50]  }
0x1a3: {  	v1 =	vld [tilespmem:$0x101D0];
	_ =	sdelay $0x4  }
0x1a4: {  	v0 =	vmul.f32 v1, v0;
	_ =	sdelay $0x1  }
0x1a5: {  	[tilespmem:s2+$0x50] =	vst v0;
	v0 =	vld [tilespmem:s2+$0x60]  }
0x1a6: {  	v1 =	vld [tilespmem:$0x101E0];
	_ =	sdelay $0x4  }
0x1a7: {  	v0 =	vmul.f32 v1, v0;
	_ =	sdelay $0x1  }
0x1a8: {  	[tilespmem:s2+$0x60] =	vst v0;
	v0 =	vld [tilespmem:s2+$0x70]  }
0x1a9: {  	v1 =	vld [tilespmem:$0x101F0];
	_ =	sdelay $0x4  }
0x1aa: {  	v0 =	vmul.f32 v1, v0;
	_ =	sdelay $0x1  }
0x1ab: {  	[tilespmem:s2+$0x70] =	vst v0;
	v0 =	vld [tilespmem:s2+$0x400]  }
0x1ac: {  	v1 =	vld [tilespmem:$0x10380];
	_ =	sdelay $0x4  }
0x1ad: {  	v0 =	vmul.f32 v1, v0;
	_ =	sdelay $0x1  }
0x1ae: {  	[tilespmem:s2+$0x400] =	vst v0;
	v0 =	vld [tilespmem:s2+$0x410]  }
0x1af: {  	v1 =	vld [tilespmem:$0x10390];
	_ =	sdelay $0x4  }
0x1b0: {  	v0 =	vmul.f32 v1, v0;
	_ =	sdelay $0x1  }
0x1b1: {  	[tilespmem:s2+$0x410] =	vst v0;
	v0 =	vld [tilespmem:s2+$0x420]  }
0x1b2: {  	v1 =	vld [tilespmem:$0x103A0];
	_ =	sdelay $0x4  }
0x1b3: {  	v0 =	vmul.f32 v1, v0;
	_ =	sdelay $0x1  }
0x1b4: {  	[tilespmem:s2+$0x420] =	vst v0;
	v0 =	vld [tilespmem:s2+$0x430]  }
0x1b5: {  	v1 =	vld [tilespmem:$0x103B0];
	_ =	sdelay $0x4  }
0x1b6: {  	v0 =	vmul.f32 v1, v0;
	_ =	sdelay $0x1  }
0x1b7: {  	[tilespmem:s2+$0x430] =	vst v0;
	v0 =	vld [tilespmem:s2+$0x440]  }
0x1b8: {  	v1 =	vld [tilespmem:$0x103C0];
	_ =	sdelay $0x4  }
0x1b9: {  	v0 =	vmul.f32 v1, v0;
	_ =	sdelay $0x1  }
0x1ba: {  	[tilespmem:s2+$0x440] =	vst v0;
	v0 =	vld [tilespmem:s2+$0x450]  }
0x1bb: {  	v1 =	vld [tilespmem:$0x103D0];
	_ =	sdelay $0x4  }
0x1bc: {  	v0 =	vmul.f32 v1, v0;
	_ =	sdelay $0x1  }
0x1bd: {  	[tilespmem:s2+$0x450] =	vst v0;
	v0 =	vld [tilespmem:s2+$0x460]  }
0x1be: {  	v1 =	vld [tilespmem:$0x103E0];
	_ =	sdelay $0x4  }
0x1bf: {  	v0 =	vmul.f32 v1, v0;
	_ =	sdelay $0x1  }
0x1c0: {  	s30 =	sor.u32 $0x470, s2;
	[tilespmem:s2+$0x460] =	vst v0  }
0x1c1: {  	v2 =	vld.msk [tilespmem:s30+$0x0], $0x3ff  }
0x1c2: {  	v1 =	vld [tilespmem:$0x103E0]  }
0x1c3: {  	v3 =	vld.msk [tilespmem:$0x103F0], $0x3ff  }
.Ltmp13:
0x1c4: {  	(pc) =	sbr.rel @p0 .LBB2_13-.Ltmp13, $3  }
0x1c5: {  	_ =	sdelay $0x1  }
0x1c6: {  	v1 =	vmul.f32 v1, v0  }
0x1c7: {  	v0 =	vmul.f32 v3, v2  }
.LBB2_14:
0x1c8: {  	[tilespmem:s2+$0x460] =	vst v1  }
0x1c9: {  	[tilespmem:s30+$0x0] =	vst.msk $0x3ff, v0  }
.LBB2_15:
0x1ca: {  	p0 =	slt.s32 s7, s29;
	s0 =	rddreg [dreg:$0xd]  }
0x1cb: {  	p1 =	sge.s32 @!p0 s7, s0  }
0x1cc: {  	p0 =	por p0, p1  }
0x1cd: {  	p1 =	sge.u32 @!p0 s26, s31  }
0x1ce: {  	p0 =	por p0, p1  }
.Ltmp14:
0x1cf: {  	_ = 	snop;
	(pc) =	sbr.rel @p0 .LBB2_19-.Ltmp14, $1  }
0x1d0: {  	_ =	sdelay $0x3  }
0x1d1: {  	s0 =	sand.u32 $0xFFFFF800, s14;
	s2 =	sand.u32 $0x380, s9  }
0x1d2: {  	v0 =	vld [tilespmem:$0x10200];
	s2 =	sor.u32 s2, s0  }
0x1d3: {  	v1 =	vld [tilespmem:s2+$0x0];
	_ =	sdelay $0x4  }
0x1d4: {  	v0 =	vmul.f32 v0, v1;
	_ =	sdelay $0x1  }
0x1d5: {  	[tilespmem:s2+$0x0] =	vst v0;
	v0 =	vld [tilespmem:s2+$0x10]  }
0x1d6: {  	v1 =	vld [tilespmem:$0x10210];
	_ =	sdelay $0x4  }
0x1d7: {  	v0 =	vmul.f32 v1, v0;
	_ =	sdelay $0x1  }
0x1d8: {  	[tilespmem:s2+$0x10] =	vst v0;
	v0 =	vld [tilespmem:s2+$0x20]  }
0x1d9: {  	v1 =	vld [tilespmem:$0x10220];
	_ =	sdelay $0x4  }
0x1da: {  	v0 =	vmul.f32 v1, v0;
	_ =	sdelay $0x1  }
0x1db: {  	[tilespmem:s2+$0x20] =	vst v0;
	v0 =	vld [tilespmem:s2+$0x30]  }
0x1dc: {  	v1 =	vld [tilespmem:$0x10230];
	_ =	sdelay $0x4  }
0x1dd: {  	v0 =	vmul.f32 v1, v0;
	_ =	sdelay $0x1  }
0x1de: {  	[tilespmem:s2+$0x30] =	vst v0;
	v0 =	vld [tilespmem:s2+$0x40]  }
0x1df: {  	v1 =	vld [tilespmem:$0x10240];
	_ =	sdelay $0x4  }
0x1e0: {  	v0 =	vmul.f32 v1, v0;
	_ =	sdelay $0x1  }
0x1e1: {  	[tilespmem:s2+$0x40] =	vst v0;
	v0 =	vld [tilespmem:s2+$0x50]  }
0x1e2: {  	v1 =	vld [tilespmem:$0x10250];
	_ =	sdelay $0x4  }
0x1e3: {  	v0 =	vmul.f32 v1, v0;
	_ =	sdelay $0x1  }
0x1e4: {  	[tilespmem:s2+$0x50] =	vst v0;
	v0 =	vld [tilespmem:s2+$0x60]  }
0x1e5: {  	v1 =	vld [tilespmem:$0x10260];
	_ =	sdelay $0x4  }
0x1e6: {  	v0 =	vmul.f32 v1, v0;
	_ =	sdelay $0x1  }
0x1e7: {  	[tilespmem:s2+$0x60] =	vst v0;
	v0 =	vld [tilespmem:s2+$0x70]  }
0x1e8: {  	v1 =	vld [tilespmem:$0x10270];
	_ =	sdelay $0x4  }
0x1e9: {  	v0 =	vmul.f32 v1, v0;
	_ =	sdelay $0x1  }
0x1ea: {  	[tilespmem:s2+$0x70] =	vst v0;
	v0 =	vld [tilespmem:s2+$0x400]  }
0x1eb: {  	v1 =	vld [tilespmem:$0x10400];
	_ =	sdelay $0x4  }
0x1ec: {  	v0 =	vmul.f32 v1, v0;
	_ =	sdelay $0x1  }
0x1ed: {  	[tilespmem:s2+$0x400] =	vst v0;
	v0 =	vld [tilespmem:s2+$0x410]  }
0x1ee: {  	v1 =	vld [tilespmem:$0x10410];
	_ =	sdelay $0x4  }
0x1ef: {  	v0 =	vmul.f32 v1, v0;
	_ =	sdelay $0x1  }
0x1f0: {  	[tilespmem:s2+$0x410] =	vst v0;
	v0 =	vld [tilespmem:s2+$0x420]  }
0x1f1: {  	v1 =	vld [tilespmem:$0x10420];
	_ =	sdelay $0x4  }
0x1f2: {  	v0 =	vmul.f32 v1, v0;
	_ =	sdelay $0x1  }
0x1f3: {  	[tilespmem:s2+$0x420] =	vst v0;
	v0 =	vld [tilespmem:s2+$0x430]  }
0x1f4: {  	v1 =	vld [tilespmem:$0x10430];
	_ =	sdelay $0x4  }
0x1f5: {  	v0 =	vmul.f32 v1, v0;
	_ =	sdelay $0x1  }
0x1f6: {  	[tilespmem:s2+$0x430] =	vst v0;
	v0 =	vld [tilespmem:s2+$0x440]  }
0x1f7: {  	v1 =	vld [tilespmem:$0x10440];
	_ =	sdelay $0x4  }
0x1f8: {  	v0 =	vmul.f32 v1, v0;
	_ =	sdelay $0x1  }
0x1f9: {  	[tilespmem:s2+$0x440] =	vst v0;
	v0 =	vld [tilespmem:s2+$0x450]  }
0x1fa: {  	v1 =	vld [tilespmem:$0x10450];
	_ =	sdelay $0x4  }
0x1fb: {  	v0 =	vmul.f32 v1, v0;
	_ =	sdelay $0x1  }
0x1fc: {  	[tilespmem:s2+$0x450] =	vst v0;
	v0 =	vld [tilespmem:s2+$0x460]  }
0x1fd: {  	v1 =	vld [tilespmem:$0x10460];
	_ =	sdelay $0x4  }
0x1fe: {  	v0 =	vmul.f32 v1, v0;
	_ =	sdelay $0x1  }
0x1ff: {  	s17 =	sor.u32 $0x470, s2;
	[tilespmem:s2+$0x460] =	vst v0  }
0x200: {  	v2 =	vld.msk [tilespmem:s17+$0x0], $0x3ff  }
0x201: {  	s7 =	sadd.s32 $0x1, s26;
	v1 =	vld [tilespmem:$0x10460]  }
0x202: {  	p0 =	slt.u32 s7, s31;
	v3 =	vld.msk [tilespmem:$0x10470], $0x3ff  }
.Ltmp15:
0x203: {  	_ = 	snop;
	(pc) =	sbr.rel @!p0 .LBB2_18-.Ltmp15, $3  }
0x204: {  	_ =	sdelay $0x1  }
0x205: {  	v1 =	vmul.f32 v1, v0  }
0x206: {  	s4 =	smov.u32 s14;
	s0 =	smov.u32 s9;
	v0 =	vmul.f32 v3, v2  }
.LBB2_17:
0x207: {  	s7 =	sadd.s32 $0x1, s7;
	[tilespmem:s2+$0x460] =	vst v1;
	s0 =	sadd.s32 $0x80, s0;
	s4 =	sadd.s32 $0x100, s4  }
0x208: {  	s2 =	sand.u32 $0xFFFFF800, s4;
	s15 =	sand.u32 $0x380, s0;
	p0 =	slt.u32 s7, s31;
	[tilespmem:s17+$0x0] =	vst.msk $0x3ff, v0  }
0x209: {  	s2 =	sor.u32 s15, s2;
	v0 =	vld [tilespmem:$0x10200]  }
0x20a: {  	v1 =	vld [tilespmem:s2+$0x0];
	_ =	sdelay $0x4  }
0x20b: {  	v0 =	vmul.f32 v0, v1;
	_ =	sdelay $0x1  }
0x20c: {  	[tilespmem:s2+$0x0] =	vst v0;
	v0 =	vld [tilespmem:s2+$0x10]  }
0x20d: {  	v1 =	vld [tilespmem:$0x10210];
	_ =	sdelay $0x4  }
0x20e: {  	v0 =	vmul.f32 v1, v0;
	_ =	sdelay $0x1  }
0x20f: {  	[tilespmem:s2+$0x10] =	vst v0;
	v0 =	vld [tilespmem:s2+$0x20]  }
0x210: {  	v1 =	vld [tilespmem:$0x10220];
	_ =	sdelay $0x4  }
0x211: {  	v0 =	vmul.f32 v1, v0;
	_ =	sdelay $0x1  }
0x212: {  	[tilespmem:s2+$0x20] =	vst v0;
	v0 =	vld [tilespmem:s2+$0x30]  }
0x213: {  	v1 =	vld [tilespmem:$0x10230];
	_ =	sdelay $0x4  }
0x214: {  	v0 =	vmul.f32 v1, v0;
	_ =	sdelay $0x1  }
0x215: {  	[tilespmem:s2+$0x30] =	vst v0;
	v0 =	vld [tilespmem:s2+$0x40]  }
0x216: {  	v1 =	vld [tilespmem:$0x10240];
	_ =	sdelay $0x4  }
0x217: {  	v0 =	vmul.f32 v1, v0;
	_ =	sdelay $0x1  }
0x218: {  	[tilespmem:s2+$0x40] =	vst v0;
	v0 =	vld [tilespmem:s2+$0x50]  }
0x219: {  	v1 =	vld [tilespmem:$0x10250];
	_ =	sdelay $0x4  }
0x21a: {  	v0 =	vmul.f32 v1, v0;
	_ =	sdelay $0x1  }
0x21b: {  	[tilespmem:s2+$0x50] =	vst v0;
	v0 =	vld [tilespmem:s2+$0x60]  }
0x21c: {  	v1 =	vld [tilespmem:$0x10260];
	_ =	sdelay $0x4  }
0x21d: {  	v0 =	vmul.f32 v1, v0;
	_ =	sdelay $0x1  }
0x21e: {  	[tilespmem:s2+$0x60] =	vst v0;
	v0 =	vld [tilespmem:s2+$0x70]  }
0x21f: {  	v1 =	vld [tilespmem:$0x10270];
	_ =	sdelay $0x4  }
0x220: {  	v0 =	vmul.f32 v1, v0;
	_ =	sdelay $0x1  }
0x221: {  	[tilespmem:s2+$0x70] =	vst v0;
	v0 =	vld [tilespmem:s2+$0x400]  }
0x222: {  	v1 =	vld [tilespmem:$0x10400];
	_ =	sdelay $0x4  }
0x223: {  	v0 =	vmul.f32 v1, v0;
	_ =	sdelay $0x1  }
0x224: {  	[tilespmem:s2+$0x400] =	vst v0;
	v0 =	vld [tilespmem:s2+$0x410]  }
0x225: {  	v1 =	vld [tilespmem:$0x10410];
	_ =	sdelay $0x4  }
0x226: {  	v0 =	vmul.f32 v1, v0;
	_ =	sdelay $0x1  }
0x227: {  	[tilespmem:s2+$0x410] =	vst v0;
	v0 =	vld [tilespmem:s2+$0x420]  }
0x228: {  	v1 =	vld [tilespmem:$0x10420];
	_ =	sdelay $0x4  }
0x229: {  	v0 =	vmul.f32 v1, v0;
	_ =	sdelay $0x1  }
0x22a: {  	[tilespmem:s2+$0x420] =	vst v0;
	v0 =	vld [tilespmem:s2+$0x430]  }
0x22b: {  	v1 =	vld [tilespmem:$0x10430];
	_ =	sdelay $0x4  }
0x22c: {  	v0 =	vmul.f32 v1, v0;
	_ =	sdelay $0x1  }
0x22d: {  	[tilespmem:s2+$0x430] =	vst v0;
	v0 =	vld [tilespmem:s2+$0x440]  }
0x22e: {  	v1 =	vld [tilespmem:$0x10440];
	_ =	sdelay $0x4  }
0x22f: {  	v0 =	vmul.f32 v1, v0;
	_ =	sdelay $0x1  }
0x230: {  	[tilespmem:s2+$0x440] =	vst v0;
	v0 =	vld [tilespmem:s2+$0x450]  }
0x231: {  	v1 =	vld [tilespmem:$0x10450];
	_ =	sdelay $0x4  }
0x232: {  	v0 =	vmul.f32 v1, v0;
	_ =	sdelay $0x1  }
0x233: {  	[tilespmem:s2+$0x450] =	vst v0;
	v0 =	vld [tilespmem:s2+$0x460]  }
0x234: {  	v1 =	vld [tilespmem:$0x10460];
	_ =	sdelay $0x4  }
0x235: {  	v0 =	vmul.f32 v1, v0;
	_ =	sdelay $0x1  }
0x236: {  	s17 =	sor.u32 $0x470, s2;
	[tilespmem:s2+$0x460] =	vst v0  }
0x237: {  	v2 =	vld.msk [tilespmem:s17+$0x0], $0x3ff  }
0x238: {  	v1 =	vld [tilespmem:$0x10460]  }
0x239: {  	v3 =	vld.msk [tilespmem:$0x10470], $0x3ff  }
.Ltmp16:
0x23a: {  	(pc) =	sbr.rel @p0 .LBB2_17-.Ltmp16, $3  }
0x23b: {  	_ =	sdelay $0x1  }
0x23c: {  	v1 =	vmul.f32 v1, v0  }
0x23d: {  	v0 =	vmul.f32 v3, v2  }
.Ltmp17:
0x23e: {  	_ = 	snop;
	(pc) =	sbr.rel .LBB2_18-.Ltmp17, $1  }
0x23f: {  	_ =	sdelay $0x3  }
.LBB2_22:
0x240: {  	_ =	sfence.sel $0x180000  }
0x241: {  	[bflag:$0x0] =	sbarrier.arrive $0xFFFF  }
0x242: {  	_ =	strace $0x9000004A  }
0x243: {  	s0 =	stileid.u32;
	[bflag:$0x2] =	sbarrier.arrive $0xFFFF  }
0x244: {  	p0 =	sne.s32 s0, $0x0;
	s0 =	rddreg [dreg:$0x2]  }
0x245: {  	s0 =	sadd.s32 @!p0 $0x100000, s0  }
0x246: {  	[sflag:s0] =	ssyncadd.tile.s32 @!p0 $0x1;
	_ =	shalt  }
.Lfunc_end2:
_tile_overlayer_lowered:
.L_overlay_start_2:
0x247: {  	(tag) =	ssettag $0x2  }
0x248: {  	s0 =	rddreg [dreg:$0x0];
	s2 =	stileid.u32  }
0x249: {  	s1 =	rddreg [dreg:$0x1];
	p0 =	sne.s32 s2, $0x0  }
0x24a: {  	s3 =	rddreg [dreg:$0x2];
	[bflag:$0x3] =	sbarrier.arrive $0xFFFF;
	s2 =	simm.s32 @!p0 $0x1C01  }
0x24b: {  	[timem:s3], [sflag:s2] =	dma.local @!p0 [hbm:s0], s1  }
0x24c: {  	s0 =	simm.s32 @!p0 $0x1  }
0x24d: {  	_ =	swait.ge @!p0 [sflag:s0], s1  }
0x24e: {  	s1 =	ssub.s32 @!p0 $0x0, s1;
	[sflag:s0] =	ssyncset.done @!p0 $0x0  }
0x24f: {  	[sflag:s0] =	ssyncadd.s32 @!p0 s1  }
0x250: {  	[bflag:$0x3] =	sbarrier.arrive $0xFFFF  }
0x251: {  	_ =	shalt  }

// kernel: sparse-core-data-format-call.1.cloned.1.call-start
scs
called_computation.1_lowered:
.L_overlay_start_0:
0x0: {  	s2 =	sld [smem:$0x3FD9]  }
0x1: {  	s3 =	sld [smem:$0x3FFE];
	_ =	sdelay $0x1  }
0x2: {  	s1 =	srdreg.scid  }
0x3: {  	s0 =	sand.u32 $0x1, s1  }
0x4: {  	s18 =	sshll.u32 s0, $0xA;
	s2 =	sadd.s32 s3, s2  }
0x5: {  	s2 =	sadd.s32 s2, s18  }
0x6: {  	[smem:$0x3FC6] =	sst s2  }
0x7: {  	_ = 	snop  }
0x8: {  	s2 =	sld [smem:$0x3FC9];
	(tm) =	ssettm $0x1  }
0x9: {  	s19 =	sld [smem:$0x3FFB];
	_ =	sdelay $0x3  }
0xa: {  	_ =	strace s19  }
0xb: {  	s3 =	sld [smem:$0x3FFC];
	_ =	sdelay $0x3  }
0xc: {  	_ =	strace s3  }
0xd: {  	s3 =	sld [smem:$0x3FFD];
	_ =	sdelay $0x3  }
0xe: {  	_ =	strace s3  }
0xf: {  	_ =	strace $0x8FFFFFFF  }
0x10: {  	s20 =	sld [smem:$0x3FDB];
	_ =	sdelay $0x1  }
0x11: {  	s4 =	simm.s32 $_scs_section_size  }
0x12: {  	s5 =	simm.s32 $_size__tile_overlayer_lowered;
	s6 =	simm.s32 $_tile_overlayer_lowered  }
0x13: {  	s23 =	simm.s32 $0x1BFF;
	s22 =	sshll.u32 s6, $0x1;
	s3 =	sadd.s32 s4, s20  }
0x14: {  	s7 =	simm.s32 $0x0;
	s21 =	sshll.u32 s5, $0x1;
	s5 =	sadd.s32 s22, s3  }
0x15: {  	[timem:s7], [sflag:s23] =	dma.local [hbm:s5], s21  }
0x16: {  	_ =	swait.ge [sflag:s23], s21  }
0x17: {  	s4 =	ssub.s32 $0x0, s21;
	[sflag:s23] =	ssyncset.done $0x0  }
0x18: {  	[sflag:s23] =	ssyncadd.s32 s4;
	_ =	sdelay $0x1  }
0x19: {  	s24 =	simm.s32 $0x1B8B  }
0x1a: {  	_ =	swait.ge [sflag:s24], $0x1  }
0x1b: {  	[sflag:s24] =	ssyncset.done $0x0  }
0x1c: {  	s26 =	simm.s32 $0x1B8E;
	s25 =	sld [smem:$0x3FFE];
	[sflag:s24] =	ssyncadd.s32 $0xFFFFFFFF  }
0x1d: {  	s27 =	simm.s32 $execute0_lowered;
	[smem:$0x3FD2] =	sst s26  }
0x1e: {  	s5 =	sshll.u32 s27, $0x1;
	_ =	strace $0x80000046;
	[dreg:$0x1] =	wrdreg $0xFFFFFFFF  }
0x1f: {  	s28 =	simm.s32 $_size_execute0_lowered;
	s3 =	sadd.s32 s3, s5;
	[dreg:$0x0] =	wrdreg $0x0  }
0x20: {  	s5 =	sshll.u32 s28, $0x1;
	[dreg:$0x2] =	wrdreg s3  }
0x21: {  	[dreg:$0x3] =	wrdreg s5  }
0x22: {  	[dreg:$0x4] =	wrdreg $0xC0  }
0x23: {  	_ =	task [dreg:s7], $0x5FFFF  }
0x24: {  	[dreg:$0x1] =	wrdreg $0xFFFFFFFF  }
0x25: {  	[dreg:$0x0] =	wrdreg $0x60  }
0x26: {  	[dreg:$0x2] =	wrdreg s2  }
0x27: {  	[dreg:$0x3] =	wrdreg s25  }
0x28: {  	[dreg:$0x4] =	wrdreg $0x9  }
0x29: {  	_ =	task.clear_ibuf [dreg:s7], $0x5FFFF;
	_ =	strace $0x90000046  }
0x2a: {  	s29 =	simm.s32 $0x9;
	_ =	strace $0x80000048  }
0x2b: {  	_ =	swait.ge [sflag:s29], $0x1  }
0x2c: {  	[sflag:s29] =	ssyncadd.s32 $0xFFFFFFFF  }
0x2d: {  	_ =	strace $0x90000048  }
0x2e: {  	_ =	sfence  }
0x2f: {  	s30 =	sld [smem:$0x0];
	_ =	sdelay $0x2  }
0x30: {  	s31 =	sshll.u32 s1, $0xD;
	s1 =	sshrl.u32 s1, $0x2  }
0x31: {  	s3 =	sand.u32 $0x4000, s31;
	s1 =	sadd.s32 s1, s30  }
0x32: {  	s0 =	sor.u32 s3, s0;
	s1 =	sshll.u32 s1, $0x11  }
0x33: {  	s0 =	sor.u32 s1, s0  }
0x34: {  	s0 =	sadd.s32 $0x8F2B, s0  }
0x35: {  	[sflag:s0] =	ssyncadd.remote.s32 $0x1  }
0x36: {  	_ =	sfence.sel $0xFFFF  }
0x37: {  	[dreg:$0x0] =	wrdreg $0xFFFFFFFF;
	(pc) =	sbr.abs _section_cstart, $3  }
0x38: {  	[dreg:$0x1] =	wrdreg $0xFFFFFFFF  }
0x39: {  	_ =	task.clear_ibuf [dreg:s7], $0x2FFFF;
	_ =	strace $0x9FFFFFFF  }
0x3a: {  	(tm) =	ssettm $0x7FFFFFFF  }
0x3b: {  	_ =	shalt  }
tec
execute0_lowered:
.L_overlay_start_1:
0x0: {  	(tag) =	ssettag $0x1  }
0x1: {  	s9 =	rddreg [dreg:$0x0]  }
0x2: {  	s1 =	rddreg [dreg:$0x1]  }
0x3: {  	s0 =	rddreg [dreg:$0x2];
	_ =	strace $0x80000047  }
0x4: {  	s3 =	srdreg.scid;
	s29 =	simm.s32 $0x2;
	s11 =	simm.s32 $0x0  }
0x5: {  	p0 =	por $0x0, $0x0;
	s15 =	simm.s32 $0x0;
	s16 =	simm.s32 $0x0  }
0x6: {  	s17 =	simm.s32 $0x0;
	s2 =	sadd.s32 $0x1000, s1;
	s1 =	stileid.u32  }
0x7: {  	s14 =	simm.s32 $0x0;
	s6 =	sshll.u32 s3, $0x7;
	s4 =	sshrl.u32 s1, $0x1  }
0x8: {  	s5 =	sshll.u32 s1, $0x3;
	s3 =	sand.u32 $0x1, s1;
	s4 =	sand.u32 $0x3, s4  }
0x9: {  	s5 =	sor.u32 s5, s6;
	s6 =	simm.s32 $0x1;
	s7 =	ssub.s32 $0x2, s3  }
0xa: {  	s13 =	smov.u32 s3;
	s5 =	sand.u32 $0xC0, s5;
	s8 =	sshrl.u32 s7, $0x1  }
.Ltmp0:
0xb: {  	s7 =	sand.u32 $0x1, s7;
	s10 =	ssub.s32 $0xFD, s4;
	(pc) =	sbr.rel .LBB1_1-.Ltmp0, $4  }
0xc: {  	[sflag:s6] =	ssyncpa.u1 $0x0;
	s7 =	sadd.s32 s7, s8;
	s28 =	sshrl.u32 s10, $0x2  }
0xd: {  	s12 =	smov.u32 s4;
	s30 =	smax.u32 s5, $0xBA;
	s7 =	smul.u32 s28, s7  }
0xe: {  	[sflag:s29] =	ssyncpa.u1 $0x0;
	s31 =	sshll.u32 s5, $0x5;
	s8 =	sshll.u32 s30, $0x8  }
0xf: {  	s9 =	sadd.s32 s9, s31;
	s8 =	sxor.u32 $0xFA00, s8;
	s10 =	sadd.s32 $0x1, s7  }
.LBB1_4:
0x10: {  	_ =	sdelay $0x3  }
0x11: {  	[tilespmem:v0+s19+$0x420 ss:$0x1] =	vst.idx.msk $0xffff, v4  }
0x12: {  	[tilespmem:v0+s19+$0x430 ss:$0x1] =	vst.idx.msk $0xffff, v7  }
0x13: {  	[tilespmem:v0+s19+$0x440 ss:$0x1] =	vst.idx.msk $0xffff, v3;
	v57 =	vld [tilespmem:s20+$0x10]  }
0x14: {  	s21 =	sadd.s32 $0x80, s21;
	[tilespmem:s22+$0x0] =	vst v5;
	v58 =	vld [tilespmem:s20+$0x20]  }
0x15: {  	s23 =	sand.u32 $0x3800, s24;
	[tilespmem:v0+s19+$0x450 ss:$0x1] =	vst.idx.msk $0xffff, v2;
	v59 =	vld [tilespmem:s20+$0x30];
	s30 =	sand.u32 $0x380, s21  }
0x16: {  	[tilespmem:v0+s19+$0x460 ss:$0x1] =	vst.idx.msk $0xffff, v1;
	v60 =	vld [tilespmem:s20+$0x40];
	s23 =	sor.u32 s30, s23  }
0x17: {  	v62 =	vld [tilespmem:s20+$0x50];
	[tilespmem:v0+s23+$0x470 ss:$0x1] =	vst.idx.msk $0xffff, v6  }
0x18: {  	v63 =	vld [tilespmem:s20+$0x60];
	[tilespmem:v0+s23+$0x410 ss:$0x1] =	vst.idx.msk $0xffff, v57  }
0x19: {  	v49 =	vld [tilespmem:s20+$0xFFFFFF90];
	[tilespmem:v0+s23+$0x420 ss:$0x1] =	vst.idx.msk $0xffff, v58  }
0x1a: {  	v50 =	vld [tilespmem:s20+$0xFFFFFFA0];
	[tilespmem:v0+s23+$0x430 ss:$0x1] =	vst.idx.msk $0xffff, v59  }
0x1b: {  	v51 =	vld [tilespmem:s20+$0xFFFFFFB0];
	s31 =	sand.u32 $0x3B00, s23;
	[tilespmem:v0+s23+$0x440 ss:$0x1] =	vst.idx.msk $0xffff, v60  }
0x1c: {  	v52 =	vld [tilespmem:s20+$0xFFFFFFC0];
	s21 =	sand.u32 $0x80, s21;
	s22 =	sadd.s32 s31, s18;
	[tilespmem:v0+s23+$0x450 ss:$0x1] =	vst.idx.msk $0xffff, v62  }
0x1d: {  	v53 =	vld [tilespmem:s20+$0xFFFFFFD0];
	s21 =	sadd.s32 s21, s22;
	[tilespmem:v0+s23+$0x460 ss:$0x1] =	vst.idx.msk $0xffff, v63  }
0x1e: {  	v54 =	vld [tilespmem:s20+$0xFFFFFFE0];
	[tilespmem:s21+$0x10] =	vst v49  }
0x1f: {  	v55 =	vld [tilespmem:s20+$0xFFFFFFF0];
	[tilespmem:s21+$0x20] =	vst v50  }
0x20: {  	v56 =	vld [tilespmem:s20+$0x0];
	[tilespmem:s21+$0x30] =	vst v51  }
0x21: {  	v61 =	vld [tilespmem:s20+$0xFFFFFF80];
	[tilespmem:s21+$0x40] =	vst v52  }
0x22: {  	s17 =	smul.u32 $0x1F4000, s17;
	[tilespmem:s21+$0x50] =	vst v53  }
0x23: {  	[tilespmem:s21+$0x60] =	vst v54  }
0x24: {  	s16 =	sshll.u32 s16, $0xD;
	s17 =	sadd.s32 s2, s17;
	[tilespmem:s21+$0x70] =	vst v55  }
0x25: {  	s15 =	sshll.u32 s15, $0x5;
	s16 =	sadd.s32 s16, s17;
	[tilespmem:s21+$0x400] =	vst v56  }
0x26: {  	s15 =	sadd.s32 s15, s16;
	[tilespmem:s21+$0x0] =	vst v61  }
0x27: {  	[hbm4b:s15+s11] =	stream.linear.scatter [tilespmem:s18], [sflag:$0x2], $0x4000, $0x38;
	[tilespmem:$0x10000] =	vst v63  }
.LBB1_5:
0x28: {  	s18 =	sadd.s32 $0x4, s12  }
0x29: {  	s16 =	sadd.s32 $0x2, s13;
	s19 =	smov.u32 s13;
	p2 =	sgt.s32 s18, $0xF9  }
0x2a: {  	s19 =	smov.u32 @p2 s16  }
0x2b: {  	s18 =	smov.u32 @p2 s4;
	p2 =	sgt.s32 s19, $0x1  }
0x2c: {  	s19 =	smov.u32 @p2 s3;
	p2 =	sne.s32 s14, s10  }
.Ltmp1:
0x2d: {  	p1 =	slt.u32 s14, $0x2;
	(pc) =	sbr.rel @!p2 .LBB1_6-.Ltmp1, $4  }
0x2e: {  	s17 =	smov.u32 s13;
	s15 =	simm.s32 @!p1 $0x2  }
0x2f: {  	p0 =	por !p0, !p0;
	_ =	swait.ge @!p1 [sflag:s15], $0x4000;
	s16 =	smov.u32 s12  }
0x30: {  	[sflag:s15] =	ssyncset.done @!p1 $0x0;
	s12 =	smov.u32 s18;
	s14 =	sadd.s32 $0x1, s14  }
0x31: {  	[sflag:s15] =	ssyncadd.s32 @!p1 $0xFFFFC000;
	s15 =	smov.u32 s5;
	s13 =	smov.u32 s19  }
.LBB1_1:
0x32: {  	p1 =	sge.u32 s14, s7  }
0x33: {  	s18 =	smov.u32 s13;
	p2 =	sgt.s32 @!p1 s13, $0x1;
	s19 =	sshra.s32 @!p1 s13, $0x1F  }
0x34: {  	s20 =	smov.u32 s12;
	p2 =	por !p2, p1;
	s19 =	sand.u32 @!p1 s19, s13  }
0x35: {  	s18 =	simm.s32 @p2 $0x1;
	p2 =	sgt.s32 @!p1 s12, $0xF9;
	s19 =	sxor.u32 @!p1 $0xFFFFFFFF, s19  }
0x36: {  	s21 =	sshra.s32 @!p1 s12, $0x1F;
	p2 =	por !p2, p1;
	s18 =	sadd.s32 @!p1 s19, s18  }
0x37: {  	s19 =	sand.u32 @!p1 s21, s12;
	s20 =	simm.s32 @p2 $0xF9;
	p2 =	sgt.s32 @!p1 s18, $0x0  }
0x38: {  	s18 =	ssub.s32 @!p1 $0x1, s18;
	s19 =	ssub.s32 @!p1 s20, s19;
	p2 =	por !p2, p1  }
0x39: {  	s20 =	sadd.s32 @!p1 $0xFFFFFF07, s19;
	s18 =	simm.s32 @!p2 $0x0  }
0x3a: {  	p2 =	sgt.s32 @!p1 s20, $0x0;
	s18 =	smul.u32 @!p1 s18, s8  }
0x3b: {  	s19 =	ssub.s32 @!p1 $0xFA, s19;
	s20 =	smul.u32 @!p1 $0x1E8480, s13;
	p2 =	por !p2, p1  }
0x3c: {  	s21 =	smul.u32 @!p1 $0x1F40, s12;
	s19 =	simm.s32 @!p2 $0x0  }
0x3d: {  	s20 =	sadd.s32 @!p1 s20, s9;
	s18 =	smul.u32 @!p1 s19, s18;
	s19 =	sxor.u32 @!p1 $0xFFFFFFFF, s14  }
0x3e: {  	s31 =	sadd.s32 $0xFFFFFFFF, s14;
	s20 =	sadd.s32 @!p1 s21, s20;
	s19 =	sshll.u32 @!p1 s19, $0xE  }
0x3f: {  	s21 =	simm.s32 @!p1 $0x0;
	s19 =	sand.u32 @!p1 $0x4000, s19;
	s18 =	sand.u32 @!p1 $0x3FFFFE00, s18  }
0x40: {  	[tilespmem:s19], [sflag:$0x1] =	stream.linear.gather @!p1 [hbm4b:s20+s21], s18, $0x38;
	[tilespmem:$0x10000] =	vst v63  }
0x41: {  	p1 =	sge.u32 s31, s7  }
.Ltmp2:
0x42: {  	_ = 	snop;
	(pc) =	sbr.rel @p1 .LBB1_5-.Ltmp2, $1  }
0x43: {  	_ =	sdelay $0x3  }
0x44: {  	s18 =	sshra.s32 s17, $0x1F  }
0x45: {  	p1 =	sgt.s32 s17, $0x1;
	s19 =	smov.u32 s17;
	s18 =	sand.u32 s18, s17  }
0x46: {  	s20 =	sshra.s32 s16, $0x1F;
	s19 =	simm.s32 @!p1 $0x1;
	s18 =	sxor.u32 $0xFFFFFFFF, s18  }
0x47: {  	s21 =	smov.u32 s15;
	p1 =	sgt.s32 s16, $0xF9;
	s18 =	sadd.s32 s18, s19  }
0x48: {  	s20 =	sand.u32 s20, s16;
	s19 =	smov.u32 s16;
	p2 =	sgt.s32 s18, $0x0  }
0x49: {  	s19 =	simm.s32 @!p1 $0xF9;
	p1 =	sgt.s32 s15, $0xBA;
	s18 =	sshll.u32 s18, $0x8  }
0x4a: {  	s19 =	ssub.s32 s19, s20;
	s21 =	simm.s32 @!p1 $0xBA;
	s18 =	ssub.s32 $0x100, s18  }
0x4b: {  	s20 =	sadd.s32 $0xFFFFFF07, s19;
	s21 =	ssub.s32 $0xFA, s21;
	s18 =	simm.s32 @p2 $0x0  }
0x4c: {  	s19 =	ssub.s32 $0xFA, s19;
	p1 =	sgt.s32 s20, $0x0;
	s18 =	smul.u32 s21, s18  }
0x4d: {  	s19 =	simm.s32 @p1 $0x0  }
0x4e: {  	s18 =	smul.u32 s19, s18;
	_ =	sdelay $0x1  }
0x4f: {  	s19 =	simm.s32 $0x1;
	s18 =	sand.u32 $0x3FFFFF00, s18  }
0x50: {  	s19 =	simm.s32 @!p0 $0x0;
	_ =	swait.ge [sflag:s6], s18  }
0x51: {  	s19 =	sshll.u32 s19, $0xE;
	s18 =	ssub.s32 $0x0, s18;
	[sflag:s6] =	ssyncset.done $0x0  }
0x52: {  	s29 =	sor.u32 $0x80, s19;
	[sflag:s6] =	ssyncadd.s32 s18  }
0x53: {  	v1 =	vld [tilespmem:s29+$0x70]  }
0x54: {  	s21 =	simm.s32 $0x0;
	v2 =	vld [tilespmem:s29+$0xFFFFFF90]  }
0x55: {  	s30 =	sshll.u32 s14, $0xE;
	s31 =	sand.u32 $0x3800, s21;
	s22 =	sand.u32 $0x380, s21;
	v3 =	vld [tilespmem:s29+$0xFFFFFFA0]  }
0x56: {  	s19 =	sor.u32 s22, s31;
	s18 =	sand.u32 $0x4000, s30;
	v4 =	vld [tilespmem:s29+$0xFFFFFFB0]  }
0x57: {  	s22 =	sand.u32 $0x3B00, s19;
	s18 =	sor.u32 $0x8000, s18;
	v5 =	vld [tilespmem:s29+$0xFFFFFFC0]  }
0x58: {  	s23 =	sand.u32 $0x80, s21;
	v6 =	vld [tilespmem:s29+$0xFFFFFFD0];
	s22 =	sadd.s32 s22, s18  }
0x59: {  	v8 =	vld [tilespmem:s29+$0xFFFFFFE0];
	v0 =	vmov s18;
	s22 =	sadd.s32 s23, s22  }
0x5a: {  	v9 =	vld [tilespmem:s29+$0x0];
	[tilespmem:s22+$0x10] =	vst v2  }
0x5b: {  	v10 =	vld [tilespmem:s29+$0x10];
	[tilespmem:s22+$0x20] =	vst v3  }
0x5c: {  	v7 =	vld [tilespmem:s29+$0x30];
	[tilespmem:s22+$0x30] =	vst v4  }
0x5d: {  	v4 =	vld [tilespmem:s29+$0x20];
	[tilespmem:s22+$0x40] =	vst v5  }
0x5e: {  	[tilespmem:v0+s19+$0x470 ss:$0x1] =	vst.idx.msk $0xffff, v1;
	v1 =	vld [tilespmem:s29+$0xFFFFFFF0]  }
0x5f: {  	[tilespmem:s22+$0x50] =	vst v6;
	v3 =	vld [tilespmem:s29+$0x40]  }
0x60: {  	[tilespmem:s22+$0x60] =	vst v8;
	v2 =	vld [tilespmem:s29+$0x50]  }
0x61: {  	s20 =	sadd.s32 $0x100, s29;
	v5 =	vld [tilespmem:s29+$0xFFFFFF80];
	[tilespmem:s22+$0x400] =	vst v9  }
0x62: {  	v6 =	vld [tilespmem:s20+$0x70];
	[tilespmem:v0+s19+$0x410 ss:$0x1] =	vst.idx.msk $0xffff, v10  }
0x63: {  	s24 =	simm.s32 $0x100;
	s23 =	simm.s32 $0x200;
	[tilespmem:s22+$0x70] =	vst v1;
	v1 =	vld [tilespmem:s29+$0x60]  }
.LBB1_3:
0x64: {  	p1 =	sne.s32 s23, $0x3F00;
	v8 =	vld [tilespmem:s20+$0xFFFFFF90];
	[tilespmem:v0+s19+$0x420 ss:$0x1] =	vst.idx.msk $0xffff, v4  }
0x65: {  	s21 =	sadd.s32 $0x80, s21;
	v4 =	vld [tilespmem:s20+$0xFFFFFFA0];
	[tilespmem:v0+s19+$0x430 ss:$0x1] =	vst.idx.msk $0xffff, v7  }
0x66: {  	s24 =	sand.u32 $0x3800, s24;
	s25 =	sand.u32 $0x380, s21;
	s26 =	sand.u32 $0x80, s21;
	v7 =	vld [tilespmem:s20+$0xFFFFFFB0];
	[tilespmem:v0+s19+$0x440 ss:$0x1] =	vst.idx.msk $0xffff, v3  }
0x67: {  	s25 =	sor.u32 s25, s24;
	s24 =	smov.u32 s23;
	v3 =	vld [tilespmem:s20+$0xFFFFFFC0];
	[tilespmem:s22+$0x0] =	vst v5  }
0x68: {  	s22 =	sand.u32 $0x3B00, s25;
	v5 =	vld [tilespmem:s20+$0xFFFFFFD0];
	[tilespmem:v0+s25+$0x470 ss:$0x1] =	vst.idx.msk $0xffff, v6  }
0x69: {  	s22 =	sadd.s32 s22, s18;
	v6 =	vld [tilespmem:s20+$0xFFFFFFE0];
	[tilespmem:v0+s19+$0x450 ss:$0x1] =	vst.idx.msk $0xffff, v2  }
0x6a: {  	s22 =	sadd.s32 s26, s22;
	v9 =	vld [tilespmem:s20+$0xFFFFFFF0];
	[tilespmem:v0+s19+$0x460 ss:$0x1] =	vst.idx.msk $0xffff, v1;
	s19 =	smov.u32 s25  }
0x6b: {  	[tilespmem:s22+$0x10] =	vst v8;
	v8 =	vld [tilespmem:s20+$0x0]  }
0x6c: {  	[tilespmem:s22+$0x20] =	vst v4;
	v10 =	vld [tilespmem:s20+$0x10]  }
0x6d: {  	[tilespmem:s22+$0x30] =	vst v7;
	v4 =	vld [tilespmem:s20+$0x20]  }
0x6e: {  	[tilespmem:s22+$0x40] =	vst v3;
	v7 =	vld [tilespmem:s20+$0x30]  }
.Ltmp3:
0x6f: {  	[tilespmem:s22+$0x50] =	vst v5;
	v3 =	vld [tilespmem:s20+$0x40];
	(pc) =	sbr.rel @p1 .LBB1_3-.Ltmp3, $4  }
0x70: {  	[tilespmem:s22+$0x60] =	vst v6;
	v2 =	vld [tilespmem:s20+$0x50]  }
0x71: {  	[tilespmem:s22+$0x70] =	vst v9;
	v1 =	vld [tilespmem:s20+$0x60]  }
0x72: {  	v5 =	vld [tilespmem:s20+$0xFFFFFF80];
	[tilespmem:s22+$0x400] =	vst v8;
	s20 =	sadd.s32 $0x100, s20  }
0x73: {  	s23 =	sadd.s32 $0x100, s23;
	v6 =	vld [tilespmem:s20+$0x70];
	[tilespmem:v0+s19+$0x410 ss:$0x1] =	vst.idx.msk $0xffff, v10  }
.Ltmp4:
0x74: {  	_ = 	snop;
	(pc) =	sbr.rel .LBB1_4-.Ltmp4, $1  }
0x75: {  	_ =	sdelay $0x3  }
.LBB1_6:
0x76: {  	_ =	sfence.sel $0x180000  }
0x77: {  	s2 =	simm.s32 $0x1;
	[bflag:$0x0] =	sbarrier.arrive $0xFFFF  }
0x78: {  	s31 =	simm.s32 $0x2;
	[sflag:s2] =	ssyncpa.u1 $0x1  }
0x79: {  	[sflag:s31] =	ssyncpa.u1 $0x1  }
0x7a: {  	p0 =	sne.s32 s1, $0x0;
	_ =	strace $0x90000047  }
0x7b: {  	s0 =	sadd.s32 @!p0 $0x100000, s0;
	[bflag:$0x2] =	sbarrier.arrive $0xFFFF  }
0x7c: {  	[sflag:s0] =	ssyncadd.tile.s32 @!p0 $0x1;
	_ =	shalt  }
.Lfunc_end1:
_tile_overlayer_lowered:
.L_overlay_start_2:
0x7d: {  	(tag) =	ssettag $0x2  }
0x7e: {  	s0 =	rddreg [dreg:$0x0];
	s2 =	stileid.u32  }
0x7f: {  	s1 =	rddreg [dreg:$0x1];
	p0 =	sne.s32 s2, $0x0  }
0x80: {  	s3 =	rddreg [dreg:$0x2];
	[bflag:$0x3] =	sbarrier.arrive $0xFFFF;
	s2 =	simm.s32 @!p0 $0x1C01  }
0x81: {  	[timem:s3], [sflag:s2] =	dma.local @!p0 [hbm:s0], s1  }
0x82: {  	s0 =	simm.s32 @!p0 $0x1  }
0x83: {  	_ =	swait.ge @!p0 [sflag:s0], s1  }
0x84: {  	s1 =	ssub.s32 @!p0 $0x0, s1;
	[sflag:s0] =	ssyncset.done @!p0 $0x0  }
0x85: {  	[sflag:s0] =	ssyncadd.s32 @!p0 s1  }
0x86: {  	[bflag:$0x3] =	sbarrier.arrive $0xFFFF  }
0x87: {  	_ =	shalt  }

// kernel: sparse-core-data-format-call.cloned.1.call-start
scs
called_computation_lowered:
.L_overlay_start_0:
0x0: {  	s2 =	sld [smem:$0x3FD9]  }
0x1: {  	s3 =	sld [smem:$0x3FFE];
	_ =	sdelay $0x1  }
0x2: {  	s1 =	srdreg.scid  }
0x3: {  	s0 =	sand.u32 $0x1, s1  }
0x4: {  	s18 =	sshll.u32 s0, $0xA;
	s2 =	sadd.s32 s3, s2  }
0x5: {  	s2 =	sadd.s32 s2, s18  }
0x6: {  	[smem:$0x3FC6] =	sst s2  }
0x7: {  	_ = 	snop  }
0x8: {  	s2 =	sld [smem:$0x3FD0];
	(tm) =	ssettm $0x1  }
0x9: {  	s19 =	sld [smem:$0x3FFB];
	_ =	sdelay $0x3  }
0xa: {  	_ =	strace s19  }
0xb: {  	s3 =	sld [smem:$0x3FFC];
	_ =	sdelay $0x3  }
0xc: {  	_ =	strace s3  }
0xd: {  	s3 =	sld [smem:$0x3FFD];
	_ =	sdelay $0x3  }
0xe: {  	_ =	strace s3  }
0xf: {  	_ =	strace $0x8FFFFFFF  }
0x10: {  	s20 =	sld [smem:$0x3FDB];
	_ =	sdelay $0x1  }
0x11: {  	s4 =	simm.s32 $_scs_section_size  }
0x12: {  	s5 =	simm.s32 $_size__tile_overlayer_lowered;
	s6 =	simm.s32 $_tile_overlayer_lowered  }
0x13: {  	s23 =	simm.s32 $0x1BFF;
	s22 =	sshll.u32 s6, $0x1;
	s3 =	sadd.s32 s4, s20  }
0x14: {  	s7 =	simm.s32 $0x0;
	s21 =	sshll.u32 s5, $0x1;
	s5 =	sadd.s32 s22, s3  }
0x15: {  	[timem:s7], [sflag:s23] =	dma.local [hbm:s5], s21  }
0x16: {  	_ =	swait.ge [sflag:s23], s21  }
0x17: {  	s4 =	ssub.s32 $0x0, s21;
	[sflag:s23] =	ssyncset.done $0x0  }
0x18: {  	[sflag:s23] =	ssyncadd.s32 s4;
	_ =	sdelay $0x1  }
0x19: {  	s24 =	simm.s32 $0x1B8B  }
0x1a: {  	_ =	swait.ge [sflag:s24], $0x1  }
0x1b: {  	[sflag:s24] =	ssyncset.done $0x0  }
0x1c: {  	s26 =	simm.s32 $0x1B8E;
	s25 =	sld [smem:$0x3FFE];
	[sflag:s24] =	ssyncadd.s32 $0xFFFFFFFF  }
0x1d: {  	s27 =	simm.s32 $execute0_lowered;
	[smem:$0x3FD2] =	sst s26  }
0x1e: {  	s5 =	sshll.u32 s27, $0x1;
	_ =	strace $0x8000004C;
	[dreg:$0x1] =	wrdreg $0xFFFFFFFF  }
0x1f: {  	s28 =	simm.s32 $_size_execute0_lowered;
	s3 =	sadd.s32 s3, s5;
	[dreg:$0x0] =	wrdreg $0x0  }
0x20: {  	s5 =	sshll.u32 s28, $0x1;
	[dreg:$0x2] =	wrdreg s3  }
0x21: {  	[dreg:$0x3] =	wrdreg s5  }
0x22: {  	[dreg:$0x4] =	wrdreg $0xC0  }
0x23: {  	_ =	task [dreg:s7], $0x5FFFF  }
0x24: {  	[dreg:$0x1] =	wrdreg $0xFFFFFFFF  }
0x25: {  	[dreg:$0x0] =	wrdreg $0x60  }
0x26: {  	[dreg:$0x2] =	wrdreg s25  }
0x27: {  	[dreg:$0x3] =	wrdreg s2  }
0x28: {  	[dreg:$0x4] =	wrdreg $0x9  }
0x29: {  	_ =	task.clear_ibuf [dreg:s7], $0x5FFFF;
	_ =	strace $0x9000004C  }
0x2a: {  	s29 =	simm.s32 $0x9;
	_ =	strace $0x8000004E  }
0x2b: {  	_ =	swait.ge [sflag:s29], $0x1  }
0x2c: {  	[sflag:s29] =	ssyncadd.s32 $0xFFFFFFFF  }
0x2d: {  	_ =	strace $0x9000004E  }
0x2e: {  	_ =	sfence  }
0x2f: {  	s30 =	sld [smem:$0x0];
	_ =	sdelay $0x2  }
0x30: {  	s31 =	sshll.u32 s1, $0xD;
	s1 =	sshrl.u32 s1, $0x2  }
0x31: {  	s3 =	sand.u32 $0x4000, s31;
	s1 =	sadd.s32 s1, s30  }
0x32: {  	s0 =	sor.u32 s3, s0;
	s1 =	sshll.u32 s1, $0x11  }
0x33: {  	s0 =	sor.u32 s1, s0  }
0x34: {  	s0 =	sadd.s32 $0x8F2B, s0  }
0x35: {  	[sflag:s0] =	ssyncadd.remote.s32 $0x1  }
0x36: {  	_ =	sfence.sel $0xFFFF  }
0x37: {  	[dreg:$0x0] =	wrdreg $0xFFFFFFFF;
	(pc) =	sbr.abs _section_cstart, $3  }
0x38: {  	[dreg:$0x1] =	wrdreg $0xFFFFFFFF  }
0x39: {  	_ =	task.clear_ibuf [dreg:s7], $0x2FFFF;
	_ =	strace $0x9FFFFFFF  }
0x3a: {  	(tm) =	ssettm $0x7FFFFFFF  }
0x3b: {  	_ =	shalt  }
tec
execute0_lowered:
.L_overlay_start_1:
0x0: {  	(tag) =	ssettag $0x1  }
0x1: {  	s8 =	rddreg [dreg:$0x0]  }
0x2: {  	s2 =	rddreg [dreg:$0x1]  }
0x3: {  	s0 =	rddreg [dreg:$0x2];
	s1 =	stileid.u32  }
0x4: {  	_ =	strace $0x8000004D;
	s3 =	srdreg.scid;
	s31 =	simm.s32 $0x2  }
0x5: {  	p0 =	por $0x0, $0x0;
	s17 =	simm.s32 $0x0;
	s18 =	simm.s32 $0x0  }
0x6: {  	s19 =	simm.s32 $0x0;
	s11 =	simm.s32 $0x0;
	s12 =	simm.s32 $0x0  }
0x7: {  	s13 =	simm.s32 $0x0;
	s16 =	simm.s32 $0x0;
	s4 =	sshll.u32 s1, $0x3  }
0x8: {  	s5 =	sshll.u32 s3, $0x7;
	s3 =	sand.u32 $0x1, s1;
	s6 =	sshrl.u32 s1, $0x1  }
0x9: {  	s5 =	sor.u32 s4, s5;
	s4 =	sand.u32 $0x3, s6;
	s30 =	ssub.s32 $0x2, s3  }
0xa: {  	s15 =	smov.u32 s3;
	s7 =	sshrl.u32 s30, $0x1;
	s6 =	sand.u32 $0x1, s30  }
.Ltmp0:
0xb: {  	s9 =	ssub.s32 $0xFD, s4;
	s5 =	sand.u32 $0xC0, s5;
	(pc) =	sbr.rel .LBB1_1-.Ltmp0, $4  }
0xc: {  	s14 =	smov.u32 s4;
	s7 =	sadd.s32 s6, s7;
	s9 =	sshrl.u32 s9, $0x2  }
0xd: {  	s10 =	sshll.u32 s5, $0x5;
	s6 =	simm.s32 $0x1;
	s7 =	smul.u32 s9, s7  }
0xe: {  	s8 =	sadd.s32 s10, s8;
	[sflag:s6] =	ssyncpa.u1 $0x0;
	s10 =	simm.s32 $0x0  }
0xf: {  	[sflag:s31] =	ssyncpa.u1 $0x0;
	s8 =	sadd.s32 $0x3E9200, s8;
	s9 =	sadd.s32 $0x1, s7  }
.LBB1_4:
0x10: {  	_ =	sdelay $0x3  }
0x11: {  	s25 =	sor.u32 s27, s26;
	v47 =	vld.idx.msk [tilespmem:v0+s22+$0x470 ss:$0x1], $0xffff  }
0x12: {  	v57 =	vld.idx.msk [tilespmem:v0+s25+$0x410 ss:$0x1], $0xffff  }
0x13: {  	v58 =	vld.idx.msk [tilespmem:v0+s25+$0x420 ss:$0x1], $0xffff  }
0x14: {  	[tilespmem:s23+$0xFFFFFFE0] =	vst v8;
	v59 =	vld.idx.msk [tilespmem:v0+s25+$0x430 ss:$0x1], $0xffff  }
0x15: {  	[tilespmem:s23+$0xFFFFFFF0] =	vst v7;
	v60 =	vld.idx.msk [tilespmem:v0+s25+$0x440 ss:$0x1], $0xffff  }
0x16: {  	[tilespmem:s23+$0x10] =	vst v1;
	s26 =	sand.u32 $0x3B00, s25;
	v61 =	vld.idx.msk [tilespmem:v0+s25+$0x450 ss:$0x1], $0xffff  }
0x17: {  	s24 =	sand.u32 $0x80, s24;
	[tilespmem:s23+$0x20] =	vst v2;
	v62 =	vld.idx.msk [tilespmem:v0+s25+$0x460 ss:$0x1], $0xffff;
	s21 =	sadd.s32 s26, s21  }
0x18: {  	[tilespmem:s23+$0x30] =	vst v3;
	v63 =	vld.idx.msk [tilespmem:v0+s25+$0x470 ss:$0x1], $0xffff;
	s21 =	sadd.s32 s24, s21  }
0x19: {  	[tilespmem:s23+$0x40] =	vst v4;
	v48 =	vld [tilespmem:s21+$0x400]  }
0x1a: {  	[tilespmem:s23+$0x50] =	vst v5;
	v49 =	vld [tilespmem:s21+$0x0]  }
0x1b: {  	[tilespmem:s23+$0x60] =	vst v6;
	v50 =	vld [tilespmem:s21+$0x10]  }
0x1c: {  	s22 =	sadd.s32 $0x100, s23;
	v51 =	vld [tilespmem:s21+$0x20];
	[tilespmem:s23+$0x70] =	vst v47  }
0x1d: {  	v52 =	vld [tilespmem:s21+$0x30];
	[tilespmem:s22+$0x10] =	vst v57  }
0x1e: {  	v53 =	vld [tilespmem:s21+$0x40];
	[tilespmem:s22+$0x20] =	vst v58  }
0x1f: {  	v54 =	vld [tilespmem:s21+$0x50];
	[tilespmem:s22+$0x30] =	vst v59  }
0x20: {  	s29 =	sshra.s32 s13, $0x1F;
	p1 =	sgt.s32 s13, $0x1;
	v55 =	vld [tilespmem:s21+$0x60];
	[tilespmem:s22+$0x40] =	vst v60  }
0x21: {  	p2 =	sgt.s32 s12, $0xF9;
	v56 =	vld [tilespmem:s21+$0x70];
	s21 =	smov.u32 s13;
	s23 =	sand.u32 s29, s13;
	[tilespmem:s22+$0x50] =	vst v61  }
0x22: {  	s30 =	sshra.s32 s12, $0x1F;
	s21 =	simm.s32 @!p1 $0x1;
	s23 =	sxor.u32 $0xFFFFFFFF, s23;
	[tilespmem:s22+$0x60] =	vst v62  }
0x23: {  	s27 =	smul.u32 $0x1E8480, s13;
	s26 =	smov.u32 s11;
	[tilespmem:s22+$0x70] =	vst v63;
	s21 =	sadd.s32 s23, s21  }
0x24: {  	s24 =	sand.u32 s30, s12;
	s23 =	smov.u32 s12;
	p1 =	sgt.s32 s21, $0x0;
	[tilespmem:s22+$0x0] =	vst v48  }
0x25: {  	s23 =	simm.s32 @!p2 $0xF9;
	p2 =	sgt.s32 s11, $0xBA;
	s21 =	sshll.u32 s21, $0x8;
	[tilespmem:s22+$0xFFFFFF80] =	vst v49  }
0x26: {  	[tilespmem:s22+$0xFFFFFF90] =	vst v50;
	s26 =	simm.s32 @!p2 $0xBA;
	s21 =	ssub.s32 $0x100, s21;
	s23 =	ssub.s32 s23, s24  }
0x27: {  	[tilespmem:s22+$0xFFFFFFA0] =	vst v51;
	s31 =	ssub.s32 $0xFA, s26;
	s21 =	simm.s32 @p1 $0x0;
	s26 =	sadd.s32 $0xFFFFFF07, s23  }
0x28: {  	[tilespmem:s22+$0xFFFFFFB0] =	vst v52;
	s23 =	ssub.s32 $0xFA, s23;
	s21 =	smul.u32 s31, s21;
	p1 =	sgt.s32 s26, $0x0  }
0x29: {  	s28 =	smul.u32 $0x1F40, s12;
	[tilespmem:s22+$0xFFFFFFC0] =	vst v53;
	s23 =	simm.s32 @p1 $0x0  }
0x2a: {  	s29 =	sadd.s32 s2, s27;
	[tilespmem:s22+$0xFFFFFFD0] =	vst v54;
	s21 =	smul.u32 s23, s21  }
0x2b: {  	s30 =	sshll.u32 s11, $0x5;
	[tilespmem:s22+$0xFFFFFFE0] =	vst v55;
	s23 =	sadd.s32 s28, s29  }
0x2c: {  	[tilespmem:s22+$0xFFFFFFF0] =	vst v56;
	s31 =	sadd.s32 s30, s23;
	s21 =	sand.u32 $0x3FFFFF00, s21  }
0x2d: {  	[hbm4b:s31+s10] =	stream.linear.scatter [tilespmem:s20], [sflag:$0x2], s21, $0x38;
	[tilespmem:$0x10000] =	vst v63  }
.LBB1_5:
0x2e: {  	p1 =	slt.u32 s16, $0x2  }
0x2f: {  	s20 =	smov.u32 s19;
	p2 =	sgt.s32 @!p1 s19, $0x1  }
0x30: {  	s21 =	sshra.s32 @!p1 s19, $0x1F;
	s22 =	sshra.s32 @!p1 s18, $0x1F;
	p3 =	sgt.s32 @!p1 s17, $0xBA  }
0x31: {  	p2 =	por !p2, p1;
	s19 =	sand.u32 @!p1 s21, s19;
	s21 =	smov.u32 s18  }
0x32: {  	p3 =	por !p3, p1;
	s20 =	simm.s32 @p2 $0x1;
	p2 =	sgt.s32 @!p1 s18, $0xF9  }
0x33: {  	s19 =	sxor.u32 @!p1 $0xFFFFFFFF, s19;
	s18 =	sand.u32 @!p1 s22, s18;
	p2 =	por !p2, p1  }
0x34: {  	s17 =	simm.s32 @p3 $0xBA;
	s19 =	sadd.s32 @!p1 s19, s20;
	s21 =	simm.s32 @p2 $0xF9  }
0x35: {  	p2 =	sgt.s32 @!p1 s19, $0x0;
	s19 =	sshll.u32 @!p1 s19, $0x8;
	s18 =	ssub.s32 @!p1 s21, s18  }
0x36: {  	s19 =	ssub.s32 @!p1 $0x100, s19;
	p2 =	por !p2, p1;
	s20 =	sadd.s32 @!p1 $0xFFFFFF07, s18  }
0x37: {  	s17 =	ssub.s32 @!p1 $0xFA, s17;
	s19 =	simm.s32 @!p2 $0x0;
	p3 =	sgt.s32 @!p1 s20, $0x0  }
0x38: {  	s18 =	ssub.s32 @!p1 $0xFA, s18;
	s17 =	smul.u32 @!p1 s17, s19;
	p2 =	por !p3, p1  }
0x39: {  	s22 =	smov.u32 s15;
	s20 =	sadd.s32 $0x4, s14;
	s18 =	simm.s32 @!p2 $0x0  }
0x3a: {  	p2 =	sgt.s32 s20, $0xF9;
	s17 =	smul.u32 @!p1 s18, s17;
	s18 =	sadd.s32 $0x2, s15  }
0x3b: {  	s24 =	sadd.s32 $0x1, s16;
	s22 =	smov.u32 @p2 s18  }
0x3c: {  	p0 =	por !p0, !p0;
	s20 =	smov.u32 @p2 s4;
	p2 =	sgt.s32 s22, $0x1  }
0x3d: {  	s21 =	simm.s32 @!p1 $0x2;
	s22 =	smov.u32 @p2 s3;
	p2 =	sne.s32 s16, s9  }
.Ltmp1:
0x3e: {  	s19 =	smov.u32 s13;
	s13 =	smov.u32 s15;
	(pc) =	sbr.rel @!p2 .LBB1_6-.Ltmp1, $4  }
0x3f: {  	s18 =	smov.u32 s12;
	s12 =	smov.u32 s14;
	s17 =	sand.u32 @!p1 $0x3FFFFF00, s17  }
0x40: {  	s14 =	smov.u32 s20;
	_ =	swait.ge @!p1 [sflag:s21], s17;
	s23 =	ssub.s32 @!p1 $0x0, s17  }
0x41: {  	s17 =	smov.u32 s11;
	s11 =	smov.u32 s5;
	[sflag:s21] =	ssyncset.done @!p1 $0x0  }
0x42: {  	s16 =	smov.u32 s24;
	s15 =	smov.u32 s22;
	[sflag:s21] =	ssyncadd.s32 @!p1 s23  }
.LBB1_1:
0x43: {  	p1 =	sge.u32 s16, s7  }
0x44: {  	s20 =	smul.u32 @!p1 $0x1F4000, s15  }
0x45: {  	s31 =	sadd.s32 $0xFFFFFFFF, s16;
	s21 =	sxor.u32 @!p1 $0xFFFFFFFF, s16  }
0x46: {  	s22 =	sshll.u32 @!p1 s14, $0xD;
	s21 =	sshll.u32 @!p1 s21, $0xE;
	s20 =	sadd.s32 @!p1 s20, s8  }
0x47: {  	s21 =	sand.u32 @!p1 $0x4000, s21;
	s20 =	sadd.s32 @!p1 s22, s20;
	s22 =	simm.s32 @!p1 $0x0  }
0x48: {  	[tilespmem:s21], [sflag:$0x1] =	stream.linear.gather @!p1 [hbm4b:s20+s22], $0x4000, $0x38;
	[tilespmem:$0x10000] =	vst v63  }
0x49: {  	p1 =	sge.u32 s31, s7  }
.Ltmp2:
0x4a: {  	_ = 	snop;
	(pc) =	sbr.rel @p1 .LBB1_5-.Ltmp2, $1  }
0x4b: {  	_ =	sdelay $0x3  }
0x4c: {  	s31 =	simm.s32 $0x0  }
0x4d: {  	s22 =	sand.u32 $0x3800, s31;
	s23 =	sand.u32 $0x380, s31  }
0x4e: {  	s20 =	sshll.u32 s16, $0xE;
	s22 =	sor.u32 s23, s22  }
0x4f: {  	_ =	swait.ge [sflag:s6], $0x4000;
	s21 =	sand.u32 $0x4000, s20;
	s23 =	sand.u32 $0x3B00, s22  }
0x50: {  	[sflag:s6] =	ssyncset.done $0x0;
	s20 =	sand.u32 $0x80, s31;
	s23 =	sadd.s32 s23, s21  }
0x51: {  	[sflag:s6] =	ssyncadd.s32 $0xFFFFC000;
	s20 =	sadd.s32 s20, s23  }
0x52: {  	v4 =	vld [tilespmem:s20+$0x400]  }
0x53: {  	v5 =	vld [tilespmem:s20+$0x0]  }
0x54: {  	v6 =	vld [tilespmem:s20+$0x10]  }
0x55: {  	v0 =	vmov s21;
	v7 =	vld [tilespmem:s20+$0x20]  }
0x56: {  	s23 =	simm.s32 $0x1;
	v9 =	vld [tilespmem:s20+$0x30]  }
0x57: {  	s23 =	simm.s32 @!p0 $0x0;
	v10 =	vld [tilespmem:s20+$0x40]  }
0x58: {  	v11 =	vld [tilespmem:s20+$0x50];
	s23 =	sshll.u32 s23, $0xE  }
0x59: {  	v8 =	vld [tilespmem:s20+$0x60];
	s23 =	sor.u32 $0x8080, s23  }
0x5a: {  	v1 =	vld.idx.msk [tilespmem:v0+s22+$0x410 ss:$0x1], $0xffff;
	[tilespmem:s23+$0x0] =	vst v4  }
0x5b: {  	v2 =	vld.idx.msk [tilespmem:v0+s22+$0x420 ss:$0x1], $0xffff;
	[tilespmem:s23+$0xFFFFFF80] =	vst v5  }
0x5c: {  	v3 =	vld.idx.msk [tilespmem:v0+s22+$0x430 ss:$0x1], $0xffff;
	[tilespmem:s23+$0xFFFFFF90] =	vst v6  }
0x5d: {  	[tilespmem:s23+$0xFFFFFFA0] =	vst v7;
	v7 =	vld [tilespmem:s20+$0x70]  }
0x5e: {  	s25 =	simm.s32 $0x100;
	[tilespmem:s23+$0xFFFFFFB0] =	vst v9;
	v4 =	vld.idx.msk [tilespmem:v0+s22+$0x440 ss:$0x1], $0xffff  }
0x5f: {  	s24 =	simm.s32 $0x80;
	s26 =	sand.u32 $0x3800, s25;
	[tilespmem:s23+$0xFFFFFFC0] =	vst v10;
	v5 =	vld.idx.msk [tilespmem:v0+s22+$0x450 ss:$0x1], $0xffff  }
0x60: {  	s27 =	sand.u32 $0x380, s24;
	s25 =	simm.s32 $0x200;
	s20 =	sor.u32 $0x8000, s21;
	[tilespmem:s23+$0xFFFFFFD0] =	vst v11;
	v6 =	vld.idx.msk [tilespmem:v0+s22+$0x460 ss:$0x1], $0xffff  }
.LBB1_3:
0x61: {  	p1 =	sne.s32 s25, $0x3F00;
	[tilespmem:s23+$0xFFFFFFE0] =	vst v8;
	v8 =	vld.idx.msk [tilespmem:v0+s22+$0x470 ss:$0x1], $0xffff;
	s22 =	sor.u32 s27, s26  }
0x62: {  	s26 =	sand.u32 $0x3B00, s22;
	v9 =	vld.idx.msk [tilespmem:v0+s22+$0x410 ss:$0x1], $0xffff;
	[tilespmem:s23+$0xFFFFFFF0] =	vst v7  }
0x63: {  	s27 =	sand.u32 $0x80, s24;
	s26 =	sadd.s32 s26, s21;
	v7 =	vld.idx.msk [tilespmem:v0+s22+$0x420 ss:$0x1], $0xffff;
	[tilespmem:s23+$0x10] =	vst v1  }
0x64: {  	s26 =	sadd.s32 s27, s26;
	v10 =	vld.idx.msk [tilespmem:v0+s22+$0x430 ss:$0x1], $0xffff;
	[tilespmem:s23+$0x20] =	vst v2  }
0x65: {  	v11 =	vld [tilespmem:s26+$0x400];
	[tilespmem:s23+$0x30] =	vst v3  }
0x66: {  	v12 =	vld [tilespmem:s26+$0x0];
	[tilespmem:s23+$0x40] =	vst v4  }
0x67: {  	v4 =	vld [tilespmem:s26+$0x10];
	[tilespmem:s23+$0x50] =	vst v5  }
0x68: {  	v1 =	vmov v9;
	v5 =	vld [tilespmem:s26+$0x20];
	[tilespmem:s23+$0x60] =	vst v6  }
0x69: {  	v2 =	vmov v7;
	v6 =	vld [tilespmem:s26+$0x30];
	[tilespmem:s23+$0x70] =	vst v8;
	s23 =	sadd.s32 $0x100, s23  }
0x6a: {  	v3 =	vmov v10;
	v9 =	vld [tilespmem:s26+$0x40];
	[tilespmem:s23+$0x0] =	vst v11  }
0x6b: {  	[tilespmem:s23+$0xFFFFFF80] =	vst v12;
	v10 =	vld [tilespmem:s26+$0x50]  }
.Ltmp3:
0x6c: {  	[tilespmem:s23+$0xFFFFFF90] =	vst v4;
	v8 =	vld [tilespmem:s26+$0x60];
	(pc) =	sbr.rel @p1 .LBB1_3-.Ltmp3, $4  }
0x6d: {  	[tilespmem:s23+$0xFFFFFFA0] =	vst v5;
	v7 =	vld [tilespmem:s26+$0x70]  }
0x6e: {  	[tilespmem:s23+$0xFFFFFFB0] =	vst v6;
	v4 =	vld.idx.msk [tilespmem:v0+s22+$0x440 ss:$0x1], $0xffff  }
0x6f: {  	s24 =	sadd.s32 $0x80, s24;
	[tilespmem:s23+$0xFFFFFFC0] =	vst v9;
	v5 =	vld.idx.msk [tilespmem:v0+s22+$0x450 ss:$0x1], $0xffff  }
0x70: {  	s27 =	sand.u32 $0x380, s24;
	s26 =	sand.u32 $0x3800, s25;
	s25 =	sadd.s32 $0x100, s25;
	[tilespmem:s23+$0xFFFFFFD0] =	vst v10;
	v6 =	vld.idx.msk [tilespmem:v0+s22+$0x460 ss:$0x1], $0xffff  }
.Ltmp4:
0x71: {  	_ = 	snop;
	(pc) =	sbr.rel .LBB1_4-.Ltmp4, $1  }
0x72: {  	_ =	sdelay $0x3  }
.LBB1_6:
0x73: {  	_ =	sfence.sel $0x180000  }
0x74: {  	s2 =	simm.s32 $0x1;
	[bflag:$0x0] =	sbarrier.arrive $0xFFFF  }
0x75: {  	s31 =	simm.s32 $0x2;
	[sflag:s2] =	ssyncpa.u1 $0x1  }
0x76: {  	[sflag:s31] =	ssyncpa.u1 $0x1  }
0x77: {  	p0 =	sne.s32 s1, $0x0;
	_ =	strace $0x9000004D  }
0x78: {  	s0 =	sadd.s32 @!p0 $0x100000, s0;
	[bflag:$0x2] =	sbarrier.arrive $0xFFFF  }
0x79: {  	[sflag:s0] =	ssyncadd.tile.s32 @!p0 $0x1;
	_ =	shalt  }
.Lfunc_end1:
_tile_overlayer_lowered:
.L_overlay_start_2:
0x7a: {  	(tag) =	ssettag $0x2  }
0x7b: {  	s0 =	rddreg [dreg:$0x0];
	s2 =	stileid.u32  }
0x7c: {  	s1 =	rddreg [dreg:$0x1];
	p0 =	sne.s32 s2, $0x0  }
0x7d: {  	s3 =	rddreg [dreg:$0x2];
	[bflag:$0x3] =	sbarrier.arrive $0xFFFF;
	s2 =	simm.s32 @!p0 $0x1C01  }
0x7e: {  	[timem:s3], [sflag:s2] =	dma.local @!p0 [hbm:s0], s1  }
0x7f: {  	s0 =	simm.s32 @!p0 $0x1  }
0x80: {  	_ =	swait.ge @!p0 [sflag:s0], s1  }
0x81: {  	s1 =	ssub.s32 @!p0 $0x0, s1;
	[sflag:s0] =	ssyncset.done @!p0 $0x0  }
0x82: {  	[sflag:s0] =	ssyncadd.s32 @!p0 s1  }
0x83: {  	[bflag:$0x3] =	sbarrier.arrive $0xFFFF  }
0x84: {  	_ =	shalt  }

</sc_bundles>
